<compile_context>
chip_gen: v7x
topology: tpu7x:2x2x1
jax: 0.10.2.dev20260603
libtpu: 0.0.44.dev20260713+nightly
codegen_flags: <defaults>
</compile_context>

<pallas_src>
import functools

import jax
import jax.numpy as jnp
import numpy as np
from jax import lax
from jax.experimental import pallas as pl
from jax.experimental.pallas import tpu as pltpu
from jax.experimental.pallas import tpu_sc as plsc

N = 65536
F = 256
Q = 100

NC, NS = 2, 16
NW = NC * NS
CPT = F // NW
LANES = 16

K = 4096
S = 32
CH = 4096
NCHUNK = N // CH
UNR = 8
HKW = CPT * K
SIDN = CPT * Q
SUBW = SIDN * S
BIGW = max(2 * HKW, HKW + 2 * SUBW)

_ROWS_PER_BLOCK = 1024
_MM_ROWS = 2048


def _sc_body(xt, mnmx, out, buf, big, recs, mm, bnd, sem):
    wid = lax.axis_index("s") * NC + lax.axis_index("c")
    row0 = wid * CPT
    iota = lax.iota(jnp.int32, LANES)
    col16 = jnp.bitwise_and(iota, CPT - 1)
    slot16 = lax.shift_right_logical(iota, 3)
    ones_i = jnp.ones((LANES,), jnp.int32)
    zeros_i = jnp.zeros((LANES,), jnp.int32)
    lane0 = iota == 0

    def sload(ref, idx):
        return ref[pl.ds(idx, LANES)][0]

    def sstore(ref, idx, val):
        plsc.store_scatter(
            ref,
            [jnp.broadcast_to(idx, (LANES,))],
            jnp.broadcast_to(val, (LANES,)),
            mask=lane0,
        )

    def load_chunk(cc):
        cps = [
            pltpu.async_copy(
                xt.at[pl.ds((row0 + r) * N + cc * CH, CH)],
                buf.at[pl.ds(r * CH, CH)],
                sem,
            )
            for r in range(CPT)
        ]
        for cp in cps:
            cp.wait()

    pltpu.sync_copy(mnmx.at[pl.ds(row0, CPT)], mm.at[pl.ds(0, CPT)])
    pltpu.sync_copy(mnmx.at[pl.ds(F + row0, CPT)], mm.at[pl.ds(CPT, CPT)])
    cmin = plsc.load_gather(mm, [col16])
    cmax = plsc.load_gather(mm, [col16 + CPT])
    w = jnp.maximum(cmax - cmin, jnp.float32(1e-30))
    invw = jnp.float32(K) / w
    wb = w * jnp.float32(1.0 / K)
    invw2 = invw * jnp.float32(S)
    mm[pl.ds(16, 16)] = cmin
    mm[pl.ds(32, 16)] = wb

    def zero_region(base, nwords, fill):
        def z(i, _):
            big[pl.ds(base + i * 16, 16)] = fill
            return 0

        lax.fori_loop(0, nwords // 16, z, 0)

    zero_region(0, 2 * HKW, zeros_i)
    histbase = slot16 * HKW + col16 * K
    bufbase = col16 * CH + slot16

    def h_chunk(cc, _):
        load_chunk(cc)

        @plsc.parallel_loop(0, CH // 2, unroll=UNR)
        def _h_it(p):
            v = plsc.load_gather(buf, [bufbase + p * 2])
            bi = jnp.minimum(((v - cmin) * invw).astype(jnp.int32), K - 1)
            plsc.addupdate_scatter(big, [histbase + bi], ones_i)

        return 0

    lax.fori_loop(0, NCHUNK, h_chunk, 0)

    def mrg1(i, _):
        big[pl.ds(i * 16, 16)] = big[pl.ds(i * 16, 16)] + big[pl.ds(HKW + i * 16, 16)]
        return 0

    lax.fori_loop(0, HKW // 16, mrg1, 0)

    @plsc.parallel_loop(0, HKW // 16, unroll=4)
    def _cs(i):
        sstore(big, HKW + i, jnp.sum(big[pl.ds(i * 16, 16)]))

    def cdf_col(c, _):
        csbase = HKW + c * (K // 16)

        def cdf_t(t, carry):
            ccp, cumc, hc = carry
            rt = (t * (N - 1)) // (Q - 1)

            def c_cond(st):
                c2, cm2, h2 = st
                return cm2 + h2 <= rt

            def c_body(st):
                c2, cm2, h2 = st
                return c2 + 1, cm2 + h2, sload(big, csbase + c2 + 1)

            ccp, cumc, hc = lax.while_loop(c_cond, c_body, (ccp, cumc, hc))
            fb = c * K + ccp * 16

            def f_cond(st):
                b2, cm2, h2 = st
                return cm2 + h2 <= rt

            def f_body(st):
                b2, cm2, h2 = st
                return b2 + 1, cm2 + h2, sload(big, fb + b2 + 1)

            bptr, cumf, _ = lax.while_loop(
                f_cond, f_body, (jnp.int32(0), cumc, sload(big, fb))
            )
            sstore(recs, c * Q + t, ccp * 16 + bptr)
            sstore(recs, SIDN + c * Q + t, rt - cumf)
            return ccp, cumc, hc

        h0 = sload(big, csbase)
        lax.fori_loop(0, Q, cdf_t, (jnp.int32(0), jnp.int32(0), h0))
        return 0

    lax.fori_loop(0, CPT, cdf_col, 0)

    neg16 = jnp.full((LANES,), -1, jnp.int32)
    zero_region(0, HKW, neg16)
    zero_region(HKW, 2 * SUBW, zeros_i)

    def bld_c(c, _):
        def bld_t(t, __):
            addr = c * K + sload(recs, c * Q + t)
            cur = sload(big, addr)
            sstore(big, addr, jnp.where(cur < 0, c * Q + t, cur))
            return 0

        lax.fori_loop(0, Q, bld_t, 0)
        return 0

    lax.fori_loop(0, CPT, bld_c, 0)

    colK = col16 * K
    sub_base = HKW + slot16 * SUBW

    def s_chunk(cc, _):
        load_chunk(cc)

        @plsc.parallel_loop(0, CH // 2, unroll=UNR)
        def _s_it(p):
            v = plsc.load_gather(buf, [bufbase + p * 2])
            bi = jnp.minimum(((v - cmin) * invw).astype(jnp.int32), K - 1)
            sid = plsc.load_gather(big, [colK + bi])
            msk = sid >= 0
            sidc = jnp.maximum(sid, 0)
            lo1 = cmin + bi.astype(jnp.float32) * wb
            sub = jnp.clip(((v - lo1) * invw2).astype(jnp.int32), 0, S - 1)
            plsc.addupdate_scatter(big, [sub_base + sidc * S + sub], ones_i, mask=msk)

        return 0

    lax.fori_loop(0, NCHUNK, s_chunk, 0)

    def mrg2(i, _):
        big[pl.ds(HKW + i * 16, 16)] = (
            big[pl.ds(HKW + i * 16, 16)] + big[pl.ds(HKW + SUBW + i * 16, 16)]
        )
        return 0

    lax.fori_loop(0, SUBW // 16, mrg2, 0)

    def fin_c(c, _):
        mn_c = sload(mm, 16 + c)
        wb_c = sload(mm, 32 + c)
        wb32_c = wb_c * jnp.float32(1.0 / S)

        def fin_t(t, __):
            bkt = sload(recs, c * Q + t)
            j = sload(recs, SIDN + c * Q + t)
            sid = sload(big, c * K + bkt)
            sb = HKW + sid * S
            p0 = plsc.cumsum(big[pl.ds(sb, 16)])
            p1 = plsc.cumsum(big[pl.ds(sb + 16, 16)]) + p0[15]
            c0 = plsc.all_reduce_population_count(p0 <= j)[0]
            c1 = plsc.all_reduce_population_count(p1 <= j)[0]
            sptr = c0 + c1
            e = mn_c + bkt.astype(jnp.float32) * wb_c + sptr.astype(jnp.float32) * wb32_c
            sstore(bnd, c * Q + t, e)
            return 0

        lax.fori_loop(0, Q, fin_t, 0)
        return 0

    lax.fori_loop(0, CPT, fin_c, 0)

    pltpu.sync_copy(bnd, out.at[pl.ds(row0 * Q, CPT * Q)])


_sc_select = functools.partial(
    pl.kernel,
    out_type=jax.ShapeDtypeStruct((F * Q,), jnp.float32),
    mesh=plsc.VectorSubcoreMesh(
        core_axis_name="c", subcore_axis_name="s", num_cores=NC, num_subcores=NS
    ),
    compiler_params=pltpu.CompilerParams(needs_layout_passes=False),
    scratch_types=[
        pltpu.VMEM((CPT * CH,), jnp.float32),
        pltpu.VMEM((BIGW + LANES,), jnp.int32),
        pltpu.VMEM((2 * SIDN + LANES,), jnp.int32),
        pltpu.VMEM((80,), jnp.float32),
        pltpu.VMEM((SIDN,), jnp.float32),
        pltpu.SemaphoreType.DMA,
    ],
)(_sc_body)


def _mm_body(x_ref, o_ref):
    i = pl.program_id(0)
    xb = x_ref[...]
    mn = jnp.min(xb, axis=0)
    mx = jnp.max(xb, axis=0)

    @pl.when(i == 0)
    def _init():
        o_ref[0, :] = mn
        o_ref[8, :] = mx

    @pl.when(i > 0)
    def _acc():
        o_ref[0, :] = jnp.minimum(o_ref[0, :], mn)
        o_ref[8, :] = jnp.maximum(o_ref[8, :], mx)


def _col_minmax(x):
    out = pl.pallas_call(
        _mm_body,
        grid=(N // _MM_ROWS,),
        in_specs=[pl.BlockSpec((_MM_ROWS, F), lambda i: (i, 0))],
        out_specs=pl.BlockSpec((16, F), lambda i: (0, 0)),
        out_shape=jax.ShapeDtypeStruct((16, F), jnp.float32),
    )(x)
    return jnp.concatenate([out[0], out[8]])


def _bin_body(b_ref, x_ref, o_ref):
    x = x_ref[...]
    acc = jnp.zeros_like(x)
    for i in range(Q):
        acc = acc + jnp.where(b_ref[i, :][None, :] < x, 1.0, 0.0).astype(jnp.float32)
    o_ref[...] = acc / jnp.float32(Q)


def _bin_count(boundaries, x):
    grid = (N // _ROWS_PER_BLOCK,)
    return pl.pallas_call(
        _bin_body,
        grid=grid,
        in_specs=[
            pl.BlockSpec((Q, F), lambda i: (0, 0)),
            pl.BlockSpec((_ROWS_PER_BLOCK, F), lambda i: (i, 0)),
        ],
        out_specs=pl.BlockSpec((_ROWS_PER_BLOCK, F), lambda i: (i, 0)),
        out_shape=jax.ShapeDtypeStruct((N, F), jnp.float32),
    )(boundaries, x)


def kernel(x):
    xt = x.T.reshape(-1)
    mnmx = _col_minmax(x)
    bnd = _sc_select(xt, mnmx).reshape(F, Q)
    return _bin_count(bnd.T, x)

# --- scband reference (transcript-rebuilt; emitter-appended) ---
"""Pipeline reference for scband-lazy-quantile-norm-73083163509280 (READ-ONLY COPY).

The authoritative reference and input builder live on the scoring server;
editing this copy changes nothing except your own understanding.
"""

import jax, jax.numpy as jnp
import numpy as np

N = 65536
F = 256
Q = 100


def setup_inputs(seed: int = 0) -> dict:
    key = jax.random.key(seed)
    x = jax.random.normal(key, (N, F), dtype=jnp.float32)
    return {"x": x}


def reference(x):
    # Fresh module, first forward: boundaries is None, so compute them
    # from the batch via torch.quantile(x, quantiles, dim=0).transpose(0, 1).
    quantiles = jnp.arange(Q, dtype=jnp.float32) / (Q - 1)
    n_quantiles = jnp.float32(Q)
    # jnp.quantile(x, q, axis=0) -> [Q, F]; transpose -> [F, Q] (sorted along axis 1)
    boundaries = jnp.quantile(x.astype(jnp.float32), quantiles, axis=0).T
    boundaries = boundaries.astype(x.dtype)
    # torch.searchsorted(boundaries [F,Q], x.T [F,N]) -> per-row 1D searchsorted (side='left')
    xq = jax.vmap(lambda b, col: jnp.searchsorted(b, col, side='left'))(boundaries, x.T)
    xq = xq.T  # [N, F]
    # scale=True: divide by n_quantiles
    xq = xq.astype(jnp.float32) / n_quantiles
    return xq

if __name__ == "__main__":
    import jax
    _d = setup_inputs()
    print(jax.jit(kernel)(*tuple(_d.values())))

</pallas_src>

<mosaic_0001>
#map = affine_map<(d0, d1) -> (0)>
module attributes {stable_mosaic.version = 14 : i64} {
  func.func @_sc_body(%arg0: i32, %arg1: i32, %arg2: memref<16777216xf32, #tpu.memory_space<hbm>>, %arg3: memref<512xf32, #tpu.memory_space<hbm>>, %arg4: memref<25600xf32, #tpu.memory_space<hbm>>, %arg5: memref<32768xf32, #tpu.memory_space<vmem>>, %arg6: memref<83984xi32, #tpu.memory_space<vmem>>, %arg7: memref<1616xi32, #tpu.memory_space<vmem>>, %arg8: memref<80xf32, #tpu.memory_space<vmem>>, %arg9: memref<800xf32, #tpu.memory_space<vmem>>, %arg10: memref<!tpu.dma_semaphore, #tpu.memory_space<semaphore_mem>>) attributes {dimension_semantics = [#tpu.dimension_semantics<core_parallel>, #tpu.dimension_semantics<subcore_parallel>], iteration_bounds = array<i64: 2, 16>, scalar_prefetch = 0 : i64, scratch_operands = 6 : i64, tpu.core_type = #tpu.core_type<sc_vector_subcore>, window_params = [{transform_indices = #map}, {transform_indices = #map}, {transform_indices = #map}]} {
    %mul3A = arith.constant 2 : i32
    %mul3A_0 = arith.muli %arg1, %mul3A : i32
    %add3A = arith.addi %mul3A_0, %arg0 : i32
    %mul3A_1 = arith.constant 8 : i32
    %mul3A_2 = arith.muli %add3A, %mul3A_1 : i32
    %iota3A = tpu.iota {dimensions = array<i32: 0>} : vector<16xi32>
    %and3A = arith.constant 7 : i32
    %and3A_3 = vector.broadcast %and3A : i32 to vector<16xi32>
    %and3A_4 = arith.andi %iota3A, %and3A_3 : vector<16xi32>
    %shift_right_logical3A = arith.constant 3 : i32
    %shift_right_logical3A_5 = vector.broadcast %shift_right_logical3A : i32 to vector<16xi32>
    %shift_right_logical3A_6 = arith.shrui %iota3A, %shift_right_logical3A_5 : vector<16xi32>
    %broadcast_in_dim3A = arith.constant 1 : i32
    %broadcast_in_dim3A_7 = vector.broadcast %broadcast_in_dim3A : i32 to vector<16xi32>
    %broadcast_in_dim3A_8 = arith.constant 0 : i32
    %broadcast_in_dim3A_9 = vector.broadcast %broadcast_in_dim3A_8 : i32 to vector<16xi32>
    %eq3A = arith.constant 0 : i32
    %eq3A_10 = vector.broadcast %eq3A : i32 to vector<16xi32>
    %eq3A_11 = arith.cmpi eq, %iota3A, %eq3A_10 : vector<16xi32>
    "tpu.region"() ({
      %run_scoped3A = tpu.sem_alloc : memref<!tpu.dma_semaphore, #tpu.memory_space<semaphore_mem>>
      %dma_start3A = arith.constant 0 : i32
      %dma_start3A_126 = tpu.memref_slice %arg8[%dma_start3A] : memref<80xf32, #tpu.memory_space<vmem>> -> memref<8xf32, #tpu.memory_space<vmem>>
      %dma_start3A_127 = tpu.memref_slice %arg3[%mul3A_2] : memref<512xf32, #tpu.memory_space<hbm>> -> memref<8xf32, #tpu.memory_space<hbm>>
      %dma_start3A_128 = arith.constant 0 : i32
      %dma_start3A_129 = tpu.memref_slice %arg8[%dma_start3A_128] : memref<80xf32, #tpu.memory_space<vmem>> -> memref<8xf32, #tpu.memory_space<vmem>>
      %dma_start3A_130 = tpu.memref_slice %arg3[%mul3A_2] : memref<512xf32, #tpu.memory_space<hbm>> -> memref<8xf32, #tpu.memory_space<hbm>>
      tpu.enqueue_dma source(%dma_start3A_130 : memref<8xf32, #tpu.memory_space<hbm>>) target(%dma_start3A_129 : memref<8xf32, #tpu.memory_space<vmem>>) target_semaphore(%run_scoped3A : memref<!tpu.dma_semaphore, #tpu.memory_space<semaphore_mem>>)
      %dma_wait3A = arith.constant 0 : i32
      %dma_wait3A_131 = tpu.memref_slice %arg8[%dma_wait3A] : memref<80xf32, #tpu.memory_space<vmem>> -> memref<8xf32, #tpu.memory_space<vmem>>
      %dma_wait3A_132 = tpu.memref_slice %arg3[%mul3A_2] : memref<512xf32, #tpu.memory_space<hbm>> -> memref<8xf32, #tpu.memory_space<hbm>>
      %dma_wait3A_133 = arith.constant 0 : i32
      %dma_wait3A_134 = tpu.memref_slice %arg8[%dma_wait3A_133] : memref<80xf32, #tpu.memory_space<vmem>> -> memref<8xf32, #tpu.memory_space<vmem>>
      %dma_wait3A_135 = tpu.memref_slice %arg3[%mul3A_2] : memref<512xf32, #tpu.memory_space<hbm>> -> memref<8xf32, #tpu.memory_space<hbm>>
      tpu.wait_dma2 semaphore(%run_scoped3A : memref<!tpu.dma_semaphore, #tpu.memory_space<semaphore_mem>>) src(%dma_wait3A_135 : memref<8xf32, #tpu.memory_space<hbm>>) dst(%dma_wait3A_134 : memref<8xf32, #tpu.memory_space<vmem>>)
      tpu.yield
    }) : () -> ()
    %add3A_12 = arith.constant 256 : i32
    %add3A_13 = arith.addi %add3A_12, %mul3A_2 : i32
    "tpu.region"() ({
      %run_scoped3A = tpu.sem_alloc : memref<!tpu.dma_semaphore, #tpu.memory_space<semaphore_mem>>
      %dma_start3A = arith.constant 8 : i32
      %dma_start3A_126 = tpu.memref_slice %arg8[%dma_start3A] : memref<80xf32, #tpu.memory_space<vmem>> -> memref<8xf32, #tpu.memory_space<vmem>>
      %dma_start3A_127 = tpu.memref_slice %arg3[%add3A_13] : memref<512xf32, #tpu.memory_space<hbm>> -> memref<8xf32, #tpu.memory_space<hbm>>
      %dma_start3A_128 = arith.constant 8 : i32
      %dma_start3A_129 = tpu.memref_slice %arg8[%dma_start3A_128] : memref<80xf32, #tpu.memory_space<vmem>> -> memref<8xf32, #tpu.memory_space<vmem>>
      %dma_start3A_130 = tpu.memref_slice %arg3[%add3A_13] : memref<512xf32, #tpu.memory_space<hbm>> -> memref<8xf32, #tpu.memory_space<hbm>>
      tpu.enqueue_dma source(%dma_start3A_130 : memref<8xf32, #tpu.memory_space<hbm>>) target(%dma_start3A_129 : memref<8xf32, #tpu.memory_space<vmem>>) target_semaphore(%run_scoped3A : memref<!tpu.dma_semaphore, #tpu.memory_space<semaphore_mem>>)
      %dma_wait3A = arith.constant 8 : i32
      %dma_wait3A_131 = tpu.memref_slice %arg8[%dma_wait3A] : memref<80xf32, #tpu.memory_space<vmem>> -> memref<8xf32, #tpu.memory_space<vmem>>
      %dma_wait3A_132 = tpu.memref_slice %arg3[%add3A_13] : memref<512xf32, #tpu.memory_space<hbm>> -> memref<8xf32, #tpu.memory_space<hbm>>
      %dma_wait3A_133 = arith.constant 8 : i32
      %dma_wait3A_134 = tpu.memref_slice %arg8[%dma_wait3A_133] : memref<80xf32, #tpu.memory_space<vmem>> -> memref<8xf32, #tpu.memory_space<vmem>>
      %dma_wait3A_135 = tpu.memref_slice %arg3[%add3A_13] : memref<512xf32, #tpu.memory_space<hbm>> -> memref<8xf32, #tpu.memory_space<hbm>>
      tpu.wait_dma2 semaphore(%run_scoped3A : memref<!tpu.dma_semaphore, #tpu.memory_space<semaphore_mem>>) src(%dma_wait3A_135 : memref<8xf32, #tpu.memory_space<hbm>>) dst(%dma_wait3A_134 : memref<8xf32, #tpu.memory_space<vmem>>)
      tpu.yield
    }) : () -> ()
    %gather3A = tpu.vector_load_idx %arg8[%and3A_4] : memref<80xf32, #tpu.memory_space<vmem>>[vector<16xi32>], vector<16xf32>,
    %add3A_14 = arith.constant 8 : i32
    %add3A_15 = vector.broadcast %add3A_14 : i32 to vector<16xi32>
    %add3A_16 = arith.addi %and3A_4, %add3A_15 : vector<16xi32>
    %gather3A_17 = tpu.vector_load_idx %arg8[%add3A_16] : memref<80xf32, #tpu.memory_space<vmem>>[vector<16xi32>], vector<16xf32>,
    %sub3A = arith.subf %gather3A_17, %gather3A : vector<16xf32>
    %max3A = arith.constant 1.000000e-30 : f32
    %max3A_18 = vector.broadcast %max3A : f32 to vector<16xf32>
    %max3A_19 = arith.maximumf %sub3A, %max3A_18 : vector<16xf32>
    %div3A = arith.constant 4.096000e+03 : f32
    %div3A_20 = vector.broadcast %div3A : f32 to vector<16xf32>
    %div3A_21 = arith.divf %div3A_20, %max3A_19 : vector<16xf32>
    %mul3A_22 = arith.constant 2.44140625E-4 : f32
    %mul3A_23 = vector.broadcast %mul3A_22 : f32 to vector<16xf32>
    %mul3A_24 = arith.mulf %max3A_19, %mul3A_23 : vector<16xf32>
    %mul3A_25 = arith.constant 3.200000e+01 : f32
    %mul3A_26 = vector.broadcast %mul3A_25 : f32 to vector<16xf32>
    %mul3A_27 = arith.mulf %div3A_21, %mul3A_26 : vector<16xf32>
    %swap3A = arith.constant 16 : index
    %swap3A_28 = tpu.vector_load %arg8[%swap3A] {strides = array<i32>} : memref<80xf32, #tpu.memory_space<vmem>>, vector<16xf32>,
    tpu.vector_store %arg8[%swap3A], %gather3A {strides = array<i32>} : memref<80xf32, #tpu.memory_space<vmem>>, vector<16xf32>,
    %swap3A_29 = arith.constant 32 : index
    %swap3A_30 = tpu.vector_load %arg8[%swap3A_29] {strides = array<i32>} : memref<80xf32, #tpu.memory_space<vmem>>, vector<16xf32>,
    tpu.vector_store %arg8[%swap3A_29], %mul3A_24 {strides = array<i32>} : memref<80xf32, #tpu.memory_space<vmem>>, vector<16xf32>,
    %scan3A = arith.constant 0 : i32
    %scan3A_31 = arith.constant 0 : i32
    %scan3A_32 = arith.constant 4096 : i32
    %scan3A_33 = arith.addi %scan3A_31, %scan3A_32 : i32
    %scan3A_34 = arith.constant 1 : i32
    %scan3A_35 = scf.for %scan3A_126 = %scan3A_31 to %scan3A_33 step %scan3A_34 iter_args(%scan3A_127 = %scan3A) -> (i32)  : i32 {
      %mul3A_128 = arith.constant 16 : i32
      %mul3A_129 = arith.muli %scan3A_126, %mul3A_128 : i32
      %add3A_130 = arith.constant 0 : i32
      %add3A_131 = arith.addi %add3A_130, %mul3A_129 : i32
      %swap3A_132 = arith.index_cast %add3A_131 : i32 to index
      %swap3A_133 = tpu.vector_load %arg6[%swap3A_132] {strides = array<i32>} : memref<83984xi32, #tpu.memory_space<vmem>>, vector<16xi32>,
      tpu.vector_store %arg6[%swap3A_132], %broadcast_in_dim3A_9 {strides = array<i32>} : memref<83984xi32, #tpu.memory_space<vmem>>, vector<16xi32>,
      %scan3A_134 = arith.constant 0 : i32
      scf.yield %scan3A_134 : i32
    }
    %scan3A_36 = arith.constant 4096 : i32
    %mul3A_37 = arith.constant 32768 : i32
    %mul3A_38 = vector.broadcast %mul3A_37 : i32 to vector<16xi32>
    %mul3A_39 = arith.muli %shift_right_logical3A_6, %mul3A_38 : vector<16xi32>
    %mul3A_40 = arith.constant 4096 : i32
    %mul3A_41 = vector.broadcast %mul3A_40 : i32 to vector<16xi32>
    %mul3A_42 = arith.muli %and3A_4, %mul3A_41 : vector<16xi32>
    %add3A_43 = arith.addi %mul3A_39, %mul3A_42 : vector<16xi32>
    %mul3A_44 = arith.constant 4096 : i32
    %mul3A_45 = vector.broadcast %mul3A_44 : i32 to vector<16xi32>
    %mul3A_46 = arith.muli %and3A_4, %mul3A_45 : vector<16xi32>
    %add3A_47 = arith.addi %mul3A_46, %shift_right_logical3A_6 : vector<16xi32>
    %scan3A_48 = arith.constant 0 : i32
    %scan3A_49 = arith.constant 0 : i32
    %scan3A_50 = arith.constant 16 : i32
    %scan3A_51 = arith.addi %scan3A_49, %scan3A_50 : i32
    %scan3A_52 = arith.constant 1 : i32
    %scan3A_53 = scf.for %scan3A_126 = %scan3A_49 to %scan3A_51 step %scan3A_52 iter_args(%scan3A_127 = %scan3A_48) -> (i32)  : i32 {
      %add3A_128 = arith.constant 0 : i32
      %add3A_129 = arith.addi %mul3A_2, %add3A_128 : i32
      %mul3A_130 = arith.constant 65536 : i32
      %mul3A_131 = arith.muli %add3A_129, %mul3A_130 : i32
      %mul3A_132 = arith.constant 4096 : i32
      %mul3A_133 = arith.muli %scan3A_126, %mul3A_132 : i32
      %add3A_134 = arith.addi %mul3A_131, %mul3A_133 : i32
      %dma_start3A = arith.constant 0 : i32
      %dma_start3A_135 = tpu.memref_slice %arg5[%dma_start3A] : memref<32768xf32, #tpu.memory_space<vmem>> -> memref<4096xf32, #tpu.memory_space<vmem>>
      %dma_start3A_136 = tpu.memref_slice %arg2[%add3A_134] : memref<16777216xf32, #tpu.memory_space<hbm>> -> memref<4096xf32, #tpu.memory_space<hbm>>
      %dma_start3A_137 = arith.constant 0 : i32
      %dma_start3A_138 = tpu.memref_slice %arg5[%dma_start3A_137] : memref<32768xf32, #tpu.memory_space<vmem>> -> memref<4096xf32, #tpu.memory_space<vmem>>
      %dma_start3A_139 = tpu.memref_slice %arg2[%add3A_134] : memref<16777216xf32, #tpu.memory_space<hbm>> -> memref<4096xf32, #tpu.memory_space<hbm>>
      tpu.enqueue_dma source(%dma_start3A_139 : memref<4096xf32, #tpu.memory_space<hbm>>) target(%dma_start3A_138 : memref<4096xf32, #tpu.memory_space<vmem>>) target_semaphore(%arg10 : memref<!tpu.dma_semaphore, #tpu.memory_space<semaphore_mem>>)
      %add3A_140 = arith.constant 1 : i32
      %add3A_141 = arith.addi %mul3A_2, %add3A_140 : i32
      %mul3A_142 = arith.constant 65536 : i32
      %mul3A_143 = arith.muli %add3A_141, %mul3A_142 : i32
      %mul3A_144 = arith.constant 4096 : i32
      %mul3A_145 = arith.muli %scan3A_126, %mul3A_144 : i32
      %add3A_146 = arith.addi %mul3A_143, %mul3A_145 : i32
      %dma_start3A_147 = arith.constant 4096 : i32
      %dma_start3A_148 = tpu.memref_slice %arg5[%dma_start3A_147] : memref<32768xf32, #tpu.memory_space<vmem>> -> memref<4096xf32, #tpu.memory_space<vmem>>
      %dma_start3A_149 = tpu.memref_slice %arg2[%add3A_146] : memref<16777216xf32, #tpu.memory_space<hbm>> -> memref<4096xf32, #tpu.memory_space<hbm>>
      %dma_start3A_150 = arith.constant 4096 : i32
      %dma_start3A_151 = tpu.memref_slice %arg5[%dma_start3A_150] : memref<32768xf32, #tpu.memory_space<vmem>> -> memref<4096xf32, #tpu.memory_space<vmem>>
      %dma_start3A_152 = tpu.memref_slice %arg2[%add3A_146] : memref<16777216xf32, #tpu.memory_space<hbm>> -> memref<4096xf32, #tpu.memory_space<hbm>>
      tpu.enqueue_dma source(%dma_start3A_152 : memref<4096xf32, #tpu.memory_space<hbm>>) target(%dma_start3A_151 : memref<4096xf32, #tpu.memory_space<vmem>>) target_semaphore(%arg10 : memref<!tpu.dma_semaphore, #tpu.memory_space<semaphore_mem>>)
      %add3A_153 = arith.constant 2 : i32
      %add3A_154 = arith.addi %mul3A_2, %add3A_153 : i32
      %mul3A_155 = arith.constant 65536 : i32
      %mul3A_156 = arith.muli %add3A_154, %mul3A_155 : i32
      %mul3A_157 = arith.constant 4096 : i32
      %mul3A_158 = arith.muli %scan3A_126, %mul3A_157 : i32
      %add3A_159 = arith.addi %mul3A_156, %mul3A_158 : i32
      %dma_start3A_160 = arith.constant 8192 : i32
      %dma_start3A_161 = tpu.memref_slice %arg5[%dma_start3A_160] : memref<32768xf32, #tpu.memory_space<vmem>> -> memref<4096xf32, #tpu.memory_space<vmem>>
      %dma_start3A_162 = tpu.memref_slice %arg2[%add3A_159] : memref<16777216xf32, #tpu.memory_space<hbm>> -> memref<4096xf32, #tpu.memory_space<hbm>>
      %dma_start3A_163 = arith.constant 8192 : i32
      %dma_start3A_164 = tpu.memref_slice %arg5[%dma_start3A_163] : memref<32768xf32, #tpu.memory_space<vmem>> -> memref<4096xf32, #tpu.memory_space<vmem>>
      %dma_start3A_165 = tpu.memref_slice %arg2[%add3A_159] : memref<16777216xf32, #tpu.memory_space<hbm>> -> memref<4096xf32, #tpu.memory_space<hbm>>
      tpu.enqueue_dma source(%dma_start3A_165 : memref<4096xf32, #tpu.memory_space<hbm>>) target(%dma_start3A_164 : memref<4096xf32, #tpu.memory_space<vmem>>) target_semaphore(%arg10 : memref<!tpu.dma_semaphore, #tpu.memory_space<semaphore_mem>>)
      %add3A_166 = arith.constant 3 : i32
      %add3A_167 = arith.addi %mul3A_2, %add3A_166 : i32
      %mul3A_168 = arith.constant 65536 : i32
      %mul3A_169 = arith.muli %add3A_167, %mul3A_168 : i32
      %mul3A_170 = arith.constant 4096 : i32
      %mul3A_171 = arith.muli %scan3A_126, %mul3A_170 : i32
      %add3A_172 = arith.addi %mul3A_169, %mul3A_171 : i32
      %dma_start3A_173 = arith.constant 12288 : i32
      %dma_start3A_174 = tpu.memref_slice %arg5[%dma_start3A_173] : memref<32768xf32, #tpu.memory_space<vmem>> -> memref<4096xf32, #tpu.memory_space<vmem>>
      %dma_start3A_175 = tpu.memref_slice %arg2[%add3A_172] : memref<16777216xf32, #tpu.memory_space<hbm>> -> memref<4096xf32, #tpu.memory_space<hbm>>
      %dma_start3A_176 = arith.constant 12288 : i32
      %dma_start3A_177 = tpu.memref_slice %arg5[%dma_start3A_176] : memref<32768xf32, #tpu.memory_space<vmem>> -> memref<4096xf32, #tpu.memory_space<vmem>>
      %dma_start3A_178 = tpu.memref_slice %arg2[%add3A_172] : memref<16777216xf32, #tpu.memory_space<hbm>> -> memref<4096xf32, #tpu.memory_space<hbm>>
      tpu.enqueue_dma source(%dma_start3A_178 : memref<4096xf32, #tpu.memory_space<hbm>>) target(%dma_start3A_177 : memref<4096xf32, #tpu.memory_space<vmem>>) target_semaphore(%arg10 : memref<!tpu.dma_semaphore, #tpu.memory_space<semaphore_mem>>)
      %add3A_179 = arith.constant 4 : i32
      %add3A_180 = arith.addi %mul3A_2, %add3A_179 : i32
      %mul3A_181 = arith.constant 65536 : i32
      %mul3A_182 = arith.muli %add3A_180, %mul3A_181 : i32
      %mul3A_183 = arith.constant 4096 : i32
      %mul3A_184 = arith.muli %scan3A_126, %mul3A_183 : i32
      %add3A_185 = arith.addi %mul3A_182, %mul3A_184 : i32
      %dma_start3A_186 = arith.constant 16384 : i32
      %dma_start3A_187 = tpu.memref_slice %arg5[%dma_start3A_186] : memref<32768xf32, #tpu.memory_space<vmem>> -> memref<4096xf32, #tpu.memory_space<vmem>>
      %dma_start3A_188 = tpu.memref_slice %arg2[%add3A_185] : memref<16777216xf32, #tpu.memory_space<hbm>> -> memref<4096xf32, #tpu.memory_space<hbm>>
      %dma_start3A_189 = arith.constant 16384 : i32
      %dma_start3A_190 = tpu.memref_slice %arg5[%dma_start3A_189] : memref<32768xf32, #tpu.memory_space<vmem>> -> memref<4096xf32, #tpu.memory_space<vmem>>
      %dma_start3A_191 = tpu.memref_slice %arg2[%add3A_185] : memref<16777216xf32, #tpu.memory_space<hbm>> -> memref<4096xf32, #tpu.memory_space<hbm>>
      tpu.enqueue_dma source(%dma_start3A_191 : memref<4096xf32, #tpu.memory_space<hbm>>) target(%dma_start3A_190 : memref<4096xf32, #tpu.memory_space<vmem>>) target_semaphore(%arg10 : memref<!tpu.dma_semaphore, #tpu.memory_space<semaphore_mem>>)
      %add3A_192 = arith.constant 5 : i32
      %add3A_193 = arith.addi %mul3A_2, %add3A_192 : i32
      %mul3A_194 = arith.constant 65536 : i32
      %mul3A_195 = arith.muli %add3A_193, %mul3A_194 : i32
      %mul3A_196 = arith.constant 4096 : i32
      %mul3A_197 = arith.muli %scan3A_126, %mul3A_196 : i32
      %add3A_198 = arith.addi %mul3A_195, %mul3A_197 : i32
      %dma_start3A_199 = arith.constant 20480 : i32
      %dma_start3A_200 = tpu.memref_slice %arg5[%dma_start3A_199] : memref<32768xf32, #tpu.memory_space<vmem>> -> memref<4096xf32, #tpu.memory_space<vmem>>
      %dma_start3A_201 = tpu.memref_slice %arg2[%add3A_198] : memref<16777216xf32, #tpu.memory_space<hbm>> -> memref<4096xf32, #tpu.memory_space<hbm>>
      %dma_start3A_202 = arith.constant 20480 : i32
      %dma_start3A_203 = tpu.memref_slice %arg5[%dma_start3A_202] : memref<32768xf32, #tpu.memory_space<vmem>> -> memref<4096xf32, #tpu.memory_space<vmem>>
      %dma_start3A_204 = tpu.memref_slice %arg2[%add3A_198] : memref<16777216xf32, #tpu.memory_space<hbm>> -> memref<4096xf32, #tpu.memory_space<hbm>>
      tpu.enqueue_dma source(%dma_start3A_204 : memref<4096xf32, #tpu.memory_space<hbm>>) target(%dma_start3A_203 : memref<4096xf32, #tpu.memory_space<vmem>>) target_semaphore(%arg10 : memref<!tpu.dma_semaphore, #tpu.memory_space<semaphore_mem>>)
      %add3A_205 = arith.constant 6 : i32
      %add3A_206 = arith.addi %mul3A_2, %add3A_205 : i32
      %mul3A_207 = arith.constant 65536 : i32
      %mul3A_208 = arith.muli %add3A_206, %mul3A_207 : i32
      %mul3A_209 = arith.constant 4096 : i32
      %mul3A_210 = arith.muli %scan3A_126, %mul3A_209 : i32
      %add3A_211 = arith.addi %mul3A_208, %mul3A_210 : i32
      %dma_start3A_212 = arith.constant 24576 : i32
      %dma_start3A_213 = tpu.memref_slice %arg5[%dma_start3A_212] : memref<32768xf32, #tpu.memory_space<vmem>> -> memref<4096xf32, #tpu.memory_space<vmem>>
      %dma_start3A_214 = tpu.memref_slice %arg2[%add3A_211] : memref<16777216xf32, #tpu.memory_space<hbm>> -> memref<4096xf32, #tpu.memory_space<hbm>>
      %dma_start3A_215 = arith.constant 24576 : i32
      %dma_start3A_216 = tpu.memref_slice %arg5[%dma_start3A_215] : memref<32768xf32, #tpu.memory_space<vmem>> -> memref<4096xf32, #tpu.memory_space<vmem>>
      %dma_start3A_217 = tpu.memref_slice %arg2[%add3A_211] : memref<16777216xf32, #tpu.memory_space<hbm>> -> memref<4096xf32, #tpu.memory_space<hbm>>
      tpu.enqueue_dma source(%dma_start3A_217 : memref<4096xf32, #tpu.memory_space<hbm>>) target(%dma_start3A_216 : memref<4096xf32, #tpu.memory_space<vmem>>) target_semaphore(%arg10 : memref<!tpu.dma_semaphore, #tpu.memory_space<semaphore_mem>>)
      %add3A_218 = arith.constant 7 : i32
      %add3A_219 = arith.addi %mul3A_2, %add3A_218 : i32
      %mul3A_220 = arith.constant 65536 : i32
      %mul3A_221 = arith.muli %add3A_219, %mul3A_220 : i32
      %mul3A_222 = arith.constant 4096 : i32
      %mul3A_223 = arith.muli %scan3A_126, %mul3A_222 : i32
      %add3A_224 = arith.addi %mul3A_221, %mul3A_223 : i32
      %dma_start3A_225 = arith.constant 28672 : i32
      %dma_start3A_226 = tpu.memref_slice %arg5[%dma_start3A_225] : memref<32768xf32, #tpu.memory_space<vmem>> -> memref<4096xf32, #tpu.memory_space<vmem>>
      %dma_start3A_227 = tpu.memref_slice %arg2[%add3A_224] : memref<16777216xf32, #tpu.memory_space<hbm>> -> memref<4096xf32, #tpu.memory_space<hbm>>
      %dma_start3A_228 = arith.constant 28672 : i32
      %dma_start3A_229 = tpu.memref_slice %arg5[%dma_start3A_228] : memref<32768xf32, #tpu.memory_space<vmem>> -> memref<4096xf32, #tpu.memory_space<vmem>>
      %dma_start3A_230 = tpu.memref_slice %arg2[%add3A_224] : memref<16777216xf32, #tpu.memory_space<hbm>> -> memref<4096xf32, #tpu.memory_space<hbm>>
      tpu.enqueue_dma source(%dma_start3A_230 : memref<4096xf32, #tpu.memory_space<hbm>>) target(%dma_start3A_229 : memref<4096xf32, #tpu.memory_space<vmem>>) target_semaphore(%arg10 : memref<!tpu.dma_semaphore, #tpu.memory_space<semaphore_mem>>)
      %dma_wait3A = arith.constant 0 : i32
      %dma_wait3A_231 = tpu.memref_slice %arg5[%dma_wait3A] : memref<32768xf32, #tpu.memory_space<vmem>> -> memref<4096xf32, #tpu.memory_space<vmem>>
      %dma_wait3A_232 = tpu.memref_slice %arg2[%add3A_134] : memref<16777216xf32, #tpu.memory_space<hbm>> -> memref<4096xf32, #tpu.memory_space<hbm>>
      %dma_wait3A_233 = arith.constant 0 : i32
      %dma_wait3A_234 = tpu.memref_slice %arg5[%dma_wait3A_233] : memref<32768xf32, #tpu.memory_space<vmem>> -> memref<4096xf32, #tpu.memory_space<vmem>>
      %dma_wait3A_235 = tpu.memref_slice %arg2[%add3A_134] : memref<16777216xf32, #tpu.memory_space<hbm>> -> memref<4096xf32, #tpu.memory_space<hbm>>
      tpu.wait_dma2 semaphore(%arg10 : memref<!tpu.dma_semaphore, #tpu.memory_space<semaphore_mem>>) src(%dma_wait3A_235 : memref<4096xf32, #tpu.memory_space<hbm>>) dst(%dma_wait3A_234 : memref<4096xf32, #tpu.memory_space<vmem>>)
      %dma_wait3A_236 = arith.constant 4096 : i32
      %dma_wait3A_237 = tpu.memref_slice %arg5[%dma_wait3A_236] : memref<32768xf32, #tpu.memory_space<vmem>> -> memref<4096xf32, #tpu.memory_space<vmem>>
      %dma_wait3A_238 = tpu.memref_slice %arg2[%add3A_146] : memref<16777216xf32, #tpu.memory_space<hbm>> -> memref<4096xf32, #tpu.memory_space<hbm>>
      %dma_wait3A_239 = arith.constant 4096 : i32
      %dma_wait3A_240 = tpu.memref_slice %arg5[%dma_wait3A_239] : memref<32768xf32, #tpu.memory_space<vmem>> -> memref<4096xf32, #tpu.memory_space<vmem>>
      %dma_wait3A_241 = tpu.memref_slice %arg2[%add3A_146] : memref<16777216xf32, #tpu.memory_space<hbm>> -> memref<4096xf32, #tpu.memory_space<hbm>>
      tpu.wait_dma2 semaphore(%arg10 : memref<!tpu.dma_semaphore, #tpu.memory_space<semaphore_mem>>) src(%dma_wait3A_241 : memref<4096xf32, #tpu.memory_space<hbm>>) dst(%dma_wait3A_240 : memref<4096xf32, #tpu.memory_space<vmem>>)
      %dma_wait3A_242 = arith.constant 8192 : i32
      %dma_wait3A_243 = tpu.memref_slice %arg5[%dma_wait3A_242] : memref<32768xf32, #tpu.memory_space<vmem>> -> memref<4096xf32, #tpu.memory_space<vmem>>
      %dma_wait3A_244 = tpu.memref_slice %arg2[%add3A_159] : memref<16777216xf32, #tpu.memory_space<hbm>> -> memref<4096xf32, #tpu.memory_space<hbm>>
      %dma_wait3A_245 = arith.constant 8192 : i32
      %dma_wait3A_246 = tpu.memref_slice %arg5[%dma_wait3A_245] : memref<32768xf32, #tpu.memory_space<vmem>> -> memref<4096xf32, #tpu.memory_space<vmem>>
      %dma_wait3A_247 = tpu.memref_slice %arg2[%add3A_159] : memref<16777216xf32, #tpu.memory_space<hbm>> -> memref<4096xf32, #tpu.memory_space<hbm>>
      tpu.wait_dma2 semaphore(%arg10 : memref<!tpu.dma_semaphore, #tpu.memory_space<semaphore_mem>>) src(%dma_wait3A_247 : memref<4096xf32, #tpu.memory_space<hbm>>) dst(%dma_wait3A_246 : memref<4096xf32, #tpu.memory_space<vmem>>)
      %dma_wait3A_248 = arith.constant 12288 : i32
      %dma_wait3A_249 = tpu.memref_slice %arg5[%dma_wait3A_248] : memref<32768xf32, #tpu.memory_space<vmem>> -> memref<4096xf32, #tpu.memory_space<vmem>>
      %dma_wait3A_250 = tpu.memref_slice %arg2[%add3A_172] : memref<16777216xf32, #tpu.memory_space<hbm>> -> memref<4096xf32, #tpu.memory_space<hbm>>
      %dma_wait3A_251 = arith.constant 12288 : i32
      %dma_wait3A_252 = tpu.memref_slice %arg5[%dma_wait3A_251] : memref<32768xf32, #tpu.memory_space<vmem>> -> memref<4096xf32, #tpu.memory_space<vmem>>
      %dma_wait3A_253 = tpu.memref_slice %arg2[%add3A_172] : memref<16777216xf32, #tpu.memory_space<hbm>> -> memref<4096xf32, #tpu.memory_space<hbm>>
      tpu.wait_dma2 semaphore(%arg10 : memref<!tpu.dma_semaphore, #tpu.memory_space<semaphore_mem>>) src(%dma_wait3A_253 : memref<4096xf32, #tpu.memory_space<hbm>>) dst(%dma_wait3A_252 : memref<4096xf32, #tpu.memory_space<vmem>>)
      %dma_wait3A_254 = arith.constant 16384 : i32
      %dma_wait3A_255 = tpu.memref_slice %arg5[%dma_wait3A_254] : memref<32768xf32, #tpu.memory_space<vmem>> -> memref<4096xf32, #tpu.memory_space<vmem>>
      %dma_wait3A_256 = tpu.memref_slice %arg2[%add3A_185] : memref<16777216xf32, #tpu.memory_space<hbm>> -> memref<4096xf32, #tpu.memory_space<hbm>>
      %dma_wait3A_257 = arith.constant 16384 : i32
      %dma_wait3A_258 = tpu.memref_slice %arg5[%dma_wait3A_257] : memref<32768xf32, #tpu.memory_space<vmem>> -> memref<4096xf32, #tpu.memory_space<vmem>>
      %dma_wait3A_259 = tpu.memref_slice %arg2[%add3A_185] : memref<16777216xf32, #tpu.memory_space<hbm>> -> memref<4096xf32, #tpu.memory_space<hbm>>
      tpu.wait_dma2 semaphore(%arg10 : memref<!tpu.dma_semaphore, #tpu.memory_space<semaphore_mem>>) src(%dma_wait3A_259 : memref<4096xf32, #tpu.memory_space<hbm>>) dst(%dma_wait3A_258 : memref<4096xf32, #tpu.memory_space<vmem>>)
      %dma_wait3A_260 = arith.constant 20480 : i32
      %dma_wait3A_261 = tpu.memref_slice %arg5[%dma_wait3A_260] : memref<32768xf32, #tpu.memory_space<vmem>> -> memref<4096xf32, #tpu.memory_space<vmem>>
      %dma_wait3A_262 = tpu.memref_slice %arg2[%add3A_198] : memref<16777216xf32, #tpu.memory_space<hbm>> -> memref<4096xf32, #tpu.memory_space<hbm>>
      %dma_wait3A_263 = arith.constant 20480 : i32
      %dma_wait3A_264 = tpu.memref_slice %arg5[%dma_wait3A_263] : memref<32768xf32, #tpu.memory_space<vmem>> -> memref<4096xf32, #tpu.memory_space<vmem>>
      %dma_wait3A_265 = tpu.memref_slice %arg2[%add3A_198] : memref<16777216xf32, #tpu.memory_space<hbm>> -> memref<4096xf32, #tpu.memory_space<hbm>>
      tpu.wait_dma2 semaphore(%arg10 : memref<!tpu.dma_semaphore, #tpu.memory_space<semaphore_mem>>) src(%dma_wait3A_265 : memref<4096xf32, #tpu.memory_space<hbm>>) dst(%dma_wait3A_264 : memref<4096xf32, #tpu.memory_space<vmem>>)
      %dma_wait3A_266 = arith.constant 24576 : i32
      %dma_wait3A_267 = tpu.memref_slice %arg5[%dma_wait3A_266] : memref<32768xf32, #tpu.memory_space<vmem>> -> memref<4096xf32, #tpu.memory_space<vmem>>
      %dma_wait3A_268 = tpu.memref_slice %arg2[%add3A_211] : memref<16777216xf32, #tpu.memory_space<hbm>> -> memref<4096xf32, #tpu.memory_space<hbm>>
      %dma_wait3A_269 = arith.constant 24576 : i32
      %dma_wait3A_270 = tpu.memref_slice %arg5[%dma_wait3A_269] : memref<32768xf32, #tpu.memory_space<vmem>> -> memref<4096xf32, #tpu.memory_space<vmem>>
      %dma_wait3A_271 = tpu.memref_slice %arg2[%add3A_211] : memref<16777216xf32, #tpu.memory_space<hbm>> -> memref<4096xf32, #tpu.memory_space<hbm>>
      tpu.wait_dma2 semaphore(%arg10 : memref<!tpu.dma_semaphore, #tpu.memory_space<semaphore_mem>>) src(%dma_wait3A_271 : memref<4096xf32, #tpu.memory_space<hbm>>) dst(%dma_wait3A_270 : memref<4096xf32, #tpu.memory_space<vmem>>)
      %dma_wait3A_272 = arith.constant 28672 : i32
      %dma_wait3A_273 = tpu.memref_slice %arg5[%dma_wait3A_272] : memref<32768xf32, #tpu.memory_space<vmem>> -> memref<4096xf32, #tpu.memory_space<vmem>>
      %dma_wait3A_274 = tpu.memref_slice %arg2[%add3A_224] : memref<16777216xf32, #tpu.memory_space<hbm>> -> memref<4096xf32, #tpu.memory_space<hbm>>
      %dma_wait3A_275 = arith.constant 28672 : i32
      %dma_wait3A_276 = tpu.memref_slice %arg5[%dma_wait3A_275] : memref<32768xf32, #tpu.memory_space<vmem>> -> memref<4096xf32, #tpu.memory_space<vmem>>
      %dma_wait3A_277 = tpu.memref_slice %arg2[%add3A_224] : memref<16777216xf32, #tpu.memory_space<hbm>> -> memref<4096xf32, #tpu.memory_space<hbm>>
      tpu.wait_dma2 semaphore(%arg10 : memref<!tpu.dma_semaphore, #tpu.memory_space<semaphore_mem>>) src(%dma_wait3A_277 : memref<4096xf32, #tpu.memory_space<hbm>>) dst(%dma_wait3A_276 : memref<4096xf32, #tpu.memory_space<vmem>>)
      %parallel_loop3A_278 = arith.constant 0 : i32
      %parallel_loop3A_279 = arith.constant 2048 : i32
      %parallel_loop3A_280 = arith.constant 1 : i32
      scf.for %parallel_loop3A_282 = %parallel_loop3A_278 to %parallel_loop3A_279 step %parallel_loop3A_280  : i32 {
        %parallel_loop3A_283 = arith.constant 2 : i32
        %parallel_loop3A_284 = arith.muli %parallel_loop3A_282, %parallel_loop3A_283 : i32
        %parallel_loop3A_285 = vector.broadcast %parallel_loop3A_284 : i32 to vector<16xi32>
        %parallel_loop3A_286 = arith.addi %add3A_47, %parallel_loop3A_285 : vector<16xi32>
        %parallel_loop3A_287 = tpu.vector_load_idx %arg5[%parallel_loop3A_286] : memref<32768xf32, #tpu.memory_space<vmem>>[vector<16xi32>], vector<16xf32>,
        %parallel_loop3A_288 = arith.subf %parallel_loop3A_287, %gather3A : vector<16xf32>
        %parallel_loop3A_289 = arith.mulf %parallel_loop3A_288, %div3A_21 : vector<16xf32>
        %parallel_loop3A_290 = arith.fptosi %parallel_loop3A_289 : vector<16xf32> to vector<16xi32>
        %parallel_loop3A_291 = arith.constant 4095 : i32
        %parallel_loop3A_292 = vector.broadcast %parallel_loop3A_291 : i32 to vector<16xi32>
        %parallel_loop3A_293 = arith.minsi %parallel_loop3A_290, %parallel_loop3A_292 : vector<16xi32>
        %parallel_loop3A_294 = arith.addi %add3A_43, %parallel_loop3A_293 : vector<16xi32>
        tpu.vector_store_idx %arg6[%parallel_loop3A_294], %broadcast_in_dim3A_7 {add = true} : memref<83984xi32, #tpu.memory_space<vmem>>[vector<16xi32>], vector<16xi32>,
      } {sc.loop_unroll_factor = 8 : i64, sc.parallel_access}
      %scan3A_281 = arith.constant 0 : i32
      scf.yield %scan3A_281 : i32
    }
    %scan3A_54 = arith.constant 16 : i32
    %scan3A_55 = arith.constant 0 : i32
    %scan3A_56 = arith.constant 0 : i32
    %scan3A_57 = arith.constant 2048 : i32
    %scan3A_58 = arith.addi %scan3A_56, %scan3A_57 : i32
    %scan3A_59 = arith.constant 1 : i32
    %scan3A_60 = scf.for %scan3A_126 = %scan3A_56 to %scan3A_58 step %scan3A_59 iter_args(%scan3A_127 = %scan3A_55) -> (i32)  : i32 {
      %mul3A_128 = arith.constant 16 : i32
      %mul3A_129 = arith.muli %scan3A_126, %mul3A_128 : i32
      %get3A = arith.index_cast %mul3A_129 : i32 to index
      %get3A_130 = tpu.vector_load %arg6[%get3A] {strides = array<i32>} : memref<83984xi32, #tpu.memory_space<vmem>>, vector<16xi32>,
      %mul3A_131 = arith.constant 16 : i32
      %mul3A_132 = arith.muli %scan3A_126, %mul3A_131 : i32
      %add3A_133 = arith.constant 32768 : i32
      %add3A_134 = arith.addi %add3A_133, %mul3A_132 : i32
      %get3A_135 = arith.index_cast %add3A_134 : i32 to index
      %get3A_136 = tpu.vector_load %arg6[%get3A_135] {strides = array<i32>} : memref<83984xi32, #tpu.memory_space<vmem>>, vector<16xi32>,
      %add3A_137 = arith.addi %get3A_130, %get3A_136 : vector<16xi32>
      %mul3A_138 = arith.constant 16 : i32
      %mul3A_139 = arith.muli %scan3A_126, %mul3A_138 : i32
      %swap3A_140 = arith.index_cast %mul3A_139 : i32 to index
      %swap3A_141 = tpu.vector_load %arg6[%swap3A_140] {strides = array<i32>} : memref<83984xi32, #tpu.memory_space<vmem>>, vector<16xi32>,
      tpu.vector_store %arg6[%swap3A_140], %add3A_137 {strides = array<i32>} : memref<83984xi32, #tpu.memory_space<vmem>>, vector<16xi32>,
      %scan3A_142 = arith.constant 0 : i32
      scf.yield %scan3A_142 : i32
    }
    %scan3A_61 = arith.constant 2048 : i32
    %parallel_loop3A = arith.constant 0 : i32
    %parallel_loop3A_62 = arith.constant 2048 : i32
    %parallel_loop3A_63 = arith.constant 1 : i32
    scf.for %parallel_loop3A_126 = %parallel_loop3A to %parallel_loop3A_62 step %parallel_loop3A_63  : i32 {
      %parallel_loop3A_127 = arith.constant 32768 : i32
      %parallel_loop3A_128 = arith.addi %parallel_loop3A_127, %parallel_loop3A_126 : i32
      %parallel_loop3A_129 = arith.constant 16 : i32
      %parallel_loop3A_130 = arith.muli %parallel_loop3A_126, %parallel_loop3A_129 : i32
      %parallel_loop3A_131 = arith.index_cast %parallel_loop3A_130 : i32 to index
      %parallel_loop3A_132 = tpu.vector_load %arg6[%parallel_loop3A_131] {strides = array<i32>} : memref<83984xi32, #tpu.memory_space<vmem>>, vector<16xi32>,
      %parallel_loop3A_133 = arith.constant true
      %parallel_loop3A_134 = vector.broadcast %parallel_loop3A_133 : i1 to vector<16xi1>
      %parallel_loop3A_135 = tpu.scan <sum>, %parallel_loop3A_132 masked %parallel_loop3A_134 : vector<16xi32>, vector<16xi1> -> vector<16xi32>
      %parallel_loop3A_136 = vector.extract %parallel_loop3A_135[15] : i32 from vector<16xi32>
      %parallel_loop3A_137 = vector.broadcast %parallel_loop3A_128 : i32 to vector<16xi32>
      %parallel_loop3A_138 = vector.broadcast %parallel_loop3A_136 : i32 to vector<16xi32>
      tpu.vector_store_idx %arg6[%parallel_loop3A_137], %parallel_loop3A_138 masked %eq3A_11 : memref<83984xi32, #tpu.memory_space<vmem>>[vector<16xi32>], vector<16xi32>, vector<16xi1>
    } {sc.loop_unroll_factor = 4 : i64, sc.parallel_access}
    %scan3A_64 = arith.constant 0 : i32
    %scan3A_65 = arith.constant 0 : i32
    %scan3A_66 = arith.constant 8 : i32
    %scan3A_67 = arith.addi %scan3A_65, %scan3A_66 : i32
    %scan3A_68 = arith.constant 1 : i32
    %scan3A_69 = scf.for %scan3A_126 = %scan3A_65 to %scan3A_67 step %scan3A_68 iter_args(%scan3A_127 = %scan3A_64) -> (i32)  : i32 {
      %mul3A_128 = arith.constant 256 : i32
      %mul3A_129 = arith.muli %scan3A_126, %mul3A_128 : i32
      %add3A_130 = arith.constant 32768 : i32
      %add3A_131 = arith.addi %add3A_130, %mul3A_129 : i32
      %get3A = arith.index_cast %add3A_131 : i32 to index
      %get3A_132 = tpu.vector_load %arg6[%get3A] {strides = array<i32>} : memref<83984xi32, #tpu.memory_space<vmem>>, vector<16xi32>,
      %slice3A = vector.extract_strided_slice %get3A_132 {offsets = [0], sizes = [1], strides = [1]} : vector<16xi32> to vector<1xi32>
      %squeeze3A = vector.extract %slice3A[0] : i32 from vector<1xi32>
      %scan3A_133 = arith.constant 0 : i32
      %scan3A_134 = arith.constant 0 : i32
      %scan3A_135 = arith.constant 0 : i32
      %scan3A_136 = arith.constant 100 : i32
      %scan3A_137 = arith.addi %scan3A_135, %scan3A_136 : i32
      %scan3A_138 = arith.constant 1 : i32
      %scan3A_139:3 = scf.for %scan3A_142 = %scan3A_135 to %scan3A_137 step %scan3A_138 iter_args(%scan3A_143 = %scan3A_133, %scan3A_144 = %scan3A_134, %scan3A_145 = %squeeze3A) -> (i32, i32, i32)  : i32 {
        %mul3A_146 = arith.constant 65535 : i32
        %mul3A_147 = arith.muli %scan3A_142, %mul3A_146 : i32
        %jit3A = arith.constant 99 : i32
        %div3A_148 = arith.divsi %mul3A_147, %jit3A : i32
        %sign3A = arith.constant 0 : i32
        %sign3A_149 = arith.cmpi sgt, %mul3A_147, %sign3A : i32
        %sign3A_150 = arith.extui %sign3A_149 : i1 to i32
        %sign3A_151 = arith.constant 0 : i32
        %sign3A_152 = arith.cmpi slt, %mul3A_147, %sign3A_151 : i32
        %sign3A_153 = arith.extui %sign3A_152 : i1 to i32
        %sign3A_154 = arith.subi %sign3A_150, %sign3A_153 : i32
        %sign3A_155 = arith.constant 0 : i32
        %sign3A_156 = arith.cmpi sgt, %jit3A, %sign3A_155 : i32
        %sign3A_157 = arith.extui %sign3A_156 : i1 to i32
        %sign3A_158 = arith.constant 0 : i32
        %sign3A_159 = arith.cmpi slt, %jit3A, %sign3A_158 : i32
        %sign3A_160 = arith.extui %sign3A_159 : i1 to i32
        %sign3A_161 = arith.subi %sign3A_157, %sign3A_160 : i32
        %ne3A = arith.cmpi ne, %sign3A_154, %sign3A_161 : i32
        %rem3A = arith.remsi %mul3A_147, %jit3A : i32
        %ne3A_162 = arith.constant 0 : i32
        %ne3A_163 = arith.cmpi ne, %rem3A, %ne3A_162 : i32
        %and3A_164 = arith.andi %ne3A, %ne3A_163 : i1
        %sub3A_165 = arith.constant 1 : i32
        %sub3A_166 = arith.subi %div3A_148, %sub3A_165 : i32
        %select_n3A = arith.select %and3A_164, %sub3A_166, %div3A_148 : i32
        %while3A:3 = scf.while (%while3A_194 = %scan3A_143, %while3A_195 = %scan3A_144, %while3A_196 = %scan3A_145) : (i32, i32, i32) -> (i32, i32, i32) {
          %add3A_197 = arith.addi %while3A_195, %while3A_196 : i32
          %le3A = arith.cmpi sle, %add3A_197, %select_n3A : i32
          scf.condition(%le3A) %while3A_194, %while3A_195, %while3A_196 : i32, i32, i32
        } do {
        ^bb0(%while3A_194: i32, %while3A_195: i32, %while3A_196: i32):
          %add3A_197 = arith.constant 1 : i32
          %add3A_198 = arith.addi %while3A_194, %add3A_197 : i32
          %add3A_199 = arith.addi %while3A_195, %while3A_196 : i32
          %add3A_200 = arith.addi %add3A_131, %while3A_194 : i32
          %add3A_201 = arith.constant 1 : i32
          %add3A_202 = arith.addi %add3A_200, %add3A_201 : i32
          %get3A_203 = arith.index_cast %add3A_202 : i32 to index
          %get3A_204 = tpu.vector_load %arg6[%get3A_203] {strides = array<i32>} : memref<83984xi32, #tpu.memory_space<vmem>>, vector<16xi32>,
          %slice3A_205 = vector.extract_strided_slice %get3A_204 {offsets = [0], sizes = [1], strides = [1]} : vector<16xi32> to vector<1xi32>
          %squeeze3A_206 = vector.extract %slice3A_205[0] : i32 from vector<1xi32>
          scf.yield %add3A_198, %add3A_199, %squeeze3A_206 : i32, i32, i32
        }
        %mul3A_167 = arith.constant 4096 : i32
        %mul3A_168 = arith.muli %scan3A_126, %mul3A_167 : i32
        %mul3A_169 = arith.constant 16 : i32
        %mul3A_170 = arith.muli %while3A#0, %mul3A_169 : i32
        %add3A_171 = arith.addi %mul3A_168, %mul3A_170 : i32
        %get3A_172 = arith.index_cast %add3A_171 : i32 to index
        %get3A_173 = tpu.vector_load %arg6[%get3A_172] {strides = array<i32>} : memref<83984xi32, #tpu.memory_space<vmem>>, vector<16xi32>,
        %slice3A_174 = vector.extract_strided_slice %get3A_173 {offsets = [0], sizes = [1], strides = [1]} : vector<16xi32> to vector<1xi32>
        %squeeze3A_175 = vector.extract %slice3A_174[0] : i32 from vector<1xi32>
        %while3A_176 = arith.constant 0 : i32
        %while3A_177:3 = scf.while (%while3A_194 = %while3A_176, %while3A_195 = %while3A#1, %while3A_196 = %squeeze3A_175) : (i32, i32, i32) -> (i32, i32, i32) {
          %add3A_197 = arith.addi %while3A_195, %while3A_196 : i32
          %le3A = arith.cmpi sle, %add3A_197, %select_n3A : i32
          scf.condition(%le3A) %while3A_194, %while3A_195, %while3A_196 : i32, i32, i32
        } do {
        ^bb0(%while3A_194: i32, %while3A_195: i32, %while3A_196: i32):
          %add3A_197 = arith.constant 1 : i32
          %add3A_198 = arith.addi %while3A_194, %add3A_197 : i32
          %add3A_199 = arith.addi %while3A_195, %while3A_196 : i32
          %add3A_200 = arith.addi %add3A_171, %while3A_194 : i32
          %add3A_201 = arith.constant 1 : i32
          %add3A_202 = arith.addi %add3A_200, %add3A_201 : i32
          %get3A_203 = arith.index_cast %add3A_202 : i32 to index
          %get3A_204 = tpu.vector_load %arg6[%get3A_203] {strides = array<i32>} : memref<83984xi32, #tpu.memory_space<vmem>>, vector<16xi32>,
          %slice3A_205 = vector.extract_strided_slice %get3A_204 {offsets = [0], sizes = [1], strides = [1]} : vector<16xi32> to vector<1xi32>
          %squeeze3A_206 = vector.extract %slice3A_205[0] : i32 from vector<1xi32>
          scf.yield %add3A_198, %add3A_199, %squeeze3A_206 : i32, i32, i32
        }
        %mul3A_178 = arith.constant 100 : i32
        %mul3A_179 = arith.muli %scan3A_126, %mul3A_178 : i32
        %add3A_180 = arith.addi %mul3A_179, %scan3A_142 : i32
        %mul3A_181 = arith.constant 16 : i32
        %mul3A_182 = arith.muli %while3A#0, %mul3A_181 : i32
        %add3A_183 = arith.addi %mul3A_182, %while3A_177#0 : i32
        %broadcast_in_dim3A_184 = vector.broadcast %add3A_180 : i32 to vector<16xi32>
        %broadcast_in_dim3A_185 = vector.broadcast %add3A_183 : i32 to vector<16xi32>
        tpu.vector_store_idx %arg7[%broadcast_in_dim3A_184], %broadcast_in_dim3A_185 masked %eq3A_11 : memref<1616xi32, #tpu.memory_space<vmem>>[vector<16xi32>], vector<16xi32>, vector<16xi1>
        %mul3A_186 = arith.constant 100 : i32
        %mul3A_187 = arith.muli %scan3A_126, %mul3A_186 : i32
        %add3A_188 = arith.constant 800 : i32
        %add3A_189 = arith.addi %add3A_188, %mul3A_187 : i32
        %add3A_190 = arith.addi %add3A_189, %scan3A_142 : i32
        %sub3A_191 = arith.subi %select_n3A, %while3A_177#1 : i32
        %broadcast_in_dim3A_192 = vector.broadcast %add3A_190 : i32 to vector<16xi32>
        %broadcast_in_dim3A_193 = vector.broadcast %sub3A_191 : i32 to vector<16xi32>
        tpu.vector_store_idx %arg7[%broadcast_in_dim3A_192], %broadcast_in_dim3A_193 masked %eq3A_11 : memref<1616xi32, #tpu.memory_space<vmem>>[vector<16xi32>], vector<16xi32>, vector<16xi1>
        scf.yield %while3A#0, %while3A#1, %while3A#2 : i32, i32, i32
      }
      %scan3A_140 = arith.constant 100 : i32
      %scan3A_141 = arith.constant 0 : i32
      scf.yield %scan3A_141 : i32
    }
    %scan3A_70 = arith.constant 8 : i32
    %broadcast_in_dim3A_71 = arith.constant -1 : i32
    %broadcast_in_dim3A_72 = vector.broadcast %broadcast_in_dim3A_71 : i32 to vector<16xi32>
    %scan3A_73 = arith.constant 0 : i32
    %scan3A_74 = arith.constant 0 : i32
    %scan3A_75 = arith.constant 2048 : i32
    %scan3A_76 = arith.addi %scan3A_74, %scan3A_75 : i32
    %scan3A_77 = arith.constant 1 : i32
    %scan3A_78 = scf.for %scan3A_126 = %scan3A_74 to %scan3A_76 step %scan3A_77 iter_args(%scan3A_127 = %scan3A_73) -> (i32)  : i32 {
      %mul3A_128 = arith.constant 16 : i32
      %mul3A_129 = arith.muli %scan3A_126, %mul3A_128 : i32
      %add3A_130 = arith.constant 0 : i32
      %add3A_131 = arith.addi %add3A_130, %mul3A_129 : i32
      %swap3A_132 = arith.index_cast %add3A_131 : i32 to index
      %swap3A_133 = tpu.vector_load %arg6[%swap3A_132] {strides = array<i32>} : memref<83984xi32, #tpu.memory_space<vmem>>, vector<16xi32>,
      tpu.vector_store %arg6[%swap3A_132], %broadcast_in_dim3A_72 {strides = array<i32>} : memref<83984xi32, #tpu.memory_space<vmem>>, vector<16xi32>,
      %scan3A_134 = arith.constant 0 : i32
      scf.yield %scan3A_134 : i32
    }
    %scan3A_79 = arith.constant 2048 : i32
    %scan3A_80 = arith.constant 0 : i32
    %scan3A_81 = arith.constant 0 : i32
    %scan3A_82 = arith.constant 3200 : i32
    %scan3A_83 = arith.addi %scan3A_81, %scan3A_82 : i32
    %scan3A_84 = arith.constant 1 : i32
    %scan3A_85 = scf.for %scan3A_126 = %scan3A_81 to %scan3A_83 step %scan3A_84 iter_args(%scan3A_127 = %scan3A_80) -> (i32)  : i32 {
      %mul3A_128 = arith.constant 16 : i32
      %mul3A_129 = arith.muli %scan3A_126, %mul3A_128 : i32
      %add3A_130 = arith.constant 32768 : i32
      %add3A_131 = arith.addi %add3A_130, %mul3A_129 : i32
      %swap3A_132 = arith.index_cast %add3A_131 : i32 to index
      %swap3A_133 = tpu.vector_load %arg6[%swap3A_132] {strides = array<i32>} : memref<83984xi32, #tpu.memory_space<vmem>>, vector<16xi32>,
      tpu.vector_store %arg6[%swap3A_132], %broadcast_in_dim3A_9 {strides = array<i32>} : memref<83984xi32, #tpu.memory_space<vmem>>, vector<16xi32>,
      %scan3A_134 = arith.constant 0 : i32
      scf.yield %scan3A_134 : i32
    }
    %scan3A_86 = arith.constant 3200 : i32
    %scan3A_87 = arith.constant 0 : i32
    %scan3A_88 = arith.constant 0 : i32
    %scan3A_89 = arith.constant 8 : i32
    %scan3A_90 = arith.addi %scan3A_88, %scan3A_89 : i32
    %scan3A_91 = arith.constant 1 : i32
    %scan3A_92 = scf.for %scan3A_126 = %scan3A_88 to %scan3A_90 step %scan3A_91 iter_args(%scan3A_127 = %scan3A_87) -> (i32)  : i32 {
      %scan3A_128 = arith.constant 0 : i32
      %scan3A_129 = arith.constant 0 : i32
      %scan3A_130 = arith.constant 100 : i32
      %scan3A_131 = arith.addi %scan3A_129, %scan3A_130 : i32
      %scan3A_132 = arith.constant 1 : i32
      %scan3A_133 = scf.for %scan3A_136 = %scan3A_129 to %scan3A_131 step %scan3A_132 iter_args(%scan3A_137 = %scan3A_128) -> (i32)  : i32 {
        %mul3A_138 = arith.constant 4096 : i32
        %mul3A_139 = arith.muli %scan3A_126, %mul3A_138 : i32
        %mul3A_140 = arith.constant 100 : i32
        %mul3A_141 = arith.muli %scan3A_126, %mul3A_140 : i32
        %add3A_142 = arith.addi %mul3A_141, %scan3A_136 : i32
        %get3A = arith.index_cast %add3A_142 : i32 to index
        %get3A_143 = tpu.vector_load %arg7[%get3A] {strides = array<i32>} : memref<1616xi32, #tpu.memory_space<vmem>>, vector<16xi32>,
        %slice3A = vector.extract_strided_slice %get3A_143 {offsets = [0], sizes = [1], strides = [1]} : vector<16xi32> to vector<1xi32>
        %squeeze3A = vector.extract %slice3A[0] : i32 from vector<1xi32>
        %add3A_144 = arith.addi %mul3A_139, %squeeze3A : i32
        %get3A_145 = arith.index_cast %add3A_144 : i32 to index
        %get3A_146 = tpu.vector_load %arg6[%get3A_145] {strides = array<i32>} : memref<83984xi32, #tpu.memory_space<vmem>>, vector<16xi32>,
        %slice3A_147 = vector.extract_strided_slice %get3A_146 {offsets = [0], sizes = [1], strides = [1]} : vector<16xi32> to vector<1xi32>
        %squeeze3A_148 = vector.extract %slice3A_147[0] : i32 from vector<1xi32>
        %lt3A = arith.constant 0 : i32
        %lt3A_149 = arith.cmpi slt, %squeeze3A_148, %lt3A : i32
        %mul3A_150 = arith.constant 100 : i32
        %mul3A_151 = arith.muli %scan3A_126, %mul3A_150 : i32
        %add3A_152 = arith.addi %mul3A_151, %scan3A_136 : i32
        %select_n3A = arith.select %lt3A_149, %add3A_152, %squeeze3A_148 : i32
        %broadcast_in_dim3A_153 = vector.broadcast %add3A_144 : i32 to vector<16xi32>
        %broadcast_in_dim3A_154 = vector.broadcast %select_n3A : i32 to vector<16xi32>
        tpu.vector_store_idx %arg6[%broadcast_in_dim3A_153], %broadcast_in_dim3A_154 masked %eq3A_11 : memref<83984xi32, #tpu.memory_space<vmem>>[vector<16xi32>], vector<16xi32>, vector<16xi1>
        %scan3A_155 = arith.constant 0 : i32
        scf.yield %scan3A_155 : i32
      }
      %scan3A_134 = arith.constant 100 : i32
      %scan3A_135 = arith.constant 0 : i32
      scf.yield %scan3A_135 : i32
    }
    %scan3A_93 = arith.constant 8 : i32
    %mul3A_94 = arith.constant 4096 : i32
    %mul3A_95 = vector.broadcast %mul3A_94 : i32 to vector<16xi32>
    %mul3A_96 = arith.muli %and3A_4, %mul3A_95 : vector<16xi32>
    %mul3A_97 = arith.constant 25600 : i32
    %mul3A_98 = vector.broadcast %mul3A_97 : i32 to vector<16xi32>
    %mul3A_99 = arith.muli %shift_right_logical3A_6, %mul3A_98 : vector<16xi32>
    %add3A_100 = arith.constant 32768 : i32
    %add3A_101 = vector.broadcast %add3A_100 : i32 to vector<16xi32>
    %add3A_102 = arith.addi %add3A_101, %mul3A_99 : vector<16xi32>
    %scan3A_103 = arith.constant 0 : i32
    %scan3A_104 = arith.constant 0 : i32
    %scan3A_105 = arith.constant 16 : i32
    %scan3A_106 = arith.addi %scan3A_104, %scan3A_105 : i32
    %scan3A_107 = arith.constant 1 : i32
    %scan3A_108 = scf.for %scan3A_126 = %scan3A_104 to %scan3A_106 step %scan3A_107 iter_args(%scan3A_127 = %scan3A_103) -> (i32)  : i32 {
      %add3A_128 = arith.constant 0 : i32
      %add3A_129 = arith.addi %mul3A_2, %add3A_128 : i32
      %mul3A_130 = arith.constant 65536 : i32
      %mul3A_131 = arith.muli %add3A_129, %mul3A_130 : i32
      %mul3A_132 = arith.constant 4096 : i32
      %mul3A_133 = arith.muli %scan3A_126, %mul3A_132 : i32
      %add3A_134 = arith.addi %mul3A_131, %mul3A_133 : i32
      %dma_start3A = arith.constant 0 : i32
      %dma_start3A_135 = tpu.memref_slice %arg5[%dma_start3A] : memref<32768xf32, #tpu.memory_space<vmem>> -> memref<4096xf32, #tpu.memory_space<vmem>>
      %dma_start3A_136 = tpu.memref_slice %arg2[%add3A_134] : memref<16777216xf32, #tpu.memory_space<hbm>> -> memref<4096xf32, #tpu.memory_space<hbm>>
      %dma_start3A_137 = arith.constant 0 : i32
      %dma_start3A_138 = tpu.memref_slice %arg5[%dma_start3A_137] : memref<32768xf32, #tpu.memory_space<vmem>> -> memref<4096xf32, #tpu.memory_space<vmem>>
      %dma_start3A_139 = tpu.memref_slice %arg2[%add3A_134] : memref<16777216xf32, #tpu.memory_space<hbm>> -> memref<4096xf32, #tpu.memory_space<hbm>>
      tpu.enqueue_dma source(%dma_start3A_139 : memref<4096xf32, #tpu.memory_space<hbm>>) target(%dma_start3A_138 : memref<4096xf32, #tpu.memory_space<vmem>>) target_semaphore(%arg10 : memref<!tpu.dma_semaphore, #tpu.memory_space<semaphore_mem>>)
      %add3A_140 = arith.constant 1 : i32
      %add3A_141 = arith.addi %mul3A_2, %add3A_140 : i32
      %mul3A_142 = arith.constant 65536 : i32
      %mul3A_143 = arith.muli %add3A_141, %mul3A_142 : i32
      %mul3A_144 = arith.constant 4096 : i32
      %mul3A_145 = arith.muli %scan3A_126, %mul3A_144 : i32
      %add3A_146 = arith.addi %mul3A_143, %mul3A_145 : i32
      %dma_start3A_147 = arith.constant 4096 : i32
      %dma_start3A_148 = tpu.memref_slice %arg5[%dma_start3A_147] : memref<32768xf32, #tpu.memory_space<vmem>> -> memref<4096xf32, #tpu.memory_space<vmem>>
      %dma_start3A_149 = tpu.memref_slice %arg2[%add3A_146] : memref<16777216xf32, #tpu.memory_space<hbm>> -> memref<4096xf32, #tpu.memory_space<hbm>>
      %dma_start3A_150 = arith.constant 4096 : i32
      %dma_start3A_151 = tpu.memref_slice %arg5[%dma_start3A_150] : memref<32768xf32, #tpu.memory_space<vmem>> -> memref<4096xf32, #tpu.memory_space<vmem>>
      %dma_start3A_152 = tpu.memref_slice %arg2[%add3A_146] : memref<16777216xf32, #tpu.memory_space<hbm>> -> memref<4096xf32, #tpu.memory_space<hbm>>
      tpu.enqueue_dma source(%dma_start3A_152 : memref<4096xf32, #tpu.memory_space<hbm>>) target(%dma_start3A_151 : memref<4096xf32, #tpu.memory_space<vmem>>) target_semaphore(%arg10 : memref<!tpu.dma_semaphore, #tpu.memory_space<semaphore_mem>>)
      %add3A_153 = arith.constant 2 : i32
      %add3A_154 = arith.addi %mul3A_2, %add3A_153 : i32
      %mul3A_155 = arith.constant 65536 : i32
      %mul3A_156 = arith.muli %add3A_154, %mul3A_155 : i32
      %mul3A_157 = arith.constant 4096 : i32
      %mul3A_158 = arith.muli %scan3A_126, %mul3A_157 : i32
      %add3A_159 = arith.addi %mul3A_156, %mul3A_158 : i32
      %dma_start3A_160 = arith.constant 8192 : i32
      %dma_start3A_161 = tpu.memref_slice %arg5[%dma_start3A_160] : memref<32768xf32, #tpu.memory_space<vmem>> -> memref<4096xf32, #tpu.memory_space<vmem>>
      %dma_start3A_162 = tpu.memref_slice %arg2[%add3A_159] : memref<16777216xf32, #tpu.memory_space<hbm>> -> memref<4096xf32, #tpu.memory_space<hbm>>
      %dma_start3A_163 = arith.constant 8192 : i32
      %dma_start3A_164 = tpu.memref_slice %arg5[%dma_start3A_163] : memref<32768xf32, #tpu.memory_space<vmem>> -> memref<4096xf32, #tpu.memory_space<vmem>>
      %dma_start3A_165 = tpu.memref_slice %arg2[%add3A_159] : memref<16777216xf32, #tpu.memory_space<hbm>> -> memref<4096xf32, #tpu.memory_space<hbm>>
      tpu.enqueue_dma source(%dma_start3A_165 : memref<4096xf32, #tpu.memory_space<hbm>>) target(%dma_start3A_164 : memref<4096xf32, #tpu.memory_space<vmem>>) target_semaphore(%arg10 : memref<!tpu.dma_semaphore, #tpu.memory_space<semaphore_mem>>)
      %add3A_166 = arith.constant 3 : i32
      %add3A_167 = arith.addi %mul3A_2, %add3A_166 : i32
      %mul3A_168 = arith.constant 65536 : i32
      %mul3A_169 = arith.muli %add3A_167, %mul3A_168 : i32
      %mul3A_170 = arith.constant 4096 : i32
      %mul3A_171 = arith.muli %scan3A_126, %mul3A_170 : i32
      %add3A_172 = arith.addi %mul3A_169, %mul3A_171 : i32
      %dma_start3A_173 = arith.constant 12288 : i32
      %dma_start3A_174 = tpu.memref_slice %arg5[%dma_start3A_173] : memref<32768xf32, #tpu.memory_space<vmem>> -> memref<4096xf32, #tpu.memory_space<vmem>>
      %dma_start3A_175 = tpu.memref_slice %arg2[%add3A_172] : memref<16777216xf32, #tpu.memory_space<hbm>> -> memref<4096xf32, #tpu.memory_space<hbm>>
      %dma_start3A_176 = arith.constant 12288 : i32
      %dma_start3A_177 = tpu.memref_slice %arg5[%dma_start3A_176] : memref<32768xf32, #tpu.memory_space<vmem>> -> memref<4096xf32, #tpu.memory_space<vmem>>
      %dma_start3A_178 = tpu.memref_slice %arg2[%add3A_172] : memref<16777216xf32, #tpu.memory_space<hbm>> -> memref<4096xf32, #tpu.memory_space<hbm>>
      tpu.enqueue_dma source(%dma_start3A_178 : memref<4096xf32, #tpu.memory_space<hbm>>) target(%dma_start3A_177 : memref<4096xf32, #tpu.memory_space<vmem>>) target_semaphore(%arg10 : memref<!tpu.dma_semaphore, #tpu.memory_space<semaphore_mem>>)
      %add3A_179 = arith.constant 4 : i32
      %add3A_180 = arith.addi %mul3A_2, %add3A_179 : i32
      %mul3A_181 = arith.constant 65536 : i32
      %mul3A_182 = arith.muli %add3A_180, %mul3A_181 : i32
      %mul3A_183 = arith.constant 4096 : i32
      %mul3A_184 = arith.muli %scan3A_126, %mul3A_183 : i32
      %add3A_185 = arith.addi %mul3A_182, %mul3A_184 : i32
      %dma_start3A_186 = arith.constant 16384 : i32
      %dma_start3A_187 = tpu.memref_slice %arg5[%dma_start3A_186] : memref<32768xf32, #tpu.memory_space<vmem>> -> memref<4096xf32, #tpu.memory_space<vmem>>
      %dma_start3A_188 = tpu.memref_slice %arg2[%add3A_185] : memref<16777216xf32, #tpu.memory_space<hbm>> -> memref<4096xf32, #tpu.memory_space<hbm>>
      %dma_start3A_189 = arith.constant 16384 : i32
      %dma_start3A_190 = tpu.memref_slice %arg5[%dma_start3A_189] : memref<32768xf32, #tpu.memory_space<vmem>> -> memref<4096xf32, #tpu.memory_space<vmem>>
      %dma_start3A_191 = tpu.memref_slice %arg2[%add3A_185] : memref<16777216xf32, #tpu.memory_space<hbm>> -> memref<4096xf32, #tpu.memory_space<hbm>>
      tpu.enqueue_dma source(%dma_start3A_191 : memref<4096xf32, #tpu.memory_space<hbm>>) target(%dma_start3A_190 : memref<4096xf32, #tpu.memory_space<vmem>>) target_semaphore(%arg10 : memref<!tpu.dma_semaphore, #tpu.memory_space<semaphore_mem>>)
      %add3A_192 = arith.constant 5 : i32
      %add3A_193 = arith.addi %mul3A_2, %add3A_192 : i32
      %mul3A_194 = arith.constant 65536 : i32
      %mul3A_195 = arith.muli %add3A_193, %mul3A_194 : i32
      %mul3A_196 = arith.constant 4096 : i32
      %mul3A_197 = arith.muli %scan3A_126, %mul3A_196 : i32
      %add3A_198 = arith.addi %mul3A_195, %mul3A_197 : i32
      %dma_start3A_199 = arith.constant 20480 : i32
      %dma_start3A_200 = tpu.memref_slice %arg5[%dma_start3A_199] : memref<32768xf32, #tpu.memory_space<vmem>> -> memref<4096xf32, #tpu.memory_space<vmem>>
      %dma_start3A_201 = tpu.memref_slice %arg2[%add3A_198] : memref<16777216xf32, #tpu.memory_space<hbm>> -> memref<4096xf32, #tpu.memory_space<hbm>>
      %dma_start3A_202 = arith.constant 20480 : i32
      %dma_start3A_203 = tpu.memref_slice %arg5[%dma_start3A_202] : memref<32768xf32, #tpu.memory_space<vmem>> -> memref<4096xf32, #tpu.memory_space<vmem>>
      %dma_start3A_204 = tpu.memref_slice %arg2[%add3A_198] : memref<16777216xf32, #tpu.memory_space<hbm>> -> memref<4096xf32, #tpu.memory_space<hbm>>
      tpu.enqueue_dma source(%dma_start3A_204 : memref<4096xf32, #tpu.memory_space<hbm>>) target(%dma_start3A_203 : memref<4096xf32, #tpu.memory_space<vmem>>) target_semaphore(%arg10 : memref<!tpu.dma_semaphore, #tpu.memory_space<semaphore_mem>>)
      %add3A_205 = arith.constant 6 : i32
      %add3A_206 = arith.addi %mul3A_2, %add3A_205 : i32
      %mul3A_207 = arith.constant 65536 : i32
      %mul3A_208 = arith.muli %add3A_206, %mul3A_207 : i32
      %mul3A_209 = arith.constant 4096 : i32
      %mul3A_210 = arith.muli %scan3A_126, %mul3A_209 : i32
      %add3A_211 = arith.addi %mul3A_208, %mul3A_210 : i32
      %dma_start3A_212 = arith.constant 24576 : i32
      %dma_start3A_213 = tpu.memref_slice %arg5[%dma_start3A_212] : memref<32768xf32, #tpu.memory_space<vmem>> -> memref<4096xf32, #tpu.memory_space<vmem>>
      %dma_start3A_214 = tpu.memref_slice %arg2[%add3A_211] : memref<16777216xf32, #tpu.memory_space<hbm>> -> memref<4096xf32, #tpu.memory_space<hbm>>
      %dma_start3A_215 = arith.constant 24576 : i32
      %dma_start3A_216 = tpu.memref_slice %arg5[%dma_start3A_215] : memref<32768xf32, #tpu.memory_space<vmem>> -> memref<4096xf32, #tpu.memory_space<vmem>>
      %dma_start3A_217 = tpu.memref_slice %arg2[%add3A_211] : memref<16777216xf32, #tpu.memory_space<hbm>> -> memref<4096xf32, #tpu.memory_space<hbm>>
      tpu.enqueue_dma source(%dma_start3A_217 : memref<4096xf32, #tpu.memory_space<hbm>>) target(%dma_start3A_216 : memref<4096xf32, #tpu.memory_space<vmem>>) target_semaphore(%arg10 : memref<!tpu.dma_semaphore, #tpu.memory_space<semaphore_mem>>)
      %add3A_218 = arith.constant 7 : i32
      %add3A_219 = arith.addi %mul3A_2, %add3A_218 : i32
      %mul3A_220 = arith.constant 65536 : i32
      %mul3A_221 = arith.muli %add3A_219, %mul3A_220 : i32
      %mul3A_222 = arith.constant 4096 : i32
      %mul3A_223 = arith.muli %scan3A_126, %mul3A_222 : i32
      %add3A_224 = arith.addi %mul3A_221, %mul3A_223 : i32
      %dma_start3A_225 = arith.constant 28672 : i32
      %dma_start3A_226 = tpu.memref_slice %arg5[%dma_start3A_225] : memref<32768xf32, #tpu.memory_space<vmem>> -> memref<4096xf32, #tpu.memory_space<vmem>>
      %dma_start3A_227 = tpu.memref_slice %arg2[%add3A_224] : memref<16777216xf32, #tpu.memory_space<hbm>> -> memref<4096xf32, #tpu.memory_space<hbm>>
      %dma_start3A_228 = arith.constant 28672 : i32
      %dma_start3A_229 = tpu.memref_slice %arg5[%dma_start3A_228] : memref<32768xf32, #tpu.memory_space<vmem>> -> memref<4096xf32, #tpu.memory_space<vmem>>
      %dma_start3A_230 = tpu.memref_slice %arg2[%add3A_224] : memref<16777216xf32, #tpu.memory_space<hbm>> -> memref<4096xf32, #tpu.memory_space<hbm>>
      tpu.enqueue_dma source(%dma_start3A_230 : memref<4096xf32, #tpu.memory_space<hbm>>) target(%dma_start3A_229 : memref<4096xf32, #tpu.memory_space<vmem>>) target_semaphore(%arg10 : memref<!tpu.dma_semaphore, #tpu.memory_space<semaphore_mem>>)
      %dma_wait3A = arith.constant 0 : i32
      %dma_wait3A_231 = tpu.memref_slice %arg5[%dma_wait3A] : memref<32768xf32, #tpu.memory_space<vmem>> -> memref<4096xf32, #tpu.memory_space<vmem>>
      %dma_wait3A_232 = tpu.memref_slice %arg2[%add3A_134] : memref<16777216xf32, #tpu.memory_space<hbm>> -> memref<4096xf32, #tpu.memory_space<hbm>>
      %dma_wait3A_233 = arith.constant 0 : i32
      %dma_wait3A_234 = tpu.memref_slice %arg5[%dma_wait3A_233] : memref<32768xf32, #tpu.memory_space<vmem>> -> memref<4096xf32, #tpu.memory_space<vmem>>
      %dma_wait3A_235 = tpu.memref_slice %arg2[%add3A_134] : memref<16777216xf32, #tpu.memory_space<hbm>> -> memref<4096xf32, #tpu.memory_space<hbm>>
      tpu.wait_dma2 semaphore(%arg10 : memref<!tpu.dma_semaphore, #tpu.memory_space<semaphore_mem>>) src(%dma_wait3A_235 : memref<4096xf32, #tpu.memory_space<hbm>>) dst(%dma_wait3A_234 : memref<4096xf32, #tpu.memory_space<vmem>>)
      %dma_wait3A_236 = arith.constant 4096 : i32
      %dma_wait3A_237 = tpu.memref_slice %arg5[%dma_wait3A_236] : memref<32768xf32, #tpu.memory_space<vmem>> -> memref<4096xf32, #tpu.memory_space<vmem>>
      %dma_wait3A_238 = tpu.memref_slice %arg2[%add3A_146] : memref<16777216xf32, #tpu.memory_space<hbm>> -> memref<4096xf32, #tpu.memory_space<hbm>>
      %dma_wait3A_239 = arith.constant 4096 : i32
      %dma_wait3A_240 = tpu.memref_slice %arg5[%dma_wait3A_239] : memref<32768xf32, #tpu.memory_space<vmem>> -> memref<4096xf32, #tpu.memory_space<vmem>>
      %dma_wait3A_241 = tpu.memref_slice %arg2[%add3A_146] : memref<16777216xf32, #tpu.memory_space<hbm>> -> memref<4096xf32, #tpu.memory_space<hbm>>
      tpu.wait_dma2 semaphore(%arg10 : memref<!tpu.dma_semaphore, #tpu.memory_space<semaphore_mem>>) src(%dma_wait3A_241 : memref<4096xf32, #tpu.memory_space<hbm>>) dst(%dma_wait3A_240 : memref<4096xf32, #tpu.memory_space<vmem>>)
      %dma_wait3A_242 = arith.constant 8192 : i32
      %dma_wait3A_243 = tpu.memref_slice %arg5[%dma_wait3A_242] : memref<32768xf32, #tpu.memory_space<vmem>> -> memref<4096xf32, #tpu.memory_space<vmem>>
      %dma_wait3A_244 = tpu.memref_slice %arg2[%add3A_159] : memref<16777216xf32, #tpu.memory_space<hbm>> -> memref<4096xf32, #tpu.memory_space<hbm>>
      %dma_wait3A_245 = arith.constant 8192 : i32
      %dma_wait3A_246 = tpu.memref_slice %arg5[%dma_wait3A_245] : memref<32768xf32, #tpu.memory_space<vmem>> -> memref<4096xf32, #tpu.memory_space<vmem>>
      %dma_wait3A_247 = tpu.memref_slice %arg2[%add3A_159] : memref<16777216xf32, #tpu.memory_space<hbm>> -> memref<4096xf32, #tpu.memory_space<hbm>>
      tpu.wait_dma2 semaphore(%arg10 : memref<!tpu.dma_semaphore, #tpu.memory_space<semaphore_mem>>) src(%dma_wait3A_247 : memref<4096xf32, #tpu.memory_space<hbm>>) dst(%dma_wait3A_246 : memref<4096xf32, #tpu.memory_space<vmem>>)
      %dma_wait3A_248 = arith.constant 12288 : i32
      %dma_wait3A_249 = tpu.memref_slice %arg5[%dma_wait3A_248] : memref<32768xf32, #tpu.memory_space<vmem>> -> memref<4096xf32, #tpu.memory_space<vmem>>
      %dma_wait3A_250 = tpu.memref_slice %arg2[%add3A_172] : memref<16777216xf32, #tpu.memory_space<hbm>> -> memref<4096xf32, #tpu.memory_space<hbm>>
      %dma_wait3A_251 = arith.constant 12288 : i32
      %dma_wait3A_252 = tpu.memref_slice %arg5[%dma_wait3A_251] : memref<32768xf32, #tpu.memory_space<vmem>> -> memref<4096xf32, #tpu.memory_space<vmem>>
      %dma_wait3A_253 = tpu.memref_slice %arg2[%add3A_172] : memref<16777216xf32, #tpu.memory_space<hbm>> -> memref<4096xf32, #tpu.memory_space<hbm>>
      tpu.wait_dma2 semaphore(%arg10 : memref<!tpu.dma_semaphore, #tpu.memory_space<semaphore_mem>>) src(%dma_wait3A_253 : memref<4096xf32, #tpu.memory_space<hbm>>) dst(%dma_wait3A_252 : memref<4096xf32, #tpu.memory_space<vmem>>)
      %dma_wait3A_254 = arith.constant 16384 : i32
      %dma_wait3A_255 = tpu.memref_slice %arg5[%dma_wait3A_254] : memref<32768xf32, #tpu.memory_space<vmem>> -> memref<4096xf32, #tpu.memory_space<vmem>>
      %dma_wait3A_256 = tpu.memref_slice %arg2[%add3A_185] : memref<16777216xf32, #tpu.memory_space<hbm>> -> memref<4096xf32, #tpu.memory_space<hbm>>
      %dma_wait3A_257 = arith.constant 16384 : i32
      %dma_wait3A_258 = tpu.memref_slice %arg5[%dma_wait3A_257] : memref<32768xf32, #tpu.memory_space<vmem>> -> memref<4096xf32, #tpu.memory_space<vmem>>
      %dma_wait3A_259 = tpu.memref_slice %arg2[%add3A_185] : memref<16777216xf32, #tpu.memory_space<hbm>> -> memref<4096xf32, #tpu.memory_space<hbm>>
      tpu.wait_dma2 semaphore(%arg10 : memref<!tpu.dma_semaphore, #tpu.memory_space<semaphore_mem>>) src(%dma_wait3A_259 : memref<4096xf32, #tpu.memory_space<hbm>>) dst(%dma_wait3A_258 : memref<4096xf32, #tpu.memory_space<vmem>>)
      %dma_wait3A_260 = arith.constant 20480 : i32
      %dma_wait3A_261 = tpu.memref_slice %arg5[%dma_wait3A_260] : memref<32768xf32, #tpu.memory_space<vmem>> -> memref<4096xf32, #tpu.memory_space<vmem>>
      %dma_wait3A_262 = tpu.memref_slice %arg2[%add3A_198] : memref<16777216xf32, #tpu.memory_space<hbm>> -> memref<4096xf32, #tpu.memory_space<hbm>>
      %dma_wait3A_263 = arith.constant 20480 : i32
      %dma_wait3A_264 = tpu.memref_slice %arg5[%dma_wait3A_263] : memref<32768xf32, #tpu.memory_space<vmem>> -> memref<4096xf32, #tpu.memory_space<vmem>>
      %dma_wait3A_265 = tpu.memref_slice %arg2[%add3A_198] : memref<16777216xf32, #tpu.memory_space<hbm>> -> memref<4096xf32, #tpu.memory_space<hbm>>
      tpu.wait_dma2 semaphore(%arg10 : memref<!tpu.dma_semaphore, #tpu.memory_space<semaphore_mem>>) src(%dma_wait3A_265 : memref<4096xf32, #tpu.memory_space<hbm>>) dst(%dma_wait3A_264 : memref<4096xf32, #tpu.memory_space<vmem>>)
      %dma_wait3A_266 = arith.constant 24576 : i32
      %dma_wait3A_267 = tpu.memref_slice %arg5[%dma_wait3A_266] : memref<32768xf32, #tpu.memory_space<vmem>> -> memref<4096xf32, #tpu.memory_space<vmem>>
      %dma_wait3A_268 = tpu.memref_slice %arg2[%add3A_211] : memref<16777216xf32, #tpu.memory_space<hbm>> -> memref<4096xf32, #tpu.memory_space<hbm>>
      %dma_wait3A_269 = arith.constant 24576 : i32
      %dma_wait3A_270 = tpu.memref_slice %arg5[%dma_wait3A_269] : memref<32768xf32, #tpu.memory_space<vmem>> -> memref<4096xf32, #tpu.memory_space<vmem>>
      %dma_wait3A_271 = tpu.memref_slice %arg2[%add3A_211] : memref<16777216xf32, #tpu.memory_space<hbm>> -> memref<4096xf32, #tpu.memory_space<hbm>>
      tpu.wait_dma2 semaphore(%arg10 : memref<!tpu.dma_semaphore, #tpu.memory_space<semaphore_mem>>) src(%dma_wait3A_271 : memref<4096xf32, #tpu.memory_space<hbm>>) dst(%dma_wait3A_270 : memref<4096xf32, #tpu.memory_space<vmem>>)
      %dma_wait3A_272 = arith.constant 28672 : i32
      %dma_wait3A_273 = tpu.memref_slice %arg5[%dma_wait3A_272] : memref<32768xf32, #tpu.memory_space<vmem>> -> memref<4096xf32, #tpu.memory_space<vmem>>
      %dma_wait3A_274 = tpu.memref_slice %arg2[%add3A_224] : memref<16777216xf32, #tpu.memory_space<hbm>> -> memref<4096xf32, #tpu.memory_space<hbm>>
      %dma_wait3A_275 = arith.constant 28672 : i32
      %dma_wait3A_276 = tpu.memref_slice %arg5[%dma_wait3A_275] : memref<32768xf32, #tpu.memory_space<vmem>> -> memref<4096xf32, #tpu.memory_space<vmem>>
      %dma_wait3A_277 = tpu.memref_slice %arg2[%add3A_224] : memref<16777216xf32, #tpu.memory_space<hbm>> -> memref<4096xf32, #tpu.memory_space<hbm>>
      tpu.wait_dma2 semaphore(%arg10 : memref<!tpu.dma_semaphore, #tpu.memory_space<semaphore_mem>>) src(%dma_wait3A_277 : memref<4096xf32, #tpu.memory_space<hbm>>) dst(%dma_wait3A_276 : memref<4096xf32, #tpu.memory_space<vmem>>)
      %parallel_loop3A_278 = arith.constant 0 : i32
      %parallel_loop3A_279 = arith.constant 2048 : i32
      %parallel_loop3A_280 = arith.constant 1 : i32
      scf.for %parallel_loop3A_282 = %parallel_loop3A_278 to %parallel_loop3A_279 step %parallel_loop3A_280  : i32 {
        %parallel_loop3A_283 = arith.constant 2 : i32
        %parallel_loop3A_284 = arith.muli %parallel_loop3A_282, %parallel_loop3A_283 : i32
        %parallel_loop3A_285 = vector.broadcast %parallel_loop3A_284 : i32 to vector<16xi32>
        %parallel_loop3A_286 = arith.addi %add3A_47, %parallel_loop3A_285 : vector<16xi32>
        %parallel_loop3A_287 = tpu.vector_load_idx %arg5[%parallel_loop3A_286] : memref<32768xf32, #tpu.memory_space<vmem>>[vector<16xi32>], vector<16xf32>,
        %parallel_loop3A_288 = arith.subf %parallel_loop3A_287, %gather3A : vector<16xf32>
        %parallel_loop3A_289 = arith.mulf %parallel_loop3A_288, %div3A_21 : vector<16xf32>
        %parallel_loop3A_290 = arith.fptosi %parallel_loop3A_289 : vector<16xf32> to vector<16xi32>
        %parallel_loop3A_291 = arith.constant 4095 : i32
        %parallel_loop3A_292 = vector.broadcast %parallel_loop3A_291 : i32 to vector<16xi32>
        %parallel_loop3A_293 = arith.minsi %parallel_loop3A_290, %parallel_loop3A_292 : vector<16xi32>
        %parallel_loop3A_294 = arith.addi %mul3A_96, %parallel_loop3A_293 : vector<16xi32>
        %parallel_loop3A_295 = tpu.vector_load_idx %arg6[%parallel_loop3A_294] : memref<83984xi32, #tpu.memory_space<vmem>>[vector<16xi32>], vector<16xi32>,
        %parallel_loop3A_296 = arith.constant 0 : i32
        %parallel_loop3A_297 = vector.broadcast %parallel_loop3A_296 : i32 to vector<16xi32>
        %parallel_loop3A_298 = arith.cmpi sge, %parallel_loop3A_295, %parallel_loop3A_297 : vector<16xi32>
        %parallel_loop3A_299 = arith.constant 0 : i32
        %parallel_loop3A_300 = vector.broadcast %parallel_loop3A_299 : i32 to vector<16xi32>
        %parallel_loop3A_301 = arith.maxsi %parallel_loop3A_295, %parallel_loop3A_300 : vector<16xi32>
        %parallel_loop3A_302 = arith.sitofp %parallel_loop3A_293 : vector<16xi32> to vector<16xf32>
        %parallel_loop3A_303 = arith.mulf %parallel_loop3A_302, %mul3A_24 : vector<16xf32>
        %parallel_loop3A_304 = arith.addf %gather3A, %parallel_loop3A_303 : vector<16xf32>
        %parallel_loop3A_305 = arith.subf %parallel_loop3A_287, %parallel_loop3A_304 : vector<16xf32>
        %parallel_loop3A_306 = arith.mulf %parallel_loop3A_305, %mul3A_27 : vector<16xf32>
        %parallel_loop3A_307 = arith.fptosi %parallel_loop3A_306 : vector<16xf32> to vector<16xi32>
        %parallel_loop3A_308 = arith.constant 0 : i32
        %parallel_loop3A_309 = arith.constant 31 : i32
        %parallel_loop3A_310 = vector.broadcast %parallel_loop3A_308 : i32 to vector<16xi32>
        %parallel_loop3A_311 = arith.maxsi %parallel_loop3A_310, %parallel_loop3A_307 : vector<16xi32>
        %parallel_loop3A_312 = vector.broadcast %parallel_loop3A_309 : i32 to vector<16xi32>
        %parallel_loop3A_313 = arith.minsi %parallel_loop3A_312, %parallel_loop3A_311 : vector<16xi32>
        %parallel_loop3A_314 = arith.constant 32 : i32
        %parallel_loop3A_315 = vector.broadcast %parallel_loop3A_314 : i32 to vector<16xi32>
        %parallel_loop3A_316 = arith.muli %parallel_loop3A_301, %parallel_loop3A_315 : vector<16xi32>
        %parallel_loop3A_317 = arith.addi %add3A_102, %parallel_loop3A_316 : vector<16xi32>
        %parallel_loop3A_318 = arith.addi %parallel_loop3A_317, %parallel_loop3A_313 : vector<16xi32>
        tpu.vector_store_idx %arg6[%parallel_loop3A_318], %broadcast_in_dim3A_7 masked %parallel_loop3A_298 {add = true} : memref<83984xi32, #tpu.memory_space<vmem>>[vector<16xi32>], vector<16xi32>, vector<16xi1>
      } {sc.loop_unroll_factor = 8 : i64, sc.parallel_access}
      %scan3A_281 = arith.constant 0 : i32
      scf.yield %scan3A_281 : i32
    }
    %scan3A_109 = arith.constant 16 : i32
    %scan3A_110 = arith.constant 0 : i32
    %scan3A_111 = arith.constant 0 : i32
    %scan3A_112 = arith.constant 1600 : i32
    %scan3A_113 = arith.addi %scan3A_111, %scan3A_112 : i32
    %scan3A_114 = arith.constant 1 : i32
    %scan3A_115 = scf.for %scan3A_126 = %scan3A_111 to %scan3A_113 step %scan3A_114 iter_args(%scan3A_127 = %scan3A_110) -> (i32)  : i32 {
      %mul3A_128 = arith.constant 16 : i32
      %mul3A_129 = arith.muli %scan3A_126, %mul3A_128 : i32
      %add3A_130 = arith.constant 32768 : i32
      %add3A_131 = arith.addi %add3A_130, %mul3A_129 : i32
      %get3A = arith.index_cast %add3A_131 : i32 to index
      %get3A_132 = tpu.vector_load %arg6[%get3A] {strides = array<i32>} : memref<83984xi32, #tpu.memory_space<vmem>>, vector<16xi32>,
      %mul3A_133 = arith.constant 16 : i32
      %mul3A_134 = arith.muli %scan3A_126, %mul3A_133 : i32
      %add3A_135 = arith.constant 58368 : i32
      %add3A_136 = arith.addi %add3A_135, %mul3A_134 : i32
      %get3A_137 = arith.index_cast %add3A_136 : i32 to index
      %get3A_138 = tpu.vector_load %arg6[%get3A_137] {strides = array<i32>} : memref<83984xi32, #tpu.memory_space<vmem>>, vector<16xi32>,
      %add3A_139 = arith.addi %get3A_132, %get3A_138 : vector<16xi32>
      %mul3A_140 = arith.constant 16 : i32
      %mul3A_141 = arith.muli %scan3A_126, %mul3A_140 : i32
      %add3A_142 = arith.constant 32768 : i32
      %add3A_143 = arith.addi %add3A_142, %mul3A_141 : i32
      %swap3A_144 = arith.index_cast %add3A_143 : i32 to index
      %swap3A_145 = tpu.vector_load %arg6[%swap3A_144] {strides = array<i32>} : memref<83984xi32, #tpu.memory_space<vmem>>, vector<16xi32>,
      tpu.vector_store %arg6[%swap3A_144], %add3A_139 {strides = array<i32>} : memref<83984xi32, #tpu.memory_space<vmem>>, vector<16xi32>,
      %scan3A_146 = arith.constant 0 : i32
      scf.yield %scan3A_146 : i32
    }
    %scan3A_116 = arith.constant 1600 : i32
    %scan3A_117 = arith.constant 0 : i32
    %scan3A_118 = arith.constant 0 : i32
    %scan3A_119 = arith.constant 8 : i32
    %scan3A_120 = arith.addi %scan3A_118, %scan3A_119 : i32
    %scan3A_121 = arith.constant 1 : i32
    %scan3A_122 = scf.for %scan3A_126 = %scan3A_118 to %scan3A_120 step %scan3A_121 iter_args(%scan3A_127 = %scan3A_117) -> (i32)  : i32 {
      %add3A_128 = arith.constant 16 : i32
      %add3A_129 = arith.addi %add3A_128, %scan3A_126 : i32
      %get3A = arith.index_cast %add3A_129 : i32 to index
      %get3A_130 = tpu.vector_load %arg8[%get3A] {strides = array<i32>} : memref<80xf32, #tpu.memory_space<vmem>>, vector<16xf32>,
      %slice3A = vector.extract_strided_slice %get3A_130 {offsets = [0], sizes = [1], strides = [1]} : vector<16xf32> to vector<1xf32>
      %squeeze3A = vector.extract %slice3A[0] : f32 from vector<1xf32>
      %add3A_131 = arith.constant 32 : i32
      %add3A_132 = arith.addi %add3A_131, %scan3A_126 : i32
      %get3A_133 = arith.index_cast %add3A_132 : i32 to index
      %get3A_134 = tpu.vector_load %arg8[%get3A_133] {strides = array<i32>} : memref<80xf32, #tpu.memory_space<vmem>>, vector<16xf32>,
      %slice3A_135 = vector.extract_strided_slice %get3A_134 {offsets = [0], sizes = [1], strides = [1]} : vector<16xf32> to vector<1xf32>
      %squeeze3A_136 = vector.extract %slice3A_135[0] : f32 from vector<1xf32>
      %mul3A_137 = arith.constant 3.125000e-02 : f32
      %mul3A_138 = arith.mulf %squeeze3A_136, %mul3A_137 : f32
      %scan3A_139 = arith.constant 0 : i32
      %scan3A_140 = arith.constant 0 : i32
      %scan3A_141 = arith.constant 100 : i32
      %scan3A_142 = arith.addi %scan3A_140, %scan3A_141 : i32
      %scan3A_143 = arith.constant 1 : i32
      %scan3A_144 = scf.for %scan3A_147 = %scan3A_140 to %scan3A_142 step %scan3A_143 iter_args(%scan3A_148 = %scan3A_139) -> (i32)  : i32 {
        %mul3A_149 = arith.constant 100 : i32
        %mul3A_150 = arith.muli %scan3A_126, %mul3A_149 : i32
        %add3A_151 = arith.addi %mul3A_150, %scan3A_147 : i32
        %get3A_152 = arith.index_cast %add3A_151 : i32 to index
        %get3A_153 = tpu.vector_load %arg7[%get3A_152] {strides = array<i32>} : memref<1616xi32, #tpu.memory_space<vmem>>, vector<16xi32>,
        %slice3A_154 = vector.extract_strided_slice %get3A_153 {offsets = [0], sizes = [1], strides = [1]} : vector<16xi32> to vector<1xi32>
        %squeeze3A_155 = vector.extract %slice3A_154[0] : i32 from vector<1xi32>
        %mul3A_156 = arith.constant 100 : i32
        %mul3A_157 = arith.muli %scan3A_126, %mul3A_156 : i32
        %add3A_158 = arith.constant 800 : i32
        %add3A_159 = arith.addi %add3A_158, %mul3A_157 : i32
        %add3A_160 = arith.addi %add3A_159, %scan3A_147 : i32
        %get3A_161 = arith.index_cast %add3A_160 : i32 to index
        %get3A_162 = tpu.vector_load %arg7[%get3A_161] {strides = array<i32>} : memref<1616xi32, #tpu.memory_space<vmem>>, vector<16xi32>,
        %slice3A_163 = vector.extract_strided_slice %get3A_162 {offsets = [0], sizes = [1], strides = [1]} : vector<16xi32> to vector<1xi32>
        %squeeze3A_164 = vector.extract %slice3A_163[0] : i32 from vector<1xi32>
        %mul3A_165 = arith.constant 4096 : i32
        %mul3A_166 = arith.muli %scan3A_126, %mul3A_165 : i32
        %add3A_167 = arith.addi %mul3A_166, %squeeze3A_155 : i32
        %get3A_168 = arith.index_cast %add3A_167 : i32 to index
        %get3A_169 = tpu.vector_load %arg6[%get3A_168] {strides = array<i32>} : memref<83984xi32, #tpu.memory_space<vmem>>, vector<16xi32>,
        %slice3A_170 = vector.extract_strided_slice %get3A_169 {offsets = [0], sizes = [1], strides = [1]} : vector<16xi32> to vector<1xi32>
        %squeeze3A_171 = vector.extract %slice3A_170[0] : i32 from vector<1xi32>
        %mul3A_172 = arith.constant 32 : i32
        %mul3A_173 = arith.muli %squeeze3A_171, %mul3A_172 : i32
        %add3A_174 = arith.constant 32768 : i32
        %add3A_175 = arith.addi %add3A_174, %mul3A_173 : i32
        %get3A_176 = arith.index_cast %add3A_175 : i32 to index
        %get3A_177 = tpu.vector_load %arg6[%get3A_176] {strides = array<i32>} : memref<83984xi32, #tpu.memory_space<vmem>>, vector<16xi32>,
        %broadcast_in_dim3A_178 = arith.constant true
        %broadcast_in_dim3A_179 = vector.broadcast %broadcast_in_dim3A_178 : i1 to vector<16xi1>
        %masked_cumsum3A = tpu.scan <sum>, %get3A_177 masked %broadcast_in_dim3A_179 : vector<16xi32>, vector<16xi1> -> vector<16xi32>
        %add3A_180 = arith.constant 16 : i32
        %add3A_181 = arith.addi %add3A_175, %add3A_180 : i32
        %get3A_182 = arith.index_cast %add3A_181 : i32 to index
        %get3A_183 = tpu.vector_load %arg6[%get3A_182] {strides = array<i32>} : memref<83984xi32, #tpu.memory_space<vmem>>, vector<16xi32>,
        %broadcast_in_dim3A_184 = arith.constant true
        %broadcast_in_dim3A_185 = vector.broadcast %broadcast_in_dim3A_184 : i1 to vector<16xi1>
        %masked_cumsum3A_186 = tpu.scan <sum>, %get3A_183 masked %broadcast_in_dim3A_185 : vector<16xi32>, vector<16xi1> -> vector<16xi32>
        %slice3A_187 = vector.extract_strided_slice %masked_cumsum3A {offsets = [15], sizes = [1], strides = [1]} : vector<16xi32> to vector<1xi32>
        %squeeze3A_188 = vector.extract %slice3A_187[0] : i32 from vector<1xi32>
        %add3A_189 = vector.broadcast %squeeze3A_188 : i32 to vector<16xi32>
        %add3A_190 = arith.addi %masked_cumsum3A_186, %add3A_189 : vector<16xi32>
        %le3A = vector.broadcast %squeeze3A_164 : i32 to vector<16xi32>
        %le3A_191 = arith.cmpi sle, %masked_cumsum3A, %le3A : vector<16xi32>
        %all_reduce_population_count3A = tpu.all_reduce %le3A_191 {dim = 0 : i64, kind = #tpu.reduction_kind<sum>} : vector<16xi1> -> vector<16xi32>
        %slice3A_192 = vector.extract_strided_slice %all_reduce_population_count3A {offsets = [0], sizes = [1], strides = [1]} : vector<16xi32> to vector<1xi32>
        %squeeze3A_193 = vector.extract %slice3A_192[0] : i32 from vector<1xi32>
        %le3A_194 = vector.broadcast %squeeze3A_164 : i32 to vector<16xi32>
        %le3A_195 = arith.cmpi sle, %add3A_190, %le3A_194 : vector<16xi32>
        %all_reduce_population_count3A_196 = tpu.all_reduce %le3A_195 {dim = 0 : i64, kind = #tpu.reduction_kind<sum>} : vector<16xi1> -> vector<16xi32>
        %slice3A_197 = vector.extract_strided_slice %all_reduce_population_count3A_196 {offsets = [0], sizes = [1], strides = [1]} : vector<16xi32> to vector<1xi32>
        %squeeze3A_198 = vector.extract %slice3A_197[0] : i32 from vector<1xi32>
        %add3A_199 = arith.addi %squeeze3A_193, %squeeze3A_198 : i32
        %convert_element_type3A = arith.sitofp %squeeze3A_155 : i32 to f32
        %mul3A_200 = arith.mulf %convert_element_type3A, %squeeze3A_136 : f32
        %add3A_201 = arith.addf %squeeze3A, %mul3A_200 : f32
        %convert_element_type3A_202 = arith.sitofp %add3A_199 : i32 to f32
        %mul3A_203 = arith.mulf %convert_element_type3A_202, %mul3A_138 : f32
        %add3A_204 = arith.addf %add3A_201, %mul3A_203 : f32
        %mul3A_205 = arith.constant 100 : i32
        %mul3A_206 = arith.muli %scan3A_126, %mul3A_205 : i32
        %add3A_207 = arith.addi %mul3A_206, %scan3A_147 : i32
        %broadcast_in_dim3A_208 = vector.broadcast %add3A_207 : i32 to vector<16xi32>
        %broadcast_in_dim3A_209 = vector.broadcast %add3A_204 : f32 to vector<16xf32>
        tpu.vector_store_idx %arg9[%broadcast_in_dim3A_208], %broadcast_in_dim3A_209 masked %eq3A_11 : memref<800xf32, #tpu.memory_space<vmem>>[vector<16xi32>], vector<16xf32>, vector<16xi1>
        %scan3A_210 = arith.constant 0 : i32
        scf.yield %scan3A_210 : i32
      }
      %scan3A_145 = arith.constant 100 : i32
      %scan3A_146 = arith.constant 0 : i32
      scf.yield %scan3A_146 : i32
    }
    %scan3A_123 = arith.constant 8 : i32
    %mul3A_124 = arith.constant 100 : i32
    %mul3A_125 = arith.muli %mul3A_2, %mul3A_124 : i32
    "tpu.region"() ({
      %run_scoped3A = tpu.sem_alloc : memref<!tpu.dma_semaphore, #tpu.memory_space<semaphore_mem>>
      %dma_start3A = tpu.memref_slice %arg4[%mul3A_125] : memref<25600xf32, #tpu.memory_space<hbm>> -> memref<800xf32, #tpu.memory_space<hbm>>
      %dma_start3A_126 = tpu.memref_slice %arg4[%mul3A_125] : memref<25600xf32, #tpu.memory_space<hbm>> -> memref<800xf32, #tpu.memory_space<hbm>>
      tpu.enqueue_dma source(%arg9 : memref<800xf32, #tpu.memory_space<vmem>>) target(%dma_start3A_126 : memref<800xf32, #tpu.memory_space<hbm>>) target_semaphore(%run_scoped3A : memref<!tpu.dma_semaphore, #tpu.memory_space<semaphore_mem>>)
      %dma_wait3A = tpu.memref_slice %arg4[%mul3A_125] : memref<25600xf32, #tpu.memory_space<hbm>> -> memref<800xf32, #tpu.memory_space<hbm>>
      %dma_wait3A_127 = tpu.memref_slice %arg4[%mul3A_125] : memref<25600xf32, #tpu.memory_space<hbm>> -> memref<800xf32, #tpu.memory_space<hbm>>
      tpu.wait_dma2 semaphore(%run_scoped3A : memref<!tpu.dma_semaphore, #tpu.memory_space<semaphore_mem>>) src(%arg9 : memref<800xf32, #tpu.memory_space<vmem>>) dst(%dma_wait3A_127 : memref<800xf32, #tpu.memory_space<hbm>>)
      tpu.yield
    }) : () -> ()
    return
  }
}

module attributes {stable_mosaic.version = 14 : i64} {
  func.func @_mm_body(%arg0: i32, %arg1: memref<2048x256xf32, #tpu.memory_space<vmem>>, %arg2: memref<16x256xf32, #tpu.memory_space<vmem>>) attributes {dimension_semantics = [#tpu.dimension_semantics<arbitrary>], iteration_bounds = array<i64: 32>, scalar_prefetch = 0 : i64, scratch_operands = 0 : i64, tpu.core_type = #tpu.core_type<tc>, window_params = [{transform_indices = @transform_0, window_bounds = array<i64: 2048, 256>}, {pipeline_mode = #tpu.pipeline_mode<synchronous>, transform_indices = @transform_1, window_bounds = array<i64: 16, 256>}]} {
    %get3A = arith.constant 0 : index
    %get3A_0 = arith.constant 0 : index
    %get3A_1 = vector.load %arg1[%get3A, %get3A_0] : memref<2048x256xf32, #tpu.memory_space<vmem>>, vector<2048x256xf32>
    %reduce_min3A = arith.constant dense<0x7F800000> : vector<256xf32>
    %reduce_min3A_2 = vector.multi_reduction <minimumf>, %get3A_1, %reduce_min3A [0] : vector<2048x256xf32> to vector<256xf32>
    %reduce_max3A = arith.constant dense<0xFF800000> : vector<256xf32>
    %reduce_max3A_3 = vector.multi_reduction <maximumf>, %get3A_1, %reduce_max3A [0] : vector<2048x256xf32> to vector<256xf32>
    %eq3A = arith.constant 0 : i32
    %eq3A_4 = arith.cmpi eq, %arg0, %eq3A : i32
    %convert_element_type3A = arith.extui %eq3A_4 : i1 to i32
    %cond3A = arith.constant 0 : i32
    %cond3A_5 = arith.cmpi ne, %convert_element_type3A, %cond3A : i32
    scf.if %cond3A_5 {
      %swap3A = arith.constant 0 : index
      %swap3A_10 = arith.constant 0 : index
      %swap3A_11 = vector.load %arg2[%swap3A, %swap3A_10] : memref<16x256xf32, #tpu.memory_space<vmem>>, vector<1x256xf32>
      %swap3A_12 = vector.shape_cast %swap3A_11 : vector<1x256xf32> to vector<256xf32>
      %swap3A_13 = vector.shape_cast %reduce_min3A_2 : vector<256xf32> to vector<1x256xf32>
      tpu.vector_store %arg2[%swap3A, %swap3A_10], %swap3A_13 {strides = array<i32>} : memref<16x256xf32, #tpu.memory_space<vmem>>, vector<1x256xf32>,
      %swap3A_14 = arith.constant 8 : index
      %swap3A_15 = arith.constant 0 : index
      %swap3A_16 = vector.load %arg2[%swap3A_14, %swap3A_15] : memref<16x256xf32, #tpu.memory_space<vmem>>, vector<1x256xf32>
      %swap3A_17 = vector.shape_cast %swap3A_16 : vector<1x256xf32> to vector<256xf32>
      %swap3A_18 = vector.shape_cast %reduce_max3A_3 : vector<256xf32> to vector<1x256xf32>
      tpu.vector_store %arg2[%swap3A_14, %swap3A_15], %swap3A_18 {strides = array<i32>} : memref<16x256xf32, #tpu.memory_space<vmem>>, vector<1x256xf32>,
    } else {
    }
    %gt3A = arith.constant 0 : i32
    %gt3A_6 = arith.cmpi sgt, %arg0, %gt3A : i32
    %convert_element_type3A_7 = arith.extui %gt3A_6 : i1 to i32
    %cond3A_8 = arith.constant 0 : i32
    %cond3A_9 = arith.cmpi ne, %convert_element_type3A_7, %cond3A_8 : i32
    scf.if %cond3A_9 {
      %get3A_10 = arith.constant 0 : index
      %get3A_11 = arith.constant 0 : index
      %get3A_12 = vector.load %arg2[%get3A_10, %get3A_11] : memref<16x256xf32, #tpu.memory_space<vmem>>, vector<1x256xf32>
      %get3A_13 = vector.shape_cast %get3A_12 : vector<1x256xf32> to vector<256xf32>
      %min3A = arith.minimumf %get3A_13, %reduce_min3A_2 : vector<256xf32>
      %swap3A = arith.constant 0 : index
      %swap3A_14 = arith.constant 0 : index
      %swap3A_15 = vector.load %arg2[%swap3A, %swap3A_14] : memref<16x256xf32, #tpu.memory_space<vmem>>, vector<1x256xf32>
      %swap3A_16 = vector.shape_cast %swap3A_15 : vector<1x256xf32> to vector<256xf32>
      %swap3A_17 = vector.shape_cast %min3A : vector<256xf32> to vector<1x256xf32>
      tpu.vector_store %arg2[%swap3A, %swap3A_14], %swap3A_17 {strides = array<i32>} : memref<16x256xf32, #tpu.memory_space<vmem>>, vector<1x256xf32>,
      %get3A_18 = arith.constant 8 : index
      %get3A_19 = arith.constant 0 : index
      %get3A_20 = vector.load %arg2[%get3A_18, %get3A_19] : memref<16x256xf32, #tpu.memory_space<vmem>>, vector<1x256xf32>
      %get3A_21 = vector.shape_cast %get3A_20 : vector<1x256xf32> to vector<256xf32>
      %max3A = arith.maximumf %get3A_21, %reduce_max3A_3 : vector<256xf32>
      %swap3A_22 = arith.constant 8 : index
      %swap3A_23 = arith.constant 0 : index
      %swap3A_24 = vector.load %arg2[%swap3A_22, %swap3A_23] : memref<16x256xf32, #tpu.memory_space<vmem>>, vector<1x256xf32>
      %swap3A_25 = vector.shape_cast %swap3A_24 : vector<1x256xf32> to vector<256xf32>
      %swap3A_26 = vector.shape_cast %max3A : vector<256xf32> to vector<1x256xf32>
      tpu.vector_store %arg2[%swap3A_22, %swap3A_23], %swap3A_26 {strides = array<i32>} : memref<16x256xf32, #tpu.memory_space<vmem>>, vector<1x256xf32>,
    } else {
    }
    return
  }
  func.func @transform_0(%arg0: i32) -> (i32, i32) {
    %c0_i32 = arith.constant 0 : i32
    %c0_i32_0 = arith.constant 0 : i32
    return %arg0, %c0_i32 : i32, i32
  }
  func.func @transform_1(%arg0: i32) -> (i32, i32) {
    %c0_i32 = arith.constant 0 : i32
    %c0_i32_0 = arith.constant 0 : i32
    %c0_i32_1 = arith.constant 0 : i32
    return %c0_i32, %c0_i32_0 : i32, i32
  }
}

module attributes {stable_mosaic.version = 14 : i64} {
  func.func @_bin_body(%arg0: i32, %arg1: memref<100x256xf32, #tpu.memory_space<vmem>>, %arg2: memref<1024x256xf32, #tpu.memory_space<vmem>>, %arg3: memref<1024x256xf32, #tpu.memory_space<vmem>>) attributes {dimension_semantics = [#tpu.dimension_semantics<arbitrary>], iteration_bounds = array<i64: 64>, scalar_prefetch = 0 : i64, scratch_operands = 0 : i64, tpu.core_type = #tpu.core_type<tc>, window_params = [{pipeline_mode = #tpu.pipeline_mode<synchronous>, transform_indices = @transform_0, window_bounds = array<i64: 100, 256>}, {transform_indices = @transform_1, window_bounds = array<i64: 1024, 256>}, {transform_indices = @transform_2, window_bounds = array<i64: 1024, 256>}]} {
    %get3A = arith.constant 0 : index
    %get3A_0 = arith.constant 0 : index
    %get3A_1 = vector.load %arg2[%get3A, %get3A_0] : memref<1024x256xf32, #tpu.memory_space<vmem>>, vector<1024x256xf32>
    %broadcast_in_dim3A = arith.constant 0.000000e+00 : f32
    %broadcast_in_dim3A_2 = vector.broadcast %broadcast_in_dim3A : f32 to vector<1024x256xf32>
    %get3A_3 = arith.constant 0 : index
    %get3A_4 = arith.constant 0 : index
    %get3A_5 = vector.load %arg1[%get3A_3, %get3A_4] : memref<100x256xf32, #tpu.memory_space<vmem>>, vector<1x256xf32>
    %get3A_6 = vector.shape_cast %get3A_5 : vector<1x256xf32> to vector<256xf32>
    %broadcast_in_dim3A_7 = vector.shape_cast %get3A_6 : vector<256xf32> to vector<1x256xf32>
    %lt3A = vector.broadcast %broadcast_in_dim3A_7 : vector<1x256xf32> to vector<1024x256xf32>
    %lt3A_8 = arith.cmpf olt, %lt3A, %get3A_1 : vector<1024x256xf32>
    %jit3A = arith.constant 1.000000e+00 : f32
    %jit3A_9 = arith.constant 0.000000e+00 : f32
    %broadcast_in_dim3A_10 = vector.broadcast %jit3A : f32 to vector<1024x256xf32>
    %broadcast_in_dim3A_11 = vector.broadcast %jit3A_9 : f32 to vector<1024x256xf32>
    %select_n3A = arith.select %lt3A_8, %broadcast_in_dim3A_10, %broadcast_in_dim3A_11 : vector<1024x256xi1>, vector<1024x256xf32>
    %add3A = arith.addf %broadcast_in_dim3A_2, %select_n3A : vector<1024x256xf32>
    %get3A_12 = arith.constant 1 : index
    %get3A_13 = arith.constant 0 : index
    %get3A_14 = vector.load %arg1[%get3A_12, %get3A_13] : memref<100x256xf32, #tpu.memory_space<vmem>>, vector<1x256xf32>
    %get3A_15 = vector.shape_cast %get3A_14 : vector<1x256xf32> to vector<256xf32>
    %broadcast_in_dim3A_16 = vector.shape_cast %get3A_15 : vector<256xf32> to vector<1x256xf32>
    %lt3A_17 = vector.broadcast %broadcast_in_dim3A_16 : vector<1x256xf32> to vector<1024x256xf32>
    %lt3A_18 = arith.cmpf olt, %lt3A_17, %get3A_1 : vector<1024x256xf32>
    %jit3A_19 = arith.constant 1.000000e+00 : f32
    %jit3A_20 = arith.constant 0.000000e+00 : f32
    %broadcast_in_dim3A_21 = vector.broadcast %jit3A_19 : f32 to vector<1024x256xf32>
    %broadcast_in_dim3A_22 = vector.broadcast %jit3A_20 : f32 to vector<1024x256xf32>
    %select_n3A_23 = arith.select %lt3A_18, %broadcast_in_dim3A_21, %broadcast_in_dim3A_22 : vector<1024x256xi1>, vector<1024x256xf32>
    %add3A_24 = arith.addf %add3A, %select_n3A_23 : vector<1024x256xf32>
    %get3A_25 = arith.constant 2 : index
    %get3A_26 = arith.constant 0 : index
    %get3A_27 = vector.load %arg1[%get3A_25, %get3A_26] : memref<100x256xf32, #tpu.memory_space<vmem>>, vector<1x256xf32>
    %get3A_28 = vector.shape_cast %get3A_27 : vector<1x256xf32> to vector<256xf32>
    %broadcast_in_dim3A_29 = vector.shape_cast %get3A_28 : vector<256xf32> to vector<1x256xf32>
    %lt3A_30 = vector.broadcast %broadcast_in_dim3A_29 : vector<1x256xf32> to vector<1024x256xf32>
    %lt3A_31 = arith.cmpf olt, %lt3A_30, %get3A_1 : vector<1024x256xf32>
    %jit3A_32 = arith.constant 1.000000e+00 : f32
    %jit3A_33 = arith.constant 0.000000e+00 : f32
    %broadcast_in_dim3A_34 = vector.broadcast %jit3A_32 : f32 to vector<1024x256xf32>
    %broadcast_in_dim3A_35 = vector.broadcast %jit3A_33 : f32 to vector<1024x256xf32>
    %select_n3A_36 = arith.select %lt3A_31, %broadcast_in_dim3A_34, %broadcast_in_dim3A_35 : vector<1024x256xi1>, vector<1024x256xf32>
    %add3A_37 = arith.addf %add3A_24, %select_n3A_36 : vector<1024x256xf32>
    %get3A_38 = arith.constant 3 : index
    %get3A_39 = arith.constant 0 : index
    %get3A_40 = vector.load %arg1[%get3A_38, %get3A_39] : memref<100x256xf32, #tpu.memory_space<vmem>>, vector<1x256xf32>
    %get3A_41 = vector.shape_cast %get3A_40 : vector<1x256xf32> to vector<256xf32>
    %broadcast_in_dim3A_42 = vector.shape_cast %get3A_41 : vector<256xf32> to vector<1x256xf32>
    %lt3A_43 = vector.broadcast %broadcast_in_dim3A_42 : vector<1x256xf32> to vector<1024x256xf32>
    %lt3A_44 = arith.cmpf olt, %lt3A_43, %get3A_1 : vector<1024x256xf32>
    %jit3A_45 = arith.constant 1.000000e+00 : f32
    %jit3A_46 = arith.constant 0.000000e+00 : f32
    %broadcast_in_dim3A_47 = vector.broadcast %jit3A_45 : f32 to vector<1024x256xf32>
    %broadcast_in_dim3A_48 = vector.broadcast %jit3A_46 : f32 to vector<1024x256xf32>
    %select_n3A_49 = arith.select %lt3A_44, %broadcast_in_dim3A_47, %broadcast_in_dim3A_48 : vector<1024x256xi1>, vector<1024x256xf32>
    %add3A_50 = arith.addf %add3A_37, %select_n3A_49 : vector<1024x256xf32>
    %get3A_51 = arith.constant 4 : index
    %get3A_52 = arith.constant 0 : index
    %get3A_53 = vector.load %arg1[%get3A_51, %get3A_52] : memref<100x256xf32, #tpu.memory_space<vmem>>, vector<1x256xf32>
    %get3A_54 = vector.shape_cast %get3A_53 : vector<1x256xf32> to vector<256xf32>
    %broadcast_in_dim3A_55 = vector.shape_cast %get3A_54 : vector<256xf32> to vector<1x256xf32>
    %lt3A_56 = vector.broadcast %broadcast_in_dim3A_55 : vector<1x256xf32> to vector<1024x256xf32>
    %lt3A_57 = arith.cmpf olt, %lt3A_56, %get3A_1 : vector<1024x256xf32>
    %jit3A_58 = arith.constant 1.000000e+00 : f32
    %jit3A_59 = arith.constant 0.000000e+00 : f32
    %broadcast_in_dim3A_60 = vector.broadcast %jit3A_58 : f32 to vector<1024x256xf32>
    %broadcast_in_dim3A_61 = vector.broadcast %jit3A_59 : f32 to vector<1024x256xf32>
    %select_n3A_62 = arith.select %lt3A_57, %broadcast_in_dim3A_60, %broadcast_in_dim3A_61 : vector<1024x256xi1>, vector<1024x256xf32>
    %add3A_63 = arith.addf %add3A_50, %select_n3A_62 : vector<1024x256xf32>
    %get3A_64 = arith.constant 5 : index
    %get3A_65 = arith.constant 0 : index
    %get3A_66 = vector.load %arg1[%get3A_64, %get3A_65] : memref<100x256xf32, #tpu.memory_space<vmem>>, vector<1x256xf32>
    %get3A_67 = vector.shape_cast %get3A_66 : vector<1x256xf32> to vector<256xf32>
    %broadcast_in_dim3A_68 = vector.shape_cast %get3A_67 : vector<256xf32> to vector<1x256xf32>
    %lt3A_69 = vector.broadcast %broadcast_in_dim3A_68 : vector<1x256xf32> to vector<1024x256xf32>
    %lt3A_70 = arith.cmpf olt, %lt3A_69, %get3A_1 : vector<1024x256xf32>
    %jit3A_71 = arith.constant 1.000000e+00 : f32
    %jit3A_72 = arith.constant 0.000000e+00 : f32
    %broadcast_in_dim3A_73 = vector.broadcast %jit3A_71 : f32 to vector<1024x256xf32>
    %broadcast_in_dim3A_74 = vector.broadcast %jit3A_72 : f32 to vector<1024x256xf32>
    %select_n3A_75 = arith.select %lt3A_70, %broadcast_in_dim3A_73, %broadcast_in_dim3A_74 : vector<1024x256xi1>, vector<1024x256xf32>
    %add3A_76 = arith.addf %add3A_63, %select_n3A_75 : vector<1024x256xf32>
    %get3A_77 = arith.constant 6 : index
    %get3A_78 = arith.constant 0 : index
    %get3A_79 = vector.load %arg1[%get3A_77, %get3A_78] : memref<100x256xf32, #tpu.memory_space<vmem>>, vector<1x256xf32>
    %get3A_80 = vector.shape_cast %get3A_79 : vector<1x256xf32> to vector<256xf32>
    %broadcast_in_dim3A_81 = vector.shape_cast %get3A_80 : vector<256xf32> to vector<1x256xf32>
    %lt3A_82 = vector.broadcast %broadcast_in_dim3A_81 : vector<1x256xf32> to vector<1024x256xf32>
    %lt3A_83 = arith.cmpf olt, %lt3A_82, %get3A_1 : vector<1024x256xf32>
    %jit3A_84 = arith.constant 1.000000e+00 : f32
    %jit3A_85 = arith.constant 0.000000e+00 : f32
    %broadcast_in_dim3A_86 = vector.broadcast %jit3A_84 : f32 to vector<1024x256xf32>
    %broadcast_in_dim3A_87 = vector.broadcast %jit3A_85 : f32 to vector<1024x256xf32>
    %select_n3A_88 = arith.select %lt3A_83, %broadcast_in_dim3A_86, %broadcast_in_dim3A_87 : vector<1024x256xi1>, vector<1024x256xf32>
    %add3A_89 = arith.addf %add3A_76, %select_n3A_88 : vector<1024x256xf32>
    %get3A_90 = arith.constant 7 : index
    %get3A_91 = arith.constant 0 : index
    %get3A_92 = vector.load %arg1[%get3A_90, %get3A_91] : memref<100x256xf32, #tpu.memory_space<vmem>>, vector<1x256xf32>
    %get3A_93 = vector.shape_cast %get3A_92 : vector<1x256xf32> to vector<256xf32>
    %broadcast_in_dim3A_94 = vector.shape_cast %get3A_93 : vector<256xf32> to vector<1x256xf32>
    %lt3A_95 = vector.broadcast %broadcast_in_dim3A_94 : vector<1x256xf32> to vector<1024x256xf32>
    %lt3A_96 = arith.cmpf olt, %lt3A_95, %get3A_1 : vector<1024x256xf32>
    %jit3A_97 = arith.constant 1.000000e+00 : f32
    %jit3A_98 = arith.constant 0.000000e+00 : f32
    %broadcast_in_dim3A_99 = vector.broadcast %jit3A_97 : f32 to vector<1024x256xf32>
    %broadcast_in_dim3A_100 = vector.broadcast %jit3A_98 : f32 to vector<1024x256xf32>
    %select_n3A_101 = arith.select %lt3A_96, %broadcast_in_dim3A_99, %broadcast_in_dim3A_100 : vector<1024x256xi1>, vector<1024x256xf32>
    %add3A_102 = arith.addf %add3A_89, %select_n3A_101 : vector<1024x256xf32>
    %get3A_103 = arith.constant 8 : index
    %get3A_104 = arith.constant 0 : index
    %get3A_105 = vector.load %arg1[%get3A_103, %get3A_104] : memref<100x256xf32, #tpu.memory_space<vmem>>, vector<1x256xf32>
    %get3A_106 = vector.shape_cast %get3A_105 : vector<1x256xf32> to vector<256xf32>
    %broadcast_in_dim3A_107 = vector.shape_cast %get3A_106 : vector<256xf32> to vector<1x256xf32>
    %lt3A_108 = vector.broadcast %broadcast_in_dim3A_107 : vector<1x256xf32> to vector<1024x256xf32>
    %lt3A_109 = arith.cmpf olt, %lt3A_108, %get3A_1 : vector<1024x256xf32>
    %jit3A_110 = arith.constant 1.000000e+00 : f32
    %jit3A_111 = arith.constant 0.000000e+00 : f32
    %broadcast_in_dim3A_112 = vector.broadcast %jit3A_110 : f32 to vector<1024x256xf32>
    %broadcast_in_dim3A_113 = vector.broadcast %jit3A_111 : f32 to vector<1024x256xf32>
    %select_n3A_114 = arith.select %lt3A_109, %broadcast_in_dim3A_112, %broadcast_in_dim3A_113 : vector<1024x256xi1>, vector<1024x256xf32>
    %add3A_115 = arith.addf %add3A_102, %select_n3A_114 : vector<1024x256xf32>
    %get3A_116 = arith.constant 9 : index
    %get3A_117 = arith.constant 0 : index
    %get3A_118 = vector.load %arg1[%get3A_116, %get3A_117] : memref<100x256xf32, #tpu.memory_space<vmem>>, vector<1x256xf32>
    %get3A_119 = vector.shape_cast %get3A_118 : vector<1x256xf32> to vector<256xf32>
    %broadcast_in_dim3A_120 = vector.shape_cast %get3A_119 : vector<256xf32> to vector<1x256xf32>
    %lt3A_121 = vector.broadcast %broadcast_in_dim3A_120 : vector<1x256xf32> to vector<1024x256xf32>
    %lt3A_122 = arith.cmpf olt, %lt3A_121, %get3A_1 : vector<1024x256xf32>
    %jit3A_123 = arith.constant 1.000000e+00 : f32
    %jit3A_124 = arith.constant 0.000000e+00 : f32
    %broadcast_in_dim3A_125 = vector.broadcast %jit3A_123 : f32 to vector<1024x256xf32>
    %broadcast_in_dim3A_126 = vector.broadcast %jit3A_124 : f32 to vector<1024x256xf32>
    %select_n3A_127 = arith.select %lt3A_122, %broadcast_in_dim3A_125, %broadcast_in_dim3A_126 : vector<1024x256xi1>, vector<1024x256xf32>
    %add3A_128 = arith.addf %add3A_115, %select_n3A_127 : vector<1024x256xf32>
    %get3A_129 = arith.constant 10 : index
    %get3A_130 = arith.constant 0 : index
    %get3A_131 = vector.load %arg1[%get3A_129, %get3A_130] : memref<100x256xf32, #tpu.memory_space<vmem>>, vector<1x256xf32>
    %get3A_132 = vector.shape_cast %get3A_131 : vector<1x256xf32> to vector<256xf32>
    %broadcast_in_dim3A_133 = vector.shape_cast %get3A_132 : vector<256xf32> to vector<1x256xf32>
    %lt3A_134 = vector.broadcast %broadcast_in_dim3A_133 : vector<1x256xf32> to vector<1024x256xf32>
    %lt3A_135 = arith.cmpf olt, %lt3A_134, %get3A_1 : vector<1024x256xf32>
    %jit3A_136 = arith.constant 1.000000e+00 : f32
    %jit3A_137 = arith.constant 0.000000e+00 : f32
    %broadcast_in_dim3A_138 = vector.broadcast %jit3A_136 : f32 to vector<1024x256xf32>
    %broadcast_in_dim3A_139 = vector.broadcast %jit3A_137 : f32 to vector<1024x256xf32>
    %select_n3A_140 = arith.select %lt3A_135, %broadcast_in_dim3A_138, %broadcast_in_dim3A_139 : vector<1024x256xi1>, vector<1024x256xf32>
    %add3A_141 = arith.addf %add3A_128, %select_n3A_140 : vector<1024x256xf32>
    %get3A_142 = arith.constant 11 : index
    %get3A_143 = arith.constant 0 : index
    %get3A_144 = vector.load %arg1[%get3A_142, %get3A_143] : memref<100x256xf32, #tpu.memory_space<vmem>>, vector<1x256xf32>
    %get3A_145 = vector.shape_cast %get3A_144 : vector<1x256xf32> to vector<256xf32>
    %broadcast_in_dim3A_146 = vector.shape_cast %get3A_145 : vector<256xf32> to vector<1x256xf32>
    %lt3A_147 = vector.broadcast %broadcast_in_dim3A_146 : vector<1x256xf32> to vector<1024x256xf32>
    %lt3A_148 = arith.cmpf olt, %lt3A_147, %get3A_1 : vector<1024x256xf32>
    %jit3A_149 = arith.constant 1.000000e+00 : f32
    %jit3A_150 = arith.constant 0.000000e+00 : f32
    %broadcast_in_dim3A_151 = vector.broadcast %jit3A_149 : f32 to vector<1024x256xf32>
    %broadcast_in_dim3A_152 = vector.broadcast %jit3A_150 : f32 to vector<1024x256xf32>
    %select_n3A_153 = arith.select %lt3A_148, %broadcast_in_dim3A_151, %broadcast_in_dim3A_152 : vector<1024x256xi1>, vector<1024x256xf32>
    %add3A_154 = arith.addf %add3A_141, %select_n3A_153 : vector<1024x256xf32>
    %get3A_155 = arith.constant 12 : index
    %get3A_156 = arith.constant 0 : index
    %get3A_157 = vector.load %arg1[%get3A_155, %get3A_156] : memref<100x256xf32, #tpu.memory_space<vmem>>, vector<1x256xf32>
    %get3A_158 = vector.shape_cast %get3A_157 : vector<1x256xf32> to vector<256xf32>
    %broadcast_in_dim3A_159 = vector.shape_cast %get3A_158 : vector<256xf32> to vector<1x256xf32>
    %lt3A_160 = vector.broadcast %broadcast_in_dim3A_159 : vector<1x256xf32> to vector<1024x256xf32>
    %lt3A_161 = arith.cmpf olt, %lt3A_160, %get3A_1 : vector<1024x256xf32>
    %jit3A_162 = arith.constant 1.000000e+00 : f32
    %jit3A_163 = arith.constant 0.000000e+00 : f32
    %broadcast_in_dim3A_164 = vector.broadcast %jit3A_162 : f32 to vector<1024x256xf32>
    %broadcast_in_dim3A_165 = vector.broadcast %jit3A_163 : f32 to vector<1024x256xf32>
    %select_n3A_166 = arith.select %lt3A_161, %broadcast_in_dim3A_164, %broadcast_in_dim3A_165 : vector<1024x256xi1>, vector<1024x256xf32>
    %add3A_167 = arith.addf %add3A_154, %select_n3A_166 : vector<1024x256xf32>
    %get3A_168 = arith.constant 13 : index
    %get3A_169 = arith.constant 0 : index
    %get3A_170 = vector.load %arg1[%get3A_168, %get3A_169] : memref<100x256xf32, #tpu.memory_space<vmem>>, vector<1x256xf32>
    %get3A_171 = vector.shape_cast %get3A_170 : vector<1x256xf32> to vector<256xf32>
    %broadcast_in_dim3A_172 = vector.shape_cast %get3A_171 : vector<256xf32> to vector<1x256xf32>
    %lt3A_173 = vector.broadcast %broadcast_in_dim3A_172 : vector<1x256xf32> to vector<1024x256xf32>
    %lt3A_174 = arith.cmpf olt, %lt3A_173, %get3A_1 : vector<1024x256xf32>
    %jit3A_175 = arith.constant 1.000000e+00 : f32
    %jit3A_176 = arith.constant 0.000000e+00 : f32
    %broadcast_in_dim3A_177 = vector.broadcast %jit3A_175 : f32 to vector<1024x256xf32>
    %broadcast_in_dim3A_178 = vector.broadcast %jit3A_176 : f32 to vector<1024x256xf32>
    %select_n3A_179 = arith.select %lt3A_174, %broadcast_in_dim3A_177, %broadcast_in_dim3A_178 : vector<1024x256xi1>, vector<1024x256xf32>
    %add3A_180 = arith.addf %add3A_167, %select_n3A_179 : vector<1024x256xf32>
    %get3A_181 = arith.constant 14 : index
    %get3A_182 = arith.constant 0 : index
    %get3A_183 = vector.load %arg1[%get3A_181, %get3A_182] : memref<100x256xf32, #tpu.memory_space<vmem>>, vector<1x256xf32>
    %get3A_184 = vector.shape_cast %get3A_183 : vector<1x256xf32> to vector<256xf32>
    %broadcast_in_dim3A_185 = vector.shape_cast %get3A_184 : vector<256xf32> to vector<1x256xf32>
    %lt3A_186 = vector.broadcast %broadcast_in_dim3A_185 : vector<1x256xf32> to vector<1024x256xf32>
    %lt3A_187 = arith.cmpf olt, %lt3A_186, %get3A_1 : vector<1024x256xf32>
    %jit3A_188 = arith.constant 1.000000e+00 : f32
    %jit3A_189 = arith.constant 0.000000e+00 : f32
    %broadcast_in_dim3A_190 = vector.broadcast %jit3A_188 : f32 to vector<1024x256xf32>
    %broadcast_in_dim3A_191 = vector.broadcast %jit3A_189 : f32 to vector<1024x256xf32>
    %select_n3A_192 = arith.select %lt3A_187, %broadcast_in_dim3A_190, %broadcast_in_dim3A_191 : vector<1024x256xi1>, vector<1024x256xf32>
    %add3A_193 = arith.addf %add3A_180, %select_n3A_192 : vector<1024x256xf32>
    %get3A_194 = arith.constant 15 : index
    %get3A_195 = arith.constant 0 : index
    %get3A_196 = vector.load %arg1[%get3A_194, %get3A_195] : memref<100x256xf32, #tpu.memory_space<vmem>>, vector<1x256xf32>
    %get3A_197 = vector.shape_cast %get3A_196 : vector<1x256xf32> to vector<256xf32>
    %broadcast_in_dim3A_198 = vector.shape_cast %get3A_197 : vector<256xf32> to vector<1x256xf32>
    %lt3A_199 = vector.broadcast %broadcast_in_dim3A_198 : vector<1x256xf32> to vector<1024x256xf32>
    %lt3A_200 = arith.cmpf olt, %lt3A_199, %get3A_1 : vector<1024x256xf32>
    %jit3A_201 = arith.constant 1.000000e+00 : f32
    %jit3A_202 = arith.constant 0.000000e+00 : f32
    %broadcast_in_dim3A_203 = vector.broadcast %jit3A_201 : f32 to vector<1024x256xf32>
    %broadcast_in_dim3A_204 = vector.broadcast %jit3A_202 : f32 to vector<1024x256xf32>
    %select_n3A_205 = arith.select %lt3A_200, %broadcast_in_dim3A_203, %broadcast_in_dim3A_204 : vector<1024x256xi1>, vector<1024x256xf32>
    %add3A_206 = arith.addf %add3A_193, %select_n3A_205 : vector<1024x256xf32>
    %get3A_207 = arith.constant 16 : index
    %get3A_208 = arith.constant 0 : index
    %get3A_209 = vector.load %arg1[%get3A_207, %get3A_208] : memref<100x256xf32, #tpu.memory_space<vmem>>, vector<1x256xf32>
    %get3A_210 = vector.shape_cast %get3A_209 : vector<1x256xf32> to vector<256xf32>
    %broadcast_in_dim3A_211 = vector.shape_cast %get3A_210 : vector<256xf32> to vector<1x256xf32>
    %lt3A_212 = vector.broadcast %broadcast_in_dim3A_211 : vector<1x256xf32> to vector<1024x256xf32>
    %lt3A_213 = arith.cmpf olt, %lt3A_212, %get3A_1 : vector<1024x256xf32>
    %jit3A_214 = arith.constant 1.000000e+00 : f32
    %jit3A_215 = arith.constant 0.000000e+00 : f32
    %broadcast_in_dim3A_216 = vector.broadcast %jit3A_214 : f32 to vector<1024x256xf32>
    %broadcast_in_dim3A_217 = vector.broadcast %jit3A_215 : f32 to vector<1024x256xf32>
    %select_n3A_218 = arith.select %lt3A_213, %broadcast_in_dim3A_216, %broadcast_in_dim3A_217 : vector<1024x256xi1>, vector<1024x256xf32>
    %add3A_219 = arith.addf %add3A_206, %select_n3A_218 : vector<1024x256xf32>
    %get3A_220 = arith.constant 17 : index
    %get3A_221 = arith.constant 0 : index
    %get3A_222 = vector.load %arg1[%get3A_220, %get3A_221] : memref<100x256xf32, #tpu.memory_space<vmem>>, vector<1x256xf32>
    %get3A_223 = vector.shape_cast %get3A_222 : vector<1x256xf32> to vector<256xf32>
    %broadcast_in_dim3A_224 = vector.shape_cast %get3A_223 : vector<256xf32> to vector<1x256xf32>
    %lt3A_225 = vector.broadcast %broadcast_in_dim3A_224 : vector<1x256xf32> to vector<1024x256xf32>
    %lt3A_226 = arith.cmpf olt, %lt3A_225, %get3A_1 : vector<1024x256xf32>
    %jit3A_227 = arith.constant 1.000000e+00 : f32
    %jit3A_228 = arith.constant 0.000000e+00 : f32
    %broadcast_in_dim3A_229 = vector.broadcast %jit3A_227 : f32 to vector<1024x256xf32>
    %broadcast_in_dim3A_230 = vector.broadcast %jit3A_228 : f32 to vector<1024x256xf32>
    %select_n3A_231 = arith.select %lt3A_226, %broadcast_in_dim3A_229, %broadcast_in_dim3A_230 : vector<1024x256xi1>, vector<1024x256xf32>
    %add3A_232 = arith.addf %add3A_219, %select_n3A_231 : vector<1024x256xf32>
    %get3A_233 = arith.constant 18 : index
    %get3A_234 = arith.constant 0 : index
    %get3A_235 = vector.load %arg1[%get3A_233, %get3A_234] : memref<100x256xf32, #tpu.memory_space<vmem>>, vector<1x256xf32>
    %get3A_236 = vector.shape_cast %get3A_235 : vector<1x256xf32> to vector<256xf32>
    %broadcast_in_dim3A_237 = vector.shape_cast %get3A_236 : vector<256xf32> to vector<1x256xf32>
    %lt3A_238 = vector.broadcast %broadcast_in_dim3A_237 : vector<1x256xf32> to vector<1024x256xf32>
    %lt3A_239 = arith.cmpf olt, %lt3A_238, %get3A_1 : vector<1024x256xf32>
    %jit3A_240 = arith.constant 1.000000e+00 : f32
    %jit3A_241 = arith.constant 0.000000e+00 : f32
    %broadcast_in_dim3A_242 = vector.broadcast %jit3A_240 : f32 to vector<1024x256xf32>
    %broadcast_in_dim3A_243 = vector.broadcast %jit3A_241 : f32 to vector<1024x256xf32>
    %select_n3A_244 = arith.select %lt3A_239, %broadcast_in_dim3A_242, %broadcast_in_dim3A_243 : vector<1024x256xi1>, vector<1024x256xf32>
    %add3A_245 = arith.addf %add3A_232, %select_n3A_244 : vector<1024x256xf32>
    %get3A_246 = arith.constant 19 : index
    %get3A_247 = arith.constant 0 : index
    %get3A_248 = vector.load %arg1[%get3A_246, %get3A_247] : memref<100x256xf32, #tpu.memory_space<vmem>>, vector<1x256xf32>
    %get3A_249 = vector.shape_cast %get3A_248 : vector<1x256xf32> to vector<256xf32>
    %broadcast_in_dim3A_250 = vector.shape_cast %get3A_249 : vector<256xf32> to vector<1x256xf32>
    %lt3A_251 = vector.broadcast %broadcast_in_dim3A_250 : vector<1x256xf32> to vector<1024x256xf32>
    %lt3A_252 = arith.cmpf olt, %lt3A_251, %get3A_1 : vector<1024x256xf32>
    %jit3A_253 = arith.constant 1.000000e+00 : f32
    %jit3A_254 = arith.constant 0.000000e+00 : f32
    %broadcast_in_dim3A_255 = vector.broadcast %jit3A_253 : f32 to vector<1024x256xf32>
    %broadcast_in_dim3A_256 = vector.broadcast %jit3A_254 : f32 to vector<1024x256xf32>
    %select_n3A_257 = arith.select %lt3A_252, %broadcast_in_dim3A_255, %broadcast_in_dim3A_256 : vector<1024x256xi1>, vector<1024x256xf32>
    %add3A_258 = arith.addf %add3A_245, %select_n3A_257 : vector<1024x256xf32>
    %get3A_259 = arith.constant 20 : index
    %get3A_260 = arith.constant 0 : index
    %get3A_261 = vector.load %arg1[%get3A_259, %get3A_260] : memref<100x256xf32, #tpu.memory_space<vmem>>, vector<1x256xf32>
    %get3A_262 = vector.shape_cast %get3A_261 : vector<1x256xf32> to vector<256xf32>
    %broadcast_in_dim3A_263 = vector.shape_cast %get3A_262 : vector<256xf32> to vector<1x256xf32>
    %lt3A_264 = vector.broadcast %broadcast_in_dim3A_263 : vector<1x256xf32> to vector<1024x256xf32>
    %lt3A_265 = arith.cmpf olt, %lt3A_264, %get3A_1 : vector<1024x256xf32>
    %jit3A_266 = arith.constant 1.000000e+00 : f32
    %jit3A_267 = arith.constant 0.000000e+00 : f32
    %broadcast_in_dim3A_268 = vector.broadcast %jit3A_266 : f32 to vector<1024x256xf32>
    %broadcast_in_dim3A_269 = vector.broadcast %jit3A_267 : f32 to vector<1024x256xf32>
    %select_n3A_270 = arith.select %lt3A_265, %broadcast_in_dim3A_268, %broadcast_in_dim3A_269 : vector<1024x256xi1>, vector<1024x256xf32>
    %add3A_271 = arith.addf %add3A_258, %select_n3A_270 : vector<1024x256xf32>
    %get3A_272 = arith.constant 21 : index
    %get3A_273 = arith.constant 0 : index
    %get3A_274 = vector.load %arg1[%get3A_272, %get3A_273] : memref<100x256xf32, #tpu.memory_space<vmem>>, vector<1x256xf32>
    %get3A_275 = vector.shape_cast %get3A_274 : vector<1x256xf32> to vector<256xf32>
    %broadcast_in_dim3A_276 = vector.shape_cast %get3A_275 : vector<256xf32> to vector<1x256xf32>
    %lt3A_277 = vector.broadcast %broadcast_in_dim3A_276 : vector<1x256xf32> to vector<1024x256xf32>
    %lt3A_278 = arith.cmpf olt, %lt3A_277, %get3A_1 : vector<1024x256xf32>
    %jit3A_279 = arith.constant 1.000000e+00 : f32
    %jit3A_280 = arith.constant 0.000000e+00 : f32
    %broadcast_in_dim3A_281 = vector.broadcast %jit3A_279 : f32 to vector<1024x256xf32>
    %broadcast_in_dim3A_282 = vector.broadcast %jit3A_280 : f32 to vector<1024x256xf32>
    %select_n3A_283 = arith.select %lt3A_278, %broadcast_in_dim3A_281, %broadcast_in_dim3A_282 : vector<1024x256xi1>, vector<1024x256xf32>
    %add3A_284 = arith.addf %add3A_271, %select_n3A_283 : vector<1024x256xf32>
    %get3A_285 = arith.constant 22 : index
    %get3A_286 = arith.constant 0 : index
    %get3A_287 = vector.load %arg1[%get3A_285, %get3A_286] : memref<100x256xf32, #tpu.memory_space<vmem>>, vector<1x256xf32>
    %get3A_288 = vector.shape_cast %get3A_287 : vector<1x256xf32> to vector<256xf32>
    %broadcast_in_dim3A_289 = vector.shape_cast %get3A_288 : vector<256xf32> to vector<1x256xf32>
    %lt3A_290 = vector.broadcast %broadcast_in_dim3A_289 : vector<1x256xf32> to vector<1024x256xf32>
    %lt3A_291 = arith.cmpf olt, %lt3A_290, %get3A_1 : vector<1024x256xf32>
    %jit3A_292 = arith.constant 1.000000e+00 : f32
    %jit3A_293 = arith.constant 0.000000e+00 : f32
    %broadcast_in_dim3A_294 = vector.broadcast %jit3A_292 : f32 to vector<1024x256xf32>
    %broadcast_in_dim3A_295 = vector.broadcast %jit3A_293 : f32 to vector<1024x256xf32>
    %select_n3A_296 = arith.select %lt3A_291, %broadcast_in_dim3A_294, %broadcast_in_dim3A_295 : vector<1024x256xi1>, vector<1024x256xf32>
    %add3A_297 = arith.addf %add3A_284, %select_n3A_296 : vector<1024x256xf32>
    %get3A_298 = arith.constant 23 : index
    %get3A_299 = arith.constant 0 : index
    %get3A_300 = vector.load %arg1[%get3A_298, %get3A_299] : memref<100x256xf32, #tpu.memory_space<vmem>>, vector<1x256xf32>
    %get3A_301 = vector.shape_cast %get3A_300 : vector<1x256xf32> to vector<256xf32>
    %broadcast_in_dim3A_302 = vector.shape_cast %get3A_301 : vector<256xf32> to vector<1x256xf32>
    %lt3A_303 = vector.broadcast %broadcast_in_dim3A_302 : vector<1x256xf32> to vector<1024x256xf32>
    %lt3A_304 = arith.cmpf olt, %lt3A_303, %get3A_1 : vector<1024x256xf32>
    %jit3A_305 = arith.constant 1.000000e+00 : f32
    %jit3A_306 = arith.constant 0.000000e+00 : f32
    %broadcast_in_dim3A_307 = vector.broadcast %jit3A_305 : f32 to vector<1024x256xf32>
    %broadcast_in_dim3A_308 = vector.broadcast %jit3A_306 : f32 to vector<1024x256xf32>
    %select_n3A_309 = arith.select %lt3A_304, %broadcast_in_dim3A_307, %broadcast_in_dim3A_308 : vector<1024x256xi1>, vector<1024x256xf32>
    %add3A_310 = arith.addf %add3A_297, %select_n3A_309 : vector<1024x256xf32>
    %get3A_311 = arith.constant 24 : index
    %get3A_312 = arith.constant 0 : index
    %get3A_313 = vector.load %arg1[%get3A_311, %get3A_312] : memref<100x256xf32, #tpu.memory_space<vmem>>, vector<1x256xf32>
    %get3A_314 = vector.shape_cast %get3A_313 : vector<1x256xf32> to vector<256xf32>
    %broadcast_in_dim3A_315 = vector.shape_cast %get3A_314 : vector<256xf32> to vector<1x256xf32>
    %lt3A_316 = vector.broadcast %broadcast_in_dim3A_315 : vector<1x256xf32> to vector<1024x256xf32>
    %lt3A_317 = arith.cmpf olt, %lt3A_316, %get3A_1 : vector<1024x256xf32>
    %jit3A_318 = arith.constant 1.000000e+00 : f32
    %jit3A_319 = arith.constant 0.000000e+00 : f32
    %broadcast_in_dim3A_320 = vector.broadcast %jit3A_318 : f32 to vector<1024x256xf32>
    %broadcast_in_dim3A_321 = vector.broadcast %jit3A_319 : f32 to vector<1024x256xf32>
    %select_n3A_322 = arith.select %lt3A_317, %broadcast_in_dim3A_320, %broadcast_in_dim3A_321 : vector<1024x256xi1>, vector<1024x256xf32>
    %add3A_323 = arith.addf %add3A_310, %select_n3A_322 : vector<1024x256xf32>
    %get3A_324 = arith.constant 25 : index
    %get3A_325 = arith.constant 0 : index
    %get3A_326 = vector.load %arg1[%get3A_324, %get3A_325] : memref<100x256xf32, #tpu.memory_space<vmem>>, vector<1x256xf32>
    %get3A_327 = vector.shape_cast %get3A_326 : vector<1x256xf32> to vector<256xf32>
    %broadcast_in_dim3A_328 = vector.shape_cast %get3A_327 : vector<256xf32> to vector<1x256xf32>
    %lt3A_329 = vector.broadcast %broadcast_in_dim3A_328 : vector<1x256xf32> to vector<1024x256xf32>
    %lt3A_330 = arith.cmpf olt, %lt3A_329, %get3A_1 : vector<1024x256xf32>
    %jit3A_331 = arith.constant 1.000000e+00 : f32
    %jit3A_332 = arith.constant 0.000000e+00 : f32
    %broadcast_in_dim3A_333 = vector.broadcast %jit3A_331 : f32 to vector<1024x256xf32>
    %broadcast_in_dim3A_334 = vector.broadcast %jit3A_332 : f32 to vector<1024x256xf32>
    %select_n3A_335 = arith.select %lt3A_330, %broadcast_in_dim3A_333, %broadcast_in_dim3A_334 : vector<1024x256xi1>, vector<1024x256xf32>
    %add3A_336 = arith.addf %add3A_323, %select_n3A_335 : vector<1024x256xf32>
    %get3A_337 = arith.constant 26 : index
    %get3A_338 = arith.constant 0 : index
    %get3A_339 = vector.load %arg1[%get3A_337, %get3A_338] : memref<100x256xf32, #tpu.memory_space<vmem>>, vector<1x256xf32>
    %get3A_340 = vector.shape_cast %get3A_339 : vector<1x256xf32> to vector<256xf32>
    %broadcast_in_dim3A_341 = vector.shape_cast %get3A_340 : vector<256xf32> to vector<1x256xf32>
    %lt3A_342 = vector.broadcast %broadcast_in_dim3A_341 : vector<1x256xf32> to vector<1024x256xf32>
    %lt3A_343 = arith.cmpf olt, %lt3A_342, %get3A_1 : vector<1024x256xf32>
    %jit3A_344 = arith.constant 1.000000e+00 : f32
    %jit3A_345 = arith.constant 0.000000e+00 : f32
    %broadcast_in_dim3A_346 = vector.broadcast %jit3A_344 : f32 to vector<1024x256xf32>
    %broadcast_in_dim3A_347 = vector.broadcast %jit3A_345 : f32 to vector<1024x256xf32>
    %select_n3A_348 = arith.select %lt3A_343, %broadcast_in_dim3A_346, %broadcast_in_dim3A_347 : vector<1024x256xi1>, vector<1024x256xf32>
    %add3A_349 = arith.addf %add3A_336, %select_n3A_348 : vector<1024x256xf32>
    %get3A_350 = arith.constant 27 : index
    %get3A_351 = arith.constant 0 : index
    %get3A_352 = vector.load %arg1[%get3A_350, %get3A_351] : memref<100x256xf32, #tpu.memory_space<vmem>>, vector<1x256xf32>
    %get3A_353 = vector.shape_cast %get3A_352 : vector<1x256xf32> to vector<256xf32>
    %broadcast_in_dim3A_354 = vector.shape_cast %get3A_353 : vector<256xf32> to vector<1x256xf32>
    %lt3A_355 = vector.broadcast %broadcast_in_dim3A_354 : vector<1x256xf32> to vector<1024x256xf32>
    %lt3A_356 = arith.cmpf olt, %lt3A_355, %get3A_1 : vector<1024x256xf32>
    %jit3A_357 = arith.constant 1.000000e+00 : f32
    %jit3A_358 = arith.constant 0.000000e+00 : f32
    %broadcast_in_dim3A_359 = vector.broadcast %jit3A_357 : f32 to vector<1024x256xf32>
    %broadcast_in_dim3A_360 = vector.broadcast %jit3A_358 : f32 to vector<1024x256xf32>
    %select_n3A_361 = arith.select %lt3A_356, %broadcast_in_dim3A_359, %broadcast_in_dim3A_360 : vector<1024x256xi1>, vector<1024x256xf32>
    %add3A_362 = arith.addf %add3A_349, %select_n3A_361 : vector<1024x256xf32>
    %get3A_363 = arith.constant 28 : index
    %get3A_364 = arith.constant 0 : index
    %get3A_365 = vector.load %arg1[%get3A_363, %get3A_364] : memref<100x256xf32, #tpu.memory_space<vmem>>, vector<1x256xf32>
    %get3A_366 = vector.shape_cast %get3A_365 : vector<1x256xf32> to vector<256xf32>
    %broadcast_in_dim3A_367 = vector.shape_cast %get3A_366 : vector<256xf32> to vector<1x256xf32>
    %lt3A_368 = vector.broadcast %broadcast_in_dim3A_367 : vector<1x256xf32> to vector<1024x256xf32>
    %lt3A_369 = arith.cmpf olt, %lt3A_368, %get3A_1 : vector<1024x256xf32>
    %jit3A_370 = arith.constant 1.000000e+00 : f32
    %jit3A_371 = arith.constant 0.000000e+00 : f32
    %broadcast_in_dim3A_372 = vector.broadcast %jit3A_370 : f32 to vector<1024x256xf32>
    %broadcast_in_dim3A_373 = vector.broadcast %jit3A_371 : f32 to vector<1024x256xf32>
    %select_n3A_374 = arith.select %lt3A_369, %broadcast_in_dim3A_372, %broadcast_in_dim3A_373 : vector<1024x256xi1>, vector<1024x256xf32>
    %add3A_375 = arith.addf %add3A_362, %select_n3A_374 : vector<1024x256xf32>
    %get3A_376 = arith.constant 29 : index
    %get3A_377 = arith.constant 0 : index
    %get3A_378 = vector.load %arg1[%get3A_376, %get3A_377] : memref<100x256xf32, #tpu.memory_space<vmem>>, vector<1x256xf32>
    %get3A_379 = vector.shape_cast %get3A_378 : vector<1x256xf32> to vector<256xf32>
    %broadcast_in_dim3A_380 = vector.shape_cast %get3A_379 : vector<256xf32> to vector<1x256xf32>
    %lt3A_381 = vector.broadcast %broadcast_in_dim3A_380 : vector<1x256xf32> to vector<1024x256xf32>
    %lt3A_382 = arith.cmpf olt, %lt3A_381, %get3A_1 : vector<1024x256xf32>
    %jit3A_383 = arith.constant 1.000000e+00 : f32
    %jit3A_384 = arith.constant 0.000000e+00 : f32
    %broadcast_in_dim3A_385 = vector.broadcast %jit3A_383 : f32 to vector<1024x256xf32>
    %broadcast_in_dim3A_386 = vector.broadcast %jit3A_384 : f32 to vector<1024x256xf32>
    %select_n3A_387 = arith.select %lt3A_382, %broadcast_in_dim3A_385, %broadcast_in_dim3A_386 : vector<1024x256xi1>, vector<1024x256xf32>
    %add3A_388 = arith.addf %add3A_375, %select_n3A_387 : vector<1024x256xf32>
    %get3A_389 = arith.constant 30 : index
    %get3A_390 = arith.constant 0 : index
    %get3A_391 = vector.load %arg1[%get3A_389, %get3A_390] : memref<100x256xf32, #tpu.memory_space<vmem>>, vector<1x256xf32>
    %get3A_392 = vector.shape_cast %get3A_391 : vector<1x256xf32> to vector<256xf32>
    %broadcast_in_dim3A_393 = vector.shape_cast %get3A_392 : vector<256xf32> to vector<1x256xf32>
    %lt3A_394 = vector.broadcast %broadcast_in_dim3A_393 : vector<1x256xf32> to vector<1024x256xf32>
    %lt3A_395 = arith.cmpf olt, %lt3A_394, %get3A_1 : vector<1024x256xf32>
    %jit3A_396 = arith.constant 1.000000e+00 : f32
    %jit3A_397 = arith.constant 0.000000e+00 : f32
    %broadcast_in_dim3A_398 = vector.broadcast %jit3A_396 : f32 to vector<1024x256xf32>
    %broadcast_in_dim3A_399 = vector.broadcast %jit3A_397 : f32 to vector<1024x256xf32>
    %select_n3A_400 = arith.select %lt3A_395, %broadcast_in_dim3A_398, %broadcast_in_dim3A_399 : vector<1024x256xi1>, vector<1024x256xf32>
    %add3A_401 = arith.addf %add3A_388, %select_n3A_400 : vector<1024x256xf32>
    %get3A_402 = arith.constant 31 : index
    %get3A_403 = arith.constant 0 : index
    %get3A_404 = vector.load %arg1[%get3A_402, %get3A_403] : memref<100x256xf32, #tpu.memory_space<vmem>>, vector<1x256xf32>
    %get3A_405 = vector.shape_cast %get3A_404 : vector<1x256xf32> to vector<256xf32>
    %broadcast_in_dim3A_406 = vector.shape_cast %get3A_405 : vector<256xf32> to vector<1x256xf32>
    %lt3A_407 = vector.broadcast %broadcast_in_dim3A_406 : vector<1x256xf32> to vector<1024x256xf32>
    %lt3A_408 = arith.cmpf olt, %lt3A_407, %get3A_1 : vector<1024x256xf32>
    %jit3A_409 = arith.constant 1.000000e+00 : f32
    %jit3A_410 = arith.constant 0.000000e+00 : f32
    %broadcast_in_dim3A_411 = vector.broadcast %jit3A_409 : f32 to vector<1024x256xf32>
    %broadcast_in_dim3A_412 = vector.broadcast %jit3A_410 : f32 to vector<1024x256xf32>
    %select_n3A_413 = arith.select %lt3A_408, %broadcast_in_dim3A_411, %broadcast_in_dim3A_412 : vector<1024x256xi1>, vector<1024x256xf32>
    %add3A_414 = arith.addf %add3A_401, %select_n3A_413 : vector<1024x256xf32>
    %get3A_415 = arith.constant 32 : index
    %get3A_416 = arith.constant 0 : index
    %get3A_417 = vector.load %arg1[%get3A_415, %get3A_416] : memref<100x256xf32, #tpu.memory_space<vmem>>, vector<1x256xf32>
    %get3A_418 = vector.shape_cast %get3A_417 : vector<1x256xf32> to vector<256xf32>
    %broadcast_in_dim3A_419 = vector.shape_cast %get3A_418 : vector<256xf32> to vector<1x256xf32>
    %lt3A_420 = vector.broadcast %broadcast_in_dim3A_419 : vector<1x256xf32> to vector<1024x256xf32>
    %lt3A_421 = arith.cmpf olt, %lt3A_420, %get3A_1 : vector<1024x256xf32>
    %jit3A_422 = arith.constant 1.000000e+00 : f32
    %jit3A_423 = arith.constant 0.000000e+00 : f32
    %broadcast_in_dim3A_424 = vector.broadcast %jit3A_422 : f32 to vector<1024x256xf32>
    %broadcast_in_dim3A_425 = vector.broadcast %jit3A_423 : f32 to vector<1024x256xf32>
    %select_n3A_426 = arith.select %lt3A_421, %broadcast_in_dim3A_424, %broadcast_in_dim3A_425 : vector<1024x256xi1>, vector<1024x256xf32>
    %add3A_427 = arith.addf %add3A_414, %select_n3A_426 : vector<1024x256xf32>
    %get3A_428 = arith.constant 33 : index
    %get3A_429 = arith.constant 0 : index
    %get3A_430 = vector.load %arg1[%get3A_428, %get3A_429] : memref<100x256xf32, #tpu.memory_space<vmem>>, vector<1x256xf32>
    %get3A_431 = vector.shape_cast %get3A_430 : vector<1x256xf32> to vector<256xf32>
    %broadcast_in_dim3A_432 = vector.shape_cast %get3A_431 : vector<256xf32> to vector<1x256xf32>
    %lt3A_433 = vector.broadcast %broadcast_in_dim3A_432 : vector<1x256xf32> to vector<1024x256xf32>
    %lt3A_434 = arith.cmpf olt, %lt3A_433, %get3A_1 : vector<1024x256xf32>
    %jit3A_435 = arith.constant 1.000000e+00 : f32
    %jit3A_436 = arith.constant 0.000000e+00 : f32
    %broadcast_in_dim3A_437 = vector.broadcast %jit3A_435 : f32 to vector<1024x256xf32>
    %broadcast_in_dim3A_438 = vector.broadcast %jit3A_436 : f32 to vector<1024x256xf32>
    %select_n3A_439 = arith.select %lt3A_434, %broadcast_in_dim3A_437, %broadcast_in_dim3A_438 : vector<1024x256xi1>, vector<1024x256xf32>
    %add3A_440 = arith.addf %add3A_427, %select_n3A_439 : vector<1024x256xf32>
    %get3A_441 = arith.constant 34 : index
    %get3A_442 = arith.constant 0 : index
    %get3A_443 = vector.load %arg1[%get3A_441, %get3A_442] : memref<100x256xf32, #tpu.memory_space<vmem>>, vector<1x256xf32>
    %get3A_444 = vector.shape_cast %get3A_443 : vector<1x256xf32> to vector<256xf32>
    %broadcast_in_dim3A_445 = vector.shape_cast %get3A_444 : vector<256xf32> to vector<1x256xf32>
    %lt3A_446 = vector.broadcast %broadcast_in_dim3A_445 : vector<1x256xf32> to vector<1024x256xf32>
    %lt3A_447 = arith.cmpf olt, %lt3A_446, %get3A_1 : vector<1024x256xf32>
    %jit3A_448 = arith.constant 1.000000e+00 : f32
    %jit3A_449 = arith.constant 0.000000e+00 : f32
    %broadcast_in_dim3A_450 = vector.broadcast %jit3A_448 : f32 to vector<1024x256xf32>
    %broadcast_in_dim3A_451 = vector.broadcast %jit3A_449 : f32 to vector<1024x256xf32>
    %select_n3A_452 = arith.select %lt3A_447, %broadcast_in_dim3A_450, %broadcast_in_dim3A_451 : vector<1024x256xi1>, vector<1024x256xf32>
    %add3A_453 = arith.addf %add3A_440, %select_n3A_452 : vector<1024x256xf32>
    %get3A_454 = arith.constant 35 : index
    %get3A_455 = arith.constant 0 : index
    %get3A_456 = vector.load %arg1[%get3A_454, %get3A_455] : memref<100x256xf32, #tpu.memory_space<vmem>>, vector<1x256xf32>
    %get3A_457 = vector.shape_cast %get3A_456 : vector<1x256xf32> to vector<256xf32>
    %broadcast_in_dim3A_458 = vector.shape_cast %get3A_457 : vector<256xf32> to vector<1x256xf32>
    %lt3A_459 = vector.broadcast %broadcast_in_dim3A_458 : vector<1x256xf32> to vector<1024x256xf32>
    %lt3A_460 = arith.cmpf olt, %lt3A_459, %get3A_1 : vector<1024x256xf32>
    %jit3A_461 = arith.constant 1.000000e+00 : f32
    %jit3A_462 = arith.constant 0.000000e+00 : f32
    %broadcast_in_dim3A_463 = vector.broadcast %jit3A_461 : f32 to vector<1024x256xf32>
    %broadcast_in_dim3A_464 = vector.broadcast %jit3A_462 : f32 to vector<1024x256xf32>
    %select_n3A_465 = arith.select %lt3A_460, %broadcast_in_dim3A_463, %broadcast_in_dim3A_464 : vector<1024x256xi1>, vector<1024x256xf32>
    %add3A_466 = arith.addf %add3A_453, %select_n3A_465 : vector<1024x256xf32>
    %get3A_467 = arith.constant 36 : index
    %get3A_468 = arith.constant 0 : index
    %get3A_469 = vector.load %arg1[%get3A_467, %get3A_468] : memref<100x256xf32, #tpu.memory_space<vmem>>, vector<1x256xf32>
    %get3A_470 = vector.shape_cast %get3A_469 : vector<1x256xf32> to vector<256xf32>
    %broadcast_in_dim3A_471 = vector.shape_cast %get3A_470 : vector<256xf32> to vector<1x256xf32>
    %lt3A_472 = vector.broadcast %broadcast_in_dim3A_471 : vector<1x256xf32> to vector<1024x256xf32>
    %lt3A_473 = arith.cmpf olt, %lt3A_472, %get3A_1 : vector<1024x256xf32>
    %jit3A_474 = arith.constant 1.000000e+00 : f32
    %jit3A_475 = arith.constant 0.000000e+00 : f32
    %broadcast_in_dim3A_476 = vector.broadcast %jit3A_474 : f32 to vector<1024x256xf32>
    %broadcast_in_dim3A_477 = vector.broadcast %jit3A_475 : f32 to vector<1024x256xf32>
    %select_n3A_478 = arith.select %lt3A_473, %broadcast_in_dim3A_476, %broadcast_in_dim3A_477 : vector<1024x256xi1>, vector<1024x256xf32>
    %add3A_479 = arith.addf %add3A_466, %select_n3A_478 : vector<1024x256xf32>
    %get3A_480 = arith.constant 37 : index
    %get3A_481 = arith.constant 0 : index
    %get3A_482 = vector.load %arg1[%get3A_480, %get3A_481] : memref<100x256xf32, #tpu.memory_space<vmem>>, vector<1x256xf32>
    %get3A_483 = vector.shape_cast %get3A_482 : vector<1x256xf32> to vector<256xf32>
    %broadcast_in_dim3A_484 = vector.shape_cast %get3A_483 : vector<256xf32> to vector<1x256xf32>
    %lt3A_485 = vector.broadcast %broadcast_in_dim3A_484 : vector<1x256xf32> to vector<1024x256xf32>
    %lt3A_486 = arith.cmpf olt, %lt3A_485, %get3A_1 : vector<1024x256xf32>
    %jit3A_487 = arith.constant 1.000000e+00 : f32
    %jit3A_488 = arith.constant 0.000000e+00 : f32
    %broadcast_in_dim3A_489 = vector.broadcast %jit3A_487 : f32 to vector<1024x256xf32>
    %broadcast_in_dim3A_490 = vector.broadcast %jit3A_488 : f32 to vector<1024x256xf32>
    %select_n3A_491 = arith.select %lt3A_486, %broadcast_in_dim3A_489, %broadcast_in_dim3A_490 : vector<1024x256xi1>, vector<1024x256xf32>
    %add3A_492 = arith.addf %add3A_479, %select_n3A_491 : vector<1024x256xf32>
    %get3A_493 = arith.constant 38 : index
    %get3A_494 = arith.constant 0 : index
    %get3A_495 = vector.load %arg1[%get3A_493, %get3A_494] : memref<100x256xf32, #tpu.memory_space<vmem>>, vector<1x256xf32>
    %get3A_496 = vector.shape_cast %get3A_495 : vector<1x256xf32> to vector<256xf32>
    %broadcast_in_dim3A_497 = vector.shape_cast %get3A_496 : vector<256xf32> to vector<1x256xf32>
    %lt3A_498 = vector.broadcast %broadcast_in_dim3A_497 : vector<1x256xf32> to vector<1024x256xf32>
    %lt3A_499 = arith.cmpf olt, %lt3A_498, %get3A_1 : vector<1024x256xf32>
    %jit3A_500 = arith.constant 1.000000e+00 : f32
    %jit3A_501 = arith.constant 0.000000e+00 : f32
    %broadcast_in_dim3A_502 = vector.broadcast %jit3A_500 : f32 to vector<1024x256xf32>
    %broadcast_in_dim3A_503 = vector.broadcast %jit3A_501 : f32 to vector<1024x256xf32>
    %select_n3A_504 = arith.select %lt3A_499, %broadcast_in_dim3A_502, %broadcast_in_dim3A_503 : vector<1024x256xi1>, vector<1024x256xf32>
    %add3A_505 = arith.addf %add3A_492, %select_n3A_504 : vector<1024x256xf32>
    %get3A_506 = arith.constant 39 : index
    %get3A_507 = arith.constant 0 : index
    %get3A_508 = vector.load %arg1[%get3A_506, %get3A_507] : memref<100x256xf32, #tpu.memory_space<vmem>>, vector<1x256xf32>
    %get3A_509 = vector.shape_cast %get3A_508 : vector<1x256xf32> to vector<256xf32>
    %broadcast_in_dim3A_510 = vector.shape_cast %get3A_509 : vector<256xf32> to vector<1x256xf32>
    %lt3A_511 = vector.broadcast %broadcast_in_dim3A_510 : vector<1x256xf32> to vector<1024x256xf32>
    %lt3A_512 = arith.cmpf olt, %lt3A_511, %get3A_1 : vector<1024x256xf32>
    %jit3A_513 = arith.constant 1.000000e+00 : f32
    %jit3A_514 = arith.constant 0.000000e+00 : f32
    %broadcast_in_dim3A_515 = vector.broadcast %jit3A_513 : f32 to vector<1024x256xf32>
    %broadcast_in_dim3A_516 = vector.broadcast %jit3A_514 : f32 to vector<1024x256xf32>
    %select_n3A_517 = arith.select %lt3A_512, %broadcast_in_dim3A_515, %broadcast_in_dim3A_516 : vector<1024x256xi1>, vector<1024x256xf32>
    %add3A_518 = arith.addf %add3A_505, %select_n3A_517 : vector<1024x256xf32>
    %get3A_519 = arith.constant 40 : index
    %get3A_520 = arith.constant 0 : index
    %get3A_521 = vector.load %arg1[%get3A_519, %get3A_520] : memref<100x256xf32, #tpu.memory_space<vmem>>, vector<1x256xf32>
    %get3A_522 = vector.shape_cast %get3A_521 : vector<1x256xf32> to vector<256xf32>
    %broadcast_in_dim3A_523 = vector.shape_cast %get3A_522 : vector<256xf32> to vector<1x256xf32>
    %lt3A_524 = vector.broadcast %broadcast_in_dim3A_523 : vector<1x256xf32> to vector<1024x256xf32>
    %lt3A_525 = arith.cmpf olt, %lt3A_524, %get3A_1 : vector<1024x256xf32>
    %jit3A_526 = arith.constant 1.000000e+00 : f32
    %jit3A_527 = arith.constant 0.000000e+00 : f32
    %broadcast_in_dim3A_528 = vector.broadcast %jit3A_526 : f32 to vector<1024x256xf32>
    %broadcast_in_dim3A_529 = vector.broadcast %jit3A_527 : f32 to vector<1024x256xf32>
    %select_n3A_530 = arith.select %lt3A_525, %broadcast_in_dim3A_528, %broadcast_in_dim3A_529 : vector<1024x256xi1>, vector<1024x256xf32>
    %add3A_531 = arith.addf %add3A_518, %select_n3A_530 : vector<1024x256xf32>
    %get3A_532 = arith.constant 41 : index
    %get3A_533 = arith.constant 0 : index
    %get3A_534 = vector.load %arg1[%get3A_532, %get3A_533] : memref<100x256xf32, #tpu.memory_space<vmem>>, vector<1x256xf32>
    %get3A_535 = vector.shape_cast %get3A_534 : vector<1x256xf32> to vector<256xf32>
    %broadcast_in_dim3A_536 = vector.shape_cast %get3A_535 : vector<256xf32> to vector<1x256xf32>
    %lt3A_537 = vector.broadcast %broadcast_in_dim3A_536 : vector<1x256xf32> to vector<1024x256xf32>
    %lt3A_538 = arith.cmpf olt, %lt3A_537, %get3A_1 : vector<1024x256xf32>
    %jit3A_539 = arith.constant 1.000000e+00 : f32
    %jit3A_540 = arith.constant 0.000000e+00 : f32
    %broadcast_in_dim3A_541 = vector.broadcast %jit3A_539 : f32 to vector<1024x256xf32>
    %broadcast_in_dim3A_542 = vector.broadcast %jit3A_540 : f32 to vector<1024x256xf32>
    %select_n3A_543 = arith.select %lt3A_538, %broadcast_in_dim3A_541, %broadcast_in_dim3A_542 : vector<1024x256xi1>, vector<1024x256xf32>
    %add3A_544 = arith.addf %add3A_531, %select_n3A_543 : vector<1024x256xf32>
    %get3A_545 = arith.constant 42 : index
    %get3A_546 = arith.constant 0 : index
    %get3A_547 = vector.load %arg1[%get3A_545, %get3A_546] : memref<100x256xf32, #tpu.memory_space<vmem>>, vector<1x256xf32>
    %get3A_548 = vector.shape_cast %get3A_547 : vector<1x256xf32> to vector<256xf32>
    %broadcast_in_dim3A_549 = vector.shape_cast %get3A_548 : vector<256xf32> to vector<1x256xf32>
    %lt3A_550 = vector.broadcast %broadcast_in_dim3A_549 : vector<1x256xf32> to vector<1024x256xf32>
    %lt3A_551 = arith.cmpf olt, %lt3A_550, %get3A_1 : vector<1024x256xf32>
    %jit3A_552 = arith.constant 1.000000e+00 : f32
    %jit3A_553 = arith.constant 0.000000e+00 : f32
    %broadcast_in_dim3A_554 = vector.broadcast %jit3A_552 : f32 to vector<1024x256xf32>
    %broadcast_in_dim3A_555 = vector.broadcast %jit3A_553 : f32 to vector<1024x256xf32>
    %select_n3A_556 = arith.select %lt3A_551, %broadcast_in_dim3A_554, %broadcast_in_dim3A_555 : vector<1024x256xi1>, vector<1024x256xf32>
    %add3A_557 = arith.addf %add3A_544, %select_n3A_556 : vector<1024x256xf32>
    %get3A_558 = arith.constant 43 : index
    %get3A_559 = arith.constant 0 : index
    %get3A_560 = vector.load %arg1[%get3A_558, %get3A_559] : memref<100x256xf32, #tpu.memory_space<vmem>>, vector<1x256xf32>
    %get3A_561 = vector.shape_cast %get3A_560 : vector<1x256xf32> to vector<256xf32>
    %broadcast_in_dim3A_562 = vector.shape_cast %get3A_561 : vector<256xf32> to vector<1x256xf32>
    %lt3A_563 = vector.broadcast %broadcast_in_dim3A_562 : vector<1x256xf32> to vector<1024x256xf32>
    %lt3A_564 = arith.cmpf olt, %lt3A_563, %get3A_1 : vector<1024x256xf32>
    %jit3A_565 = arith.constant 1.000000e+00 : f32
    %jit3A_566 = arith.constant 0.000000e+00 : f32
    %broadcast_in_dim3A_567 = vector.broadcast %jit3A_565 : f32 to vector<1024x256xf32>
    %broadcast_in_dim3A_568 = vector.broadcast %jit3A_566 : f32 to vector<1024x256xf32>
    %select_n3A_569 = arith.select %lt3A_564, %broadcast_in_dim3A_567, %broadcast_in_dim3A_568 : vector<1024x256xi1>, vector<1024x256xf32>
    %add3A_570 = arith.addf %add3A_557, %select_n3A_569 : vector<1024x256xf32>
    %get3A_571 = arith.constant 44 : index
    %get3A_572 = arith.constant 0 : index
    %get3A_573 = vector.load %arg1[%get3A_571, %get3A_572] : memref<100x256xf32, #tpu.memory_space<vmem>>, vector<1x256xf32>
    %get3A_574 = vector.shape_cast %get3A_573 : vector<1x256xf32> to vector<256xf32>
    %broadcast_in_dim3A_575 = vector.shape_cast %get3A_574 : vector<256xf32> to vector<1x256xf32>
    %lt3A_576 = vector.broadcast %broadcast_in_dim3A_575 : vector<1x256xf32> to vector<1024x256xf32>
    %lt3A_577 = arith.cmpf olt, %lt3A_576, %get3A_1 : vector<1024x256xf32>
    %jit3A_578 = arith.constant 1.000000e+00 : f32
    %jit3A_579 = arith.constant 0.000000e+00 : f32
    %broadcast_in_dim3A_580 = vector.broadcast %jit3A_578 : f32 to vector<1024x256xf32>
    %broadcast_in_dim3A_581 = vector.broadcast %jit3A_579 : f32 to vector<1024x256xf32>
    %select_n3A_582 = arith.select %lt3A_577, %broadcast_in_dim3A_580, %broadcast_in_dim3A_581 : vector<1024x256xi1>, vector<1024x256xf32>
    %add3A_583 = arith.addf %add3A_570, %select_n3A_582 : vector<1024x256xf32>
    %get3A_584 = arith.constant 45 : index
    %get3A_585 = arith.constant 0 : index
    %get3A_586 = vector.load %arg1[%get3A_584, %get3A_585] : memref<100x256xf32, #tpu.memory_space<vmem>>, vector<1x256xf32>
    %get3A_587 = vector.shape_cast %get3A_586 : vector<1x256xf32> to vector<256xf32>
    %broadcast_in_dim3A_588 = vector.shape_cast %get3A_587 : vector<256xf32> to vector<1x256xf32>
    %lt3A_589 = vector.broadcast %broadcast_in_dim3A_588 : vector<1x256xf32> to vector<1024x256xf32>
    %lt3A_590 = arith.cmpf olt, %lt3A_589, %get3A_1 : vector<1024x256xf32>
    %jit3A_591 = arith.constant 1.000000e+00 : f32
    %jit3A_592 = arith.constant 0.000000e+00 : f32
    %broadcast_in_dim3A_593 = vector.broadcast %jit3A_591 : f32 to vector<1024x256xf32>
    %broadcast_in_dim3A_594 = vector.broadcast %jit3A_592 : f32 to vector<1024x256xf32>
    %select_n3A_595 = arith.select %lt3A_590, %broadcast_in_dim3A_593, %broadcast_in_dim3A_594 : vector<1024x256xi1>, vector<1024x256xf32>
    %add3A_596 = arith.addf %add3A_583, %select_n3A_595 : vector<1024x256xf32>
    %get3A_597 = arith.constant 46 : index
    %get3A_598 = arith.constant 0 : index
    %get3A_599 = vector.load %arg1[%get3A_597, %get3A_598] : memref<100x256xf32, #tpu.memory_space<vmem>>, vector<1x256xf32>
    %get3A_600 = vector.shape_cast %get3A_599 : vector<1x256xf32> to vector<256xf32>
    %broadcast_in_dim3A_601 = vector.shape_cast %get3A_600 : vector<256xf32> to vector<1x256xf32>
    %lt3A_602 = vector.broadcast %broadcast_in_dim3A_601 : vector<1x256xf32> to vector<1024x256xf32>
    %lt3A_603 = arith.cmpf olt, %lt3A_602, %get3A_1 : vector<1024x256xf32>
    %jit3A_604 = arith.constant 1.000000e+00 : f32
    %jit3A_605 = arith.constant 0.000000e+00 : f32
    %broadcast_in_dim3A_606 = vector.broadcast %jit3A_604 : f32 to vector<1024x256xf32>
    %broadcast_in_dim3A_607 = vector.broadcast %jit3A_605 : f32 to vector<1024x256xf32>
    %select_n3A_608 = arith.select %lt3A_603, %broadcast_in_dim3A_606, %broadcast_in_dim3A_607 : vector<1024x256xi1>, vector<1024x256xf32>
    %add3A_609 = arith.addf %add3A_596, %select_n3A_608 : vector<1024x256xf32>
    %get3A_610 = arith.constant 47 : index
    %get3A_611 = arith.constant 0 : index
    %get3A_612 = vector.load %arg1[%get3A_610, %get3A_611] : memref<100x256xf32, #tpu.memory_space<vmem>>, vector<1x256xf32>
    %get3A_613 = vector.shape_cast %get3A_612 : vector<1x256xf32> to vector<256xf32>
    %broadcast_in_dim3A_614 = vector.shape_cast %get3A_613 : vector<256xf32> to vector<1x256xf32>
    %lt3A_615 = vector.broadcast %broadcast_in_dim3A_614 : vector<1x256xf32> to vector<1024x256xf32>
    %lt3A_616 = arith.cmpf olt, %lt3A_615, %get3A_1 : vector<1024x256xf32>
    %jit3A_617 = arith.constant 1.000000e+00 : f32
    %jit3A_618 = arith.constant 0.000000e+00 : f32
    %broadcast_in_dim3A_619 = vector.broadcast %jit3A_617 : f32 to vector<1024x256xf32>
    %broadcast_in_dim3A_620 = vector.broadcast %jit3A_618 : f32 to vector<1024x256xf32>
    %select_n3A_621 = arith.select %lt3A_616, %broadcast_in_dim3A_619, %broadcast_in_dim3A_620 : vector<1024x256xi1>, vector<1024x256xf32>
    %add3A_622 = arith.addf %add3A_609, %select_n3A_621 : vector<1024x256xf32>
    %get3A_623 = arith.constant 48 : index
    %get3A_624 = arith.constant 0 : index
    %get3A_625 = vector.load %arg1[%get3A_623, %get3A_624] : memref<100x256xf32, #tpu.memory_space<vmem>>, vector<1x256xf32>
    %get3A_626 = vector.shape_cast %get3A_625 : vector<1x256xf32> to vector<256xf32>
    %broadcast_in_dim3A_627 = vector.shape_cast %get3A_626 : vector<256xf32> to vector<1x256xf32>
    %lt3A_628 = vector.broadcast %broadcast_in_dim3A_627 : vector<1x256xf32> to vector<1024x256xf32>
    %lt3A_629 = arith.cmpf olt, %lt3A_628, %get3A_1 : vector<1024x256xf32>
    %jit3A_630 = arith.constant 1.000000e+00 : f32
    %jit3A_631 = arith.constant 0.000000e+00 : f32
    %broadcast_in_dim3A_632 = vector.broadcast %jit3A_630 : f32 to vector<1024x256xf32>
    %broadcast_in_dim3A_633 = vector.broadcast %jit3A_631 : f32 to vector<1024x256xf32>
    %select_n3A_634 = arith.select %lt3A_629, %broadcast_in_dim3A_632, %broadcast_in_dim3A_633 : vector<1024x256xi1>, vector<1024x256xf32>
    %add3A_635 = arith.addf %add3A_622, %select_n3A_634 : vector<1024x256xf32>
    %get3A_636 = arith.constant 49 : index
    %get3A_637 = arith.constant 0 : index
    %get3A_638 = vector.load %arg1[%get3A_636, %get3A_637] : memref<100x256xf32, #tpu.memory_space<vmem>>, vector<1x256xf32>
    %get3A_639 = vector.shape_cast %get3A_638 : vector<1x256xf32> to vector<256xf32>
    %broadcast_in_dim3A_640 = vector.shape_cast %get3A_639 : vector<256xf32> to vector<1x256xf32>
    %lt3A_641 = vector.broadcast %broadcast_in_dim3A_640 : vector<1x256xf32> to vector<1024x256xf32>
    %lt3A_642 = arith.cmpf olt, %lt3A_641, %get3A_1 : vector<1024x256xf32>
    %jit3A_643 = arith.constant 1.000000e+00 : f32
    %jit3A_644 = arith.constant 0.000000e+00 : f32
    %broadcast_in_dim3A_645 = vector.broadcast %jit3A_643 : f32 to vector<1024x256xf32>
    %broadcast_in_dim3A_646 = vector.broadcast %jit3A_644 : f32 to vector<1024x256xf32>
    %select_n3A_647 = arith.select %lt3A_642, %broadcast_in_dim3A_645, %broadcast_in_dim3A_646 : vector<1024x256xi1>, vector<1024x256xf32>
    %add3A_648 = arith.addf %add3A_635, %select_n3A_647 : vector<1024x256xf32>
    %get3A_649 = arith.constant 50 : index
    %get3A_650 = arith.constant 0 : index
    %get3A_651 = vector.load %arg1[%get3A_649, %get3A_650] : memref<100x256xf32, #tpu.memory_space<vmem>>, vector<1x256xf32>
    %get3A_652 = vector.shape_cast %get3A_651 : vector<1x256xf32> to vector<256xf32>
    %broadcast_in_dim3A_653 = vector.shape_cast %get3A_652 : vector<256xf32> to vector<1x256xf32>
    %lt3A_654 = vector.broadcast %broadcast_in_dim3A_653 : vector<1x256xf32> to vector<1024x256xf32>
    %lt3A_655 = arith.cmpf olt, %lt3A_654, %get3A_1 : vector<1024x256xf32>
    %jit3A_656 = arith.constant 1.000000e+00 : f32
    %jit3A_657 = arith.constant 0.000000e+00 : f32
    %broadcast_in_dim3A_658 = vector.broadcast %jit3A_656 : f32 to vector<1024x256xf32>
    %broadcast_in_dim3A_659 = vector.broadcast %jit3A_657 : f32 to vector<1024x256xf32>
    %select_n3A_660 = arith.select %lt3A_655, %broadcast_in_dim3A_658, %broadcast_in_dim3A_659 : vector<1024x256xi1>, vector<1024x256xf32>
    %add3A_661 = arith.addf %add3A_648, %select_n3A_660 : vector<1024x256xf32>
    %get3A_662 = arith.constant 51 : index
    %get3A_663 = arith.constant 0 : index
    %get3A_664 = vector.load %arg1[%get3A_662, %get3A_663] : memref<100x256xf32, #tpu.memory_space<vmem>>, vector<1x256xf32>
    %get3A_665 = vector.shape_cast %get3A_664 : vector<1x256xf32> to vector<256xf32>
    %broadcast_in_dim3A_666 = vector.shape_cast %get3A_665 : vector<256xf32> to vector<1x256xf32>
    %lt3A_667 = vector.broadcast %broadcast_in_dim3A_666 : vector<1x256xf32> to vector<1024x256xf32>
    %lt3A_668 = arith.cmpf olt, %lt3A_667, %get3A_1 : vector<1024x256xf32>
    %jit3A_669 = arith.constant 1.000000e+00 : f32
    %jit3A_670 = arith.constant 0.000000e+00 : f32
    %broadcast_in_dim3A_671 = vector.broadcast %jit3A_669 : f32 to vector<1024x256xf32>
    %broadcast_in_dim3A_672 = vector.broadcast %jit3A_670 : f32 to vector<1024x256xf32>
    %select_n3A_673 = arith.select %lt3A_668, %broadcast_in_dim3A_671, %broadcast_in_dim3A_672 : vector<1024x256xi1>, vector<1024x256xf32>
    %add3A_674 = arith.addf %add3A_661, %select_n3A_673 : vector<1024x256xf32>
    %get3A_675 = arith.constant 52 : index
    %get3A_676 = arith.constant 0 : index
    %get3A_677 = vector.load %arg1[%get3A_675, %get3A_676] : memref<100x256xf32, #tpu.memory_space<vmem>>, vector<1x256xf32>
    %get3A_678 = vector.shape_cast %get3A_677 : vector<1x256xf32> to vector<256xf32>
    %broadcast_in_dim3A_679 = vector.shape_cast %get3A_678 : vector<256xf32> to vector<1x256xf32>
    %lt3A_680 = vector.broadcast %broadcast_in_dim3A_679 : vector<1x256xf32> to vector<1024x256xf32>
    %lt3A_681 = arith.cmpf olt, %lt3A_680, %get3A_1 : vector<1024x256xf32>
    %jit3A_682 = arith.constant 1.000000e+00 : f32
    %jit3A_683 = arith.constant 0.000000e+00 : f32
    %broadcast_in_dim3A_684 = vector.broadcast %jit3A_682 : f32 to vector<1024x256xf32>
    %broadcast_in_dim3A_685 = vector.broadcast %jit3A_683 : f32 to vector<1024x256xf32>
    %select_n3A_686 = arith.select %lt3A_681, %broadcast_in_dim3A_684, %broadcast_in_dim3A_685 : vector<1024x256xi1>, vector<1024x256xf32>
    %add3A_687 = arith.addf %add3A_674, %select_n3A_686 : vector<1024x256xf32>
    %get3A_688 = arith.constant 53 : index
    %get3A_689 = arith.constant 0 : index
    %get3A_690 = vector.load %arg1[%get3A_688, %get3A_689] : memref<100x256xf32, #tpu.memory_space<vmem>>, vector<1x256xf32>
    %get3A_691 = vector.shape_cast %get3A_690 : vector<1x256xf32> to vector<256xf32>
    %broadcast_in_dim3A_692 = vector.shape_cast %get3A_691 : vector<256xf32> to vector<1x256xf32>
    %lt3A_693 = vector.broadcast %broadcast_in_dim3A_692 : vector<1x256xf32> to vector<1024x256xf32>
    %lt3A_694 = arith.cmpf olt, %lt3A_693, %get3A_1 : vector<1024x256xf32>
    %jit3A_695 = arith.constant 1.000000e+00 : f32
    %jit3A_696 = arith.constant 0.000000e+00 : f32
    %broadcast_in_dim3A_697 = vector.broadcast %jit3A_695 : f32 to vector<1024x256xf32>
    %broadcast_in_dim3A_698 = vector.broadcast %jit3A_696 : f32 to vector<1024x256xf32>
    %select_n3A_699 = arith.select %lt3A_694, %broadcast_in_dim3A_697, %broadcast_in_dim3A_698 : vector<1024x256xi1>, vector<1024x256xf32>
    %add3A_700 = arith.addf %add3A_687, %select_n3A_699 : vector<1024x256xf32>
    %get3A_701 = arith.constant 54 : index
    %get3A_702 = arith.constant 0 : index
    %get3A_703 = vector.load %arg1[%get3A_701, %get3A_702] : memref<100x256xf32, #tpu.memory_space<vmem>>, vector<1x256xf32>
    %get3A_704 = vector.shape_cast %get3A_703 : vector<1x256xf32> to vector<256xf32>
    %broadcast_in_dim3A_705 = vector.shape_cast %get3A_704 : vector<256xf32> to vector<1x256xf32>
    %lt3A_706 = vector.broadcast %broadcast_in_dim3A_705 : vector<1x256xf32> to vector<1024x256xf32>
    %lt3A_707 = arith.cmpf olt, %lt3A_706, %get3A_1 : vector<1024x256xf32>
    %jit3A_708 = arith.constant 1.000000e+00 : f32
    %jit3A_709 = arith.constant 0.000000e+00 : f32
    %broadcast_in_dim3A_710 = vector.broadcast %jit3A_708 : f32 to vector<1024x256xf32>
    %broadcast_in_dim3A_711 = vector.broadcast %jit3A_709 : f32 to vector<1024x256xf32>
    %select_n3A_712 = arith.select %lt3A_707, %broadcast_in_dim3A_710, %broadcast_in_dim3A_711 : vector<1024x256xi1>, vector<1024x256xf32>
    %add3A_713 = arith.addf %add3A_700, %select_n3A_712 : vector<1024x256xf32>
    %get3A_714 = arith.constant 55 : index
    %get3A_715 = arith.constant 0 : index
    %get3A_716 = vector.load %arg1[%get3A_714, %get3A_715] : memref<100x256xf32, #tpu.memory_space<vmem>>, vector<1x256xf32>
    %get3A_717 = vector.shape_cast %get3A_716 : vector<1x256xf32> to vector<256xf32>
    %broadcast_in_dim3A_718 = vector.shape_cast %get3A_717 : vector<256xf32> to vector<1x256xf32>
    %lt3A_719 = vector.broadcast %broadcast_in_dim3A_718 : vector<1x256xf32> to vector<1024x256xf32>
    %lt3A_720 = arith.cmpf olt, %lt3A_719, %get3A_1 : vector<1024x256xf32>
    %jit3A_721 = arith.constant 1.000000e+00 : f32
    %jit3A_722 = arith.constant 0.000000e+00 : f32
    %broadcast_in_dim3A_723 = vector.broadcast %jit3A_721 : f32 to vector<1024x256xf32>
    %broadcast_in_dim3A_724 = vector.broadcast %jit3A_722 : f32 to vector<1024x256xf32>
    %select_n3A_725 = arith.select %lt3A_720, %broadcast_in_dim3A_723, %broadcast_in_dim3A_724 : vector<1024x256xi1>, vector<1024x256xf32>
    %add3A_726 = arith.addf %add3A_713, %select_n3A_725 : vector<1024x256xf32>
    %get3A_727 = arith.constant 56 : index
    %get3A_728 = arith.constant 0 : index
    %get3A_729 = vector.load %arg1[%get3A_727, %get3A_728] : memref<100x256xf32, #tpu.memory_space<vmem>>, vector<1x256xf32>
    %get3A_730 = vector.shape_cast %get3A_729 : vector<1x256xf32> to vector<256xf32>
    %broadcast_in_dim3A_731 = vector.shape_cast %get3A_730 : vector<256xf32> to vector<1x256xf32>
    %lt3A_732 = vector.broadcast %broadcast_in_dim3A_731 : vector<1x256xf32> to vector<1024x256xf32>
    %lt3A_733 = arith.cmpf olt, %lt3A_732, %get3A_1 : vector<1024x256xf32>
    %jit3A_734 = arith.constant 1.000000e+00 : f32
    %jit3A_735 = arith.constant 0.000000e+00 : f32
    %broadcast_in_dim3A_736 = vector.broadcast %jit3A_734 : f32 to vector<1024x256xf32>
    %broadcast_in_dim3A_737 = vector.broadcast %jit3A_735 : f32 to vector<1024x256xf32>
    %select_n3A_738 = arith.select %lt3A_733, %broadcast_in_dim3A_736, %broadcast_in_dim3A_737 : vector<1024x256xi1>, vector<1024x256xf32>
    %add3A_739 = arith.addf %add3A_726, %select_n3A_738 : vector<1024x256xf32>
    %get3A_740 = arith.constant 57 : index
    %get3A_741 = arith.constant 0 : index
    %get3A_742 = vector.load %arg1[%get3A_740, %get3A_741] : memref<100x256xf32, #tpu.memory_space<vmem>>, vector<1x256xf32>
    %get3A_743 = vector.shape_cast %get3A_742 : vector<1x256xf32> to vector<256xf32>
    %broadcast_in_dim3A_744 = vector.shape_cast %get3A_743 : vector<256xf32> to vector<1x256xf32>
    %lt3A_745 = vector.broadcast %broadcast_in_dim3A_744 : vector<1x256xf32> to vector<1024x256xf32>
    %lt3A_746 = arith.cmpf olt, %lt3A_745, %get3A_1 : vector<1024x256xf32>
    %jit3A_747 = arith.constant 1.000000e+00 : f32
    %jit3A_748 = arith.constant 0.000000e+00 : f32
    %broadcast_in_dim3A_749 = vector.broadcast %jit3A_747 : f32 to vector<1024x256xf32>
    %broadcast_in_dim3A_750 = vector.broadcast %jit3A_748 : f32 to vector<1024x256xf32>
    %select_n3A_751 = arith.select %lt3A_746, %broadcast_in_dim3A_749, %broadcast_in_dim3A_750 : vector<1024x256xi1>, vector<1024x256xf32>
    %add3A_752 = arith.addf %add3A_739, %select_n3A_751 : vector<1024x256xf32>
    %get3A_753 = arith.constant 58 : index
    %get3A_754 = arith.constant 0 : index
    %get3A_755 = vector.load %arg1[%get3A_753, %get3A_754] : memref<100x256xf32, #tpu.memory_space<vmem>>, vector<1x256xf32>
    %get3A_756 = vector.shape_cast %get3A_755 : vector<1x256xf32> to vector<256xf32>
    %broadcast_in_dim3A_757 = vector.shape_cast %get3A_756 : vector<256xf32> to vector<1x256xf32>
    %lt3A_758 = vector.broadcast %broadcast_in_dim3A_757 : vector<1x256xf32> to vector<1024x256xf32>
    %lt3A_759 = arith.cmpf olt, %lt3A_758, %get3A_1 : vector<1024x256xf32>
    %jit3A_760 = arith.constant 1.000000e+00 : f32
    %jit3A_761 = arith.constant 0.000000e+00 : f32
    %broadcast_in_dim3A_762 = vector.broadcast %jit3A_760 : f32 to vector<1024x256xf32>
    %broadcast_in_dim3A_763 = vector.broadcast %jit3A_761 : f32 to vector<1024x256xf32>
    %select_n3A_764 = arith.select %lt3A_759, %broadcast_in_dim3A_762, %broadcast_in_dim3A_763 : vector<1024x256xi1>, vector<1024x256xf32>
    %add3A_765 = arith.addf %add3A_752, %select_n3A_764 : vector<1024x256xf32>
    %get3A_766 = arith.constant 59 : index
    %get3A_767 = arith.constant 0 : index
    %get3A_768 = vector.load %arg1[%get3A_766, %get3A_767] : memref<100x256xf32, #tpu.memory_space<vmem>>, vector<1x256xf32>
    %get3A_769 = vector.shape_cast %get3A_768 : vector<1x256xf32> to vector<256xf32>
    %broadcast_in_dim3A_770 = vector.shape_cast %get3A_769 : vector<256xf32> to vector<1x256xf32>
    %lt3A_771 = vector.broadcast %broadcast_in_dim3A_770 : vector<1x256xf32> to vector<1024x256xf32>
    %lt3A_772 = arith.cmpf olt, %lt3A_771, %get3A_1 : vector<1024x256xf32>
    %jit3A_773 = arith.constant 1.000000e+00 : f32
    %jit3A_774 = arith.constant 0.000000e+00 : f32
    %broadcast_in_dim3A_775 = vector.broadcast %jit3A_773 : f32 to vector<1024x256xf32>
    %broadcast_in_dim3A_776 = vector.broadcast %jit3A_774 : f32 to vector<1024x256xf32>
    %select_n3A_777 = arith.select %lt3A_772, %broadcast_in_dim3A_775, %broadcast_in_dim3A_776 : vector<1024x256xi1>, vector<1024x256xf32>
    %add3A_778 = arith.addf %add3A_765, %select_n3A_777 : vector<1024x256xf32>
    %get3A_779 = arith.constant 60 : index
    %get3A_780 = arith.constant 0 : index
    %get3A_781 = vector.load %arg1[%get3A_779, %get3A_780] : memref<100x256xf32, #tpu.memory_space<vmem>>, vector<1x256xf32>
    %get3A_782 = vector.shape_cast %get3A_781 : vector<1x256xf32> to vector<256xf32>
    %broadcast_in_dim3A_783 = vector.shape_cast %get3A_782 : vector<256xf32> to vector<1x256xf32>
    %lt3A_784 = vector.broadcast %broadcast_in_dim3A_783 : vector<1x256xf32> to vector<1024x256xf32>
    %lt3A_785 = arith.cmpf olt, %lt3A_784, %get3A_1 : vector<1024x256xf32>
    %jit3A_786 = arith.constant 1.000000e+00 : f32
    %jit3A_787 = arith.constant 0.000000e+00 : f32
    %broadcast_in_dim3A_788 = vector.broadcast %jit3A_786 : f32 to vector<1024x256xf32>
    %broadcast_in_dim3A_789 = vector.broadcast %jit3A_787 : f32 to vector<1024x256xf32>
    %select_n3A_790 = arith.select %lt3A_785, %broadcast_in_dim3A_788, %broadcast_in_dim3A_789 : vector<1024x256xi1>, vector<1024x256xf32>
    %add3A_791 = arith.addf %add3A_778, %select_n3A_790 : vector<1024x256xf32>
    %get3A_792 = arith.constant 61 : index
    %get3A_793 = arith.constant 0 : index
    %get3A_794 = vector.load %arg1[%get3A_792, %get3A_793] : memref<100x256xf32, #tpu.memory_space<vmem>>, vector<1x256xf32>
    %get3A_795 = vector.shape_cast %get3A_794 : vector<1x256xf32> to vector<256xf32>
    %broadcast_in_dim3A_796 = vector.shape_cast %get3A_795 : vector<256xf32> to vector<1x256xf32>
    %lt3A_797 = vector.broadcast %broadcast_in_dim3A_796 : vector<1x256xf32> to vector<1024x256xf32>
    %lt3A_798 = arith.cmpf olt, %lt3A_797, %get3A_1 : vector<1024x256xf32>
    %jit3A_799 = arith.constant 1.000000e+00 : f32
    %jit3A_800 = arith.constant 0.000000e+00 : f32
    %broadcast_in_dim3A_801 = vector.broadcast %jit3A_799 : f32 to vector<1024x256xf32>
    %broadcast_in_dim3A_802 = vector.broadcast %jit3A_800 : f32 to vector<1024x256xf32>
    %select_n3A_803 = arith.select %lt3A_798, %broadcast_in_dim3A_801, %broadcast_in_dim3A_802 : vector<1024x256xi1>, vector<1024x256xf32>
    %add3A_804 = arith.addf %add3A_791, %select_n3A_803 : vector<1024x256xf32>
    %get3A_805 = arith.constant 62 : index
    %get3A_806 = arith.constant 0 : index
    %get3A_807 = vector.load %arg1[%get3A_805, %get3A_806] : memref<100x256xf32, #tpu.memory_space<vmem>>, vector<1x256xf32>
    %get3A_808 = vector.shape_cast %get3A_807 : vector<1x256xf32> to vector<256xf32>
    %broadcast_in_dim3A_809 = vector.shape_cast %get3A_808 : vector<256xf32> to vector<1x256xf32>
    %lt3A_810 = vector.broadcast %broadcast_in_dim3A_809 : vector<1x256xf32> to vector<1024x256xf32>
    %lt3A_811 = arith.cmpf olt, %lt3A_810, %get3A_1 : vector<1024x256xf32>
    %jit3A_812 = arith.constant 1.000000e+00 : f32
    %jit3A_813 = arith.constant 0.000000e+00 : f32
    %broadcast_in_dim3A_814 = vector.broadcast %jit3A_812 : f32 to vector<1024x256xf32>
    %broadcast_in_dim3A_815 = vector.broadcast %jit3A_813 : f32 to vector<1024x256xf32>
    %select_n3A_816 = arith.select %lt3A_811, %broadcast_in_dim3A_814, %broadcast_in_dim3A_815 : vector<1024x256xi1>, vector<1024x256xf32>
    %add3A_817 = arith.addf %add3A_804, %select_n3A_816 : vector<1024x256xf32>
    %get3A_818 = arith.constant 63 : index
    %get3A_819 = arith.constant 0 : index
    %get3A_820 = vector.load %arg1[%get3A_818, %get3A_819] : memref<100x256xf32, #tpu.memory_space<vmem>>, vector<1x256xf32>
    %get3A_821 = vector.shape_cast %get3A_820 : vector<1x256xf32> to vector<256xf32>
    %broadcast_in_dim3A_822 = vector.shape_cast %get3A_821 : vector<256xf32> to vector<1x256xf32>
    %lt3A_823 = vector.broadcast %broadcast_in_dim3A_822 : vector<1x256xf32> to vector<1024x256xf32>
    %lt3A_824 = arith.cmpf olt, %lt3A_823, %get3A_1 : vector<1024x256xf32>
    %jit3A_825 = arith.constant 1.000000e+00 : f32
    %jit3A_826 = arith.constant 0.000000e+00 : f32
    %broadcast_in_dim3A_827 = vector.broadcast %jit3A_825 : f32 to vector<1024x256xf32>
    %broadcast_in_dim3A_828 = vector.broadcast %jit3A_826 : f32 to vector<1024x256xf32>
    %select_n3A_829 = arith.select %lt3A_824, %broadcast_in_dim3A_827, %broadcast_in_dim3A_828 : vector<1024x256xi1>, vector<1024x256xf32>
    %add3A_830 = arith.addf %add3A_817, %select_n3A_829 : vector<1024x256xf32>
    %get3A_831 = arith.constant 64 : index
    %get3A_832 = arith.constant 0 : index
    %get3A_833 = vector.load %arg1[%get3A_831, %get3A_832] : memref<100x256xf32, #tpu.memory_space<vmem>>, vector<1x256xf32>
    %get3A_834 = vector.shape_cast %get3A_833 : vector<1x256xf32> to vector<256xf32>
    %broadcast_in_dim3A_835 = vector.shape_cast %get3A_834 : vector<256xf32> to vector<1x256xf32>
    %lt3A_836 = vector.broadcast %broadcast_in_dim3A_835 : vector<1x256xf32> to vector<1024x256xf32>
    %lt3A_837 = arith.cmpf olt, %lt3A_836, %get3A_1 : vector<1024x256xf32>
    %jit3A_838 = arith.constant 1.000000e+00 : f32
    %jit3A_839 = arith.constant 0.000000e+00 : f32
    %broadcast_in_dim3A_840 = vector.broadcast %jit3A_838 : f32 to vector<1024x256xf32>
    %broadcast_in_dim3A_841 = vector.broadcast %jit3A_839 : f32 to vector<1024x256xf32>
    %select_n3A_842 = arith.select %lt3A_837, %broadcast_in_dim3A_840, %broadcast_in_dim3A_841 : vector<1024x256xi1>, vector<1024x256xf32>
    %add3A_843 = arith.addf %add3A_830, %select_n3A_842 : vector<1024x256xf32>
    %get3A_844 = arith.constant 65 : index
    %get3A_845 = arith.constant 0 : index
    %get3A_846 = vector.load %arg1[%get3A_844, %get3A_845] : memref<100x256xf32, #tpu.memory_space<vmem>>, vector<1x256xf32>
    %get3A_847 = vector.shape_cast %get3A_846 : vector<1x256xf32> to vector<256xf32>
    %broadcast_in_dim3A_848 = vector.shape_cast %get3A_847 : vector<256xf32> to vector<1x256xf32>
    %lt3A_849 = vector.broadcast %broadcast_in_dim3A_848 : vector<1x256xf32> to vector<1024x256xf32>
    %lt3A_850 = arith.cmpf olt, %lt3A_849, %get3A_1 : vector<1024x256xf32>
    %jit3A_851 = arith.constant 1.000000e+00 : f32
    %jit3A_852 = arith.constant 0.000000e+00 : f32
    %broadcast_in_dim3A_853 = vector.broadcast %jit3A_851 : f32 to vector<1024x256xf32>
    %broadcast_in_dim3A_854 = vector.broadcast %jit3A_852 : f32 to vector<1024x256xf32>
    %select_n3A_855 = arith.select %lt3A_850, %broadcast_in_dim3A_853, %broadcast_in_dim3A_854 : vector<1024x256xi1>, vector<1024x256xf32>
    %add3A_856 = arith.addf %add3A_843, %select_n3A_855 : vector<1024x256xf32>
    %get3A_857 = arith.constant 66 : index
    %get3A_858 = arith.constant 0 : index
    %get3A_859 = vector.load %arg1[%get3A_857, %get3A_858] : memref<100x256xf32, #tpu.memory_space<vmem>>, vector<1x256xf32>
    %get3A_860 = vector.shape_cast %get3A_859 : vector<1x256xf32> to vector<256xf32>
    %broadcast_in_dim3A_861 = vector.shape_cast %get3A_860 : vector<256xf32> to vector<1x256xf32>
    %lt3A_862 = vector.broadcast %broadcast_in_dim3A_861 : vector<1x256xf32> to vector<1024x256xf32>
    %lt3A_863 = arith.cmpf olt, %lt3A_862, %get3A_1 : vector<1024x256xf32>
    %jit3A_864 = arith.constant 1.000000e+00 : f32
    %jit3A_865 = arith.constant 0.000000e+00 : f32
    %broadcast_in_dim3A_866 = vector.broadcast %jit3A_864 : f32 to vector<1024x256xf32>
    %broadcast_in_dim3A_867 = vector.broadcast %jit3A_865 : f32 to vector<1024x256xf32>
    %select_n3A_868 = arith.select %lt3A_863, %broadcast_in_dim3A_866, %broadcast_in_dim3A_867 : vector<1024x256xi1>, vector<1024x256xf32>
    %add3A_869 = arith.addf %add3A_856, %select_n3A_868 : vector<1024x256xf32>
    %get3A_870 = arith.constant 67 : index
    %get3A_871 = arith.constant 0 : index
    %get3A_872 = vector.load %arg1[%get3A_870, %get3A_871] : memref<100x256xf32, #tpu.memory_space<vmem>>, vector<1x256xf32>
    %get3A_873 = vector.shape_cast %get3A_872 : vector<1x256xf32> to vector<256xf32>
    %broadcast_in_dim3A_874 = vector.shape_cast %get3A_873 : vector<256xf32> to vector<1x256xf32>
    %lt3A_875 = vector.broadcast %broadcast_in_dim3A_874 : vector<1x256xf32> to vector<1024x256xf32>
    %lt3A_876 = arith.cmpf olt, %lt3A_875, %get3A_1 : vector<1024x256xf32>
    %jit3A_877 = arith.constant 1.000000e+00 : f32
    %jit3A_878 = arith.constant 0.000000e+00 : f32
    %broadcast_in_dim3A_879 = vector.broadcast %jit3A_877 : f32 to vector<1024x256xf32>
    %broadcast_in_dim3A_880 = vector.broadcast %jit3A_878 : f32 to vector<1024x256xf32>
    %select_n3A_881 = arith.select %lt3A_876, %broadcast_in_dim3A_879, %broadcast_in_dim3A_880 : vector<1024x256xi1>, vector<1024x256xf32>
    %add3A_882 = arith.addf %add3A_869, %select_n3A_881 : vector<1024x256xf32>
    %get3A_883 = arith.constant 68 : index
    %get3A_884 = arith.constant 0 : index
    %get3A_885 = vector.load %arg1[%get3A_883, %get3A_884] : memref<100x256xf32, #tpu.memory_space<vmem>>, vector<1x256xf32>
    %get3A_886 = vector.shape_cast %get3A_885 : vector<1x256xf32> to vector<256xf32>
    %broadcast_in_dim3A_887 = vector.shape_cast %get3A_886 : vector<256xf32> to vector<1x256xf32>
    %lt3A_888 = vector.broadcast %broadcast_in_dim3A_887 : vector<1x256xf32> to vector<1024x256xf32>
    %lt3A_889 = arith.cmpf olt, %lt3A_888, %get3A_1 : vector<1024x256xf32>
    %jit3A_890 = arith.constant 1.000000e+00 : f32
    %jit3A_891 = arith.constant 0.000000e+00 : f32
    %broadcast_in_dim3A_892 = vector.broadcast %jit3A_890 : f32 to vector<1024x256xf32>
    %broadcast_in_dim3A_893 = vector.broadcast %jit3A_891 : f32 to vector<1024x256xf32>
    %select_n3A_894 = arith.select %lt3A_889, %broadcast_in_dim3A_892, %broadcast_in_dim3A_893 : vector<1024x256xi1>, vector<1024x256xf32>
    %add3A_895 = arith.addf %add3A_882, %select_n3A_894 : vector<1024x256xf32>
    %get3A_896 = arith.constant 69 : index
    %get3A_897 = arith.constant 0 : index
    %get3A_898 = vector.load %arg1[%get3A_896, %get3A_897] : memref<100x256xf32, #tpu.memory_space<vmem>>, vector<1x256xf32>
    %get3A_899 = vector.shape_cast %get3A_898 : vector<1x256xf32> to vector<256xf32>
    %broadcast_in_dim3A_900 = vector.shape_cast %get3A_899 : vector<256xf32> to vector<1x256xf32>
    %lt3A_901 = vector.broadcast %broadcast_in_dim3A_900 : vector<1x256xf32> to vector<1024x256xf32>
    %lt3A_902 = arith.cmpf olt, %lt3A_901, %get3A_1 : vector<1024x256xf32>
    %jit3A_903 = arith.constant 1.000000e+00 : f32
    %jit3A_904 = arith.constant 0.000000e+00 : f32
    %broadcast_in_dim3A_905 = vector.broadcast %jit3A_903 : f32 to vector<1024x256xf32>
    %broadcast_in_dim3A_906 = vector.broadcast %jit3A_904 : f32 to vector<1024x256xf32>
    %select_n3A_907 = arith.select %lt3A_902, %broadcast_in_dim3A_905, %broadcast_in_dim3A_906 : vector<1024x256xi1>, vector<1024x256xf32>
    %add3A_908 = arith.addf %add3A_895, %select_n3A_907 : vector<1024x256xf32>
    %get3A_909 = arith.constant 70 : index
    %get3A_910 = arith.constant 0 : index
    %get3A_911 = vector.load %arg1[%get3A_909, %get3A_910] : memref<100x256xf32, #tpu.memory_space<vmem>>, vector<1x256xf32>
    %get3A_912 = vector.shape_cast %get3A_911 : vector<1x256xf32> to vector<256xf32>
    %broadcast_in_dim3A_913 = vector.shape_cast %get3A_912 : vector<256xf32> to vector<1x256xf32>
    %lt3A_914 = vector.broadcast %broadcast_in_dim3A_913 : vector<1x256xf32> to vector<1024x256xf32>
    %lt3A_915 = arith.cmpf olt, %lt3A_914, %get3A_1 : vector<1024x256xf32>
    %jit3A_916 = arith.constant 1.000000e+00 : f32
    %jit3A_917 = arith.constant 0.000000e+00 : f32
    %broadcast_in_dim3A_918 = vector.broadcast %jit3A_916 : f32 to vector<1024x256xf32>
    %broadcast_in_dim3A_919 = vector.broadcast %jit3A_917 : f32 to vector<1024x256xf32>
    %select_n3A_920 = arith.select %lt3A_915, %broadcast_in_dim3A_918, %broadcast_in_dim3A_919 : vector<1024x256xi1>, vector<1024x256xf32>
    %add3A_921 = arith.addf %add3A_908, %select_n3A_920 : vector<1024x256xf32>
    %get3A_922 = arith.constant 71 : index
    %get3A_923 = arith.constant 0 : index
    %get3A_924 = vector.load %arg1[%get3A_922, %get3A_923] : memref<100x256xf32, #tpu.memory_space<vmem>>, vector<1x256xf32>
    %get3A_925 = vector.shape_cast %get3A_924 : vector<1x256xf32> to vector<256xf32>
    %broadcast_in_dim3A_926 = vector.shape_cast %get3A_925 : vector<256xf32> to vector<1x256xf32>
    %lt3A_927 = vector.broadcast %broadcast_in_dim3A_926 : vector<1x256xf32> to vector<1024x256xf32>
    %lt3A_928 = arith.cmpf olt, %lt3A_927, %get3A_1 : vector<1024x256xf32>
    %jit3A_929 = arith.constant 1.000000e+00 : f32
    %jit3A_930 = arith.constant 0.000000e+00 : f32
    %broadcast_in_dim3A_931 = vector.broadcast %jit3A_929 : f32 to vector<1024x256xf32>
    %broadcast_in_dim3A_932 = vector.broadcast %jit3A_930 : f32 to vector<1024x256xf32>
    %select_n3A_933 = arith.select %lt3A_928, %broadcast_in_dim3A_931, %broadcast_in_dim3A_932 : vector<1024x256xi1>, vector<1024x256xf32>
    %add3A_934 = arith.addf %add3A_921, %select_n3A_933 : vector<1024x256xf32>
    %get3A_935 = arith.constant 72 : index
    %get3A_936 = arith.constant 0 : index
    %get3A_937 = vector.load %arg1[%get3A_935, %get3A_936] : memref<100x256xf32, #tpu.memory_space<vmem>>, vector<1x256xf32>
    %get3A_938 = vector.shape_cast %get3A_937 : vector<1x256xf32> to vector<256xf32>
    %broadcast_in_dim3A_939 = vector.shape_cast %get3A_938 : vector<256xf32> to vector<1x256xf32>
    %lt3A_940 = vector.broadcast %broadcast_in_dim3A_939 : vector<1x256xf32> to vector<1024x256xf32>
    %lt3A_941 = arith.cmpf olt, %lt3A_940, %get3A_1 : vector<1024x256xf32>
    %jit3A_942 = arith.constant 1.000000e+00 : f32
    %jit3A_943 = arith.constant 0.000000e+00 : f32
    %broadcast_in_dim3A_944 = vector.broadcast %jit3A_942 : f32 to vector<1024x256xf32>
    %broadcast_in_dim3A_945 = vector.broadcast %jit3A_943 : f32 to vector<1024x256xf32>
    %select_n3A_946 = arith.select %lt3A_941, %broadcast_in_dim3A_944, %broadcast_in_dim3A_945 : vector<1024x256xi1>, vector<1024x256xf32>
    %add3A_947 = arith.addf %add3A_934, %select_n3A_946 : vector<1024x256xf32>
    %get3A_948 = arith.constant 73 : index
    %get3A_949 = arith.constant 0 : index
    %get3A_950 = vector.load %arg1[%get3A_948, %get3A_949] : memref<100x256xf32, #tpu.memory_space<vmem>>, vector<1x256xf32>
    %get3A_951 = vector.shape_cast %get3A_950 : vector<1x256xf32> to vector<256xf32>
    %broadcast_in_dim3A_952 = vector.shape_cast %get3A_951 : vector<256xf32> to vector<1x256xf32>
    %lt3A_953 = vector.broadcast %broadcast_in_dim3A_952 : vector<1x256xf32> to vector<1024x256xf32>
    %lt3A_954 = arith.cmpf olt, %lt3A_953, %get3A_1 : vector<1024x256xf32>
    %jit3A_955 = arith.constant 1.000000e+00 : f32
    %jit3A_956 = arith.constant 0.000000e+00 : f32
    %broadcast_in_dim3A_957 = vector.broadcast %jit3A_955 : f32 to vector<1024x256xf32>
    %broadcast_in_dim3A_958 = vector.broadcast %jit3A_956 : f32 to vector<1024x256xf32>
    %select_n3A_959 = arith.select %lt3A_954, %broadcast_in_dim3A_957, %broadcast_in_dim3A_958 : vector<1024x256xi1>, vector<1024x256xf32>
    %add3A_960 = arith.addf %add3A_947, %select_n3A_959 : vector<1024x256xf32>
    %get3A_961 = arith.constant 74 : index
    %get3A_962 = arith.constant 0 : index
    %get3A_963 = vector.load %arg1[%get3A_961, %get3A_962] : memref<100x256xf32, #tpu.memory_space<vmem>>, vector<1x256xf32>
    %get3A_964 = vector.shape_cast %get3A_963 : vector<1x256xf32> to vector<256xf32>
    %broadcast_in_dim3A_965 = vector.shape_cast %get3A_964 : vector<256xf32> to vector<1x256xf32>
    %lt3A_966 = vector.broadcast %broadcast_in_dim3A_965 : vector<1x256xf32> to vector<1024x256xf32>
    %lt3A_967 = arith.cmpf olt, %lt3A_966, %get3A_1 : vector<1024x256xf32>
    %jit3A_968 = arith.constant 1.000000e+00 : f32
    %jit3A_969 = arith.constant 0.000000e+00 : f32
    %broadcast_in_dim3A_970 = vector.broadcast %jit3A_968 : f32 to vector<1024x256xf32>
    %broadcast_in_dim3A_971 = vector.broadcast %jit3A_969 : f32 to vector<1024x256xf32>
    %select_n3A_972 = arith.select %lt3A_967, %broadcast_in_dim3A_970, %broadcast_in_dim3A_971 : vector<1024x256xi1>, vector<1024x256xf32>
    %add3A_973 = arith.addf %add3A_960, %select_n3A_972 : vector<1024x256xf32>
    %get3A_974 = arith.constant 75 : index
    %get3A_975 = arith.constant 0 : index
    %get3A_976 = vector.load %arg1[%get3A_974, %get3A_975] : memref<100x256xf32, #tpu.memory_space<vmem>>, vector<1x256xf32>
    %get3A_977 = vector.shape_cast %get3A_976 : vector<1x256xf32> to vector<256xf32>
    %broadcast_in_dim3A_978 = vector.shape_cast %get3A_977 : vector<256xf32> to vector<1x256xf32>
    %lt3A_979 = vector.broadcast %broadcast_in_dim3A_978 : vector<1x256xf32> to vector<1024x256xf32>
    %lt3A_980 = arith.cmpf olt, %lt3A_979, %get3A_1 : vector<1024x256xf32>
    %jit3A_981 = arith.constant 1.000000e+00 : f32
    %jit3A_982 = arith.constant 0.000000e+00 : f32
    %broadcast_in_dim3A_983 = vector.broadcast %jit3A_981 : f32 to vector<1024x256xf32>
    %broadcast_in_dim3A_984 = vector.broadcast %jit3A_982 : f32 to vector<1024x256xf32>
    %select_n3A_985 = arith.select %lt3A_980, %broadcast_in_dim3A_983, %broadcast_in_dim3A_984 : vector<1024x256xi1>, vector<1024x256xf32>
    %add3A_986 = arith.addf %add3A_973, %select_n3A_985 : vector<1024x256xf32>
    %get3A_987 = arith.constant 76 : index
    %get3A_988 = arith.constant 0 : index
    %get3A_989 = vector.load %arg1[%get3A_987, %get3A_988] : memref<100x256xf32, #tpu.memory_space<vmem>>, vector<1x256xf32>
    %get3A_990 = vector.shape_cast %get3A_989 : vector<1x256xf32> to vector<256xf32>
    %broadcast_in_dim3A_991 = vector.shape_cast %get3A_990 : vector<256xf32> to vector<1x256xf32>
    %lt3A_992 = vector.broadcast %broadcast_in_dim3A_991 : vector<1x256xf32> to vector<1024x256xf32>
    %lt3A_993 = arith.cmpf olt, %lt3A_992, %get3A_1 : vector<1024x256xf32>
    %jit3A_994 = arith.constant 1.000000e+00 : f32
    %jit3A_995 = arith.constant 0.000000e+00 : f32
    %broadcast_in_dim3A_996 = vector.broadcast %jit3A_994 : f32 to vector<1024x256xf32>
    %broadcast_in_dim3A_997 = vector.broadcast %jit3A_995 : f32 to vector<1024x256xf32>
    %select_n3A_998 = arith.select %lt3A_993, %broadcast_in_dim3A_996, %broadcast_in_dim3A_997 : vector<1024x256xi1>, vector<1024x256xf32>
    %add3A_999 = arith.addf %add3A_986, %select_n3A_998 : vector<1024x256xf32>
    %get3A_1000 = arith.constant 77 : index
    %get3A_1001 = arith.constant 0 : index
    %get3A_1002 = vector.load %arg1[%get3A_1000, %get3A_1001] : memref<100x256xf32, #tpu.memory_space<vmem>>, vector<1x256xf32>
    %get3A_1003 = vector.shape_cast %get3A_1002 : vector<1x256xf32> to vector<256xf32>
    %broadcast_in_dim3A_1004 = vector.shape_cast %get3A_1003 : vector<256xf32> to vector<1x256xf32>
    %lt3A_1005 = vector.broadcast %broadcast_in_dim3A_1004 : vector<1x256xf32> to vector<1024x256xf32>
    %lt3A_1006 = arith.cmpf olt, %lt3A_1005, %get3A_1 : vector<1024x256xf32>
    %jit3A_1007 = arith.constant 1.000000e+00 : f32
    %jit3A_1008 = arith.constant 0.000000e+00 : f32
    %broadcast_in_dim3A_1009 = vector.broadcast %jit3A_1007 : f32 to vector<1024x256xf32>
    %broadcast_in_dim3A_1010 = vector.broadcast %jit3A_1008 : f32 to vector<1024x256xf32>
    %select_n3A_1011 = arith.select %lt3A_1006, %broadcast_in_dim3A_1009, %broadcast_in_dim3A_1010 : vector<1024x256xi1>, vector<1024x256xf32>
    %add3A_1012 = arith.addf %add3A_999, %select_n3A_1011 : vector<1024x256xf32>
    %get3A_1013 = arith.constant 78 : index
    %get3A_1014 = arith.constant 0 : index
    %get3A_1015 = vector.load %arg1[%get3A_1013, %get3A_1014] : memref<100x256xf32, #tpu.memory_space<vmem>>, vector<1x256xf32>
    %get3A_1016 = vector.shape_cast %get3A_1015 : vector<1x256xf32> to vector<256xf32>
    %broadcast_in_dim3A_1017 = vector.shape_cast %get3A_1016 : vector<256xf32> to vector<1x256xf32>
    %lt3A_1018 = vector.broadcast %broadcast_in_dim3A_1017 : vector<1x256xf32> to vector<1024x256xf32>
    %lt3A_1019 = arith.cmpf olt, %lt3A_1018, %get3A_1 : vector<1024x256xf32>
    %jit3A_1020 = arith.constant 1.000000e+00 : f32
    %jit3A_1021 = arith.constant 0.000000e+00 : f32
    %broadcast_in_dim3A_1022 = vector.broadcast %jit3A_1020 : f32 to vector<1024x256xf32>
    %broadcast_in_dim3A_1023 = vector.broadcast %jit3A_1021 : f32 to vector<1024x256xf32>
    %select_n3A_1024 = arith.select %lt3A_1019, %broadcast_in_dim3A_1022, %broadcast_in_dim3A_1023 : vector<1024x256xi1>, vector<1024x256xf32>
    %add3A_1025 = arith.addf %add3A_1012, %select_n3A_1024 : vector<1024x256xf32>
    %get3A_1026 = arith.constant 79 : index
    %get3A_1027 = arith.constant 0 : index
    %get3A_1028 = vector.load %arg1[%get3A_1026, %get3A_1027] : memref<100x256xf32, #tpu.memory_space<vmem>>, vector<1x256xf32>
    %get3A_1029 = vector.shape_cast %get3A_1028 : vector<1x256xf32> to vector<256xf32>
    %broadcast_in_dim3A_1030 = vector.shape_cast %get3A_1029 : vector<256xf32> to vector<1x256xf32>
    %lt3A_1031 = vector.broadcast %broadcast_in_dim3A_1030 : vector<1x256xf32> to vector<1024x256xf32>
    %lt3A_1032 = arith.cmpf olt, %lt3A_1031, %get3A_1 : vector<1024x256xf32>
    %jit3A_1033 = arith.constant 1.000000e+00 : f32
    %jit3A_1034 = arith.constant 0.000000e+00 : f32
    %broadcast_in_dim3A_1035 = vector.broadcast %jit3A_1033 : f32 to vector<1024x256xf32>
    %broadcast_in_dim3A_1036 = vector.broadcast %jit3A_1034 : f32 to vector<1024x256xf32>
    %select_n3A_1037 = arith.select %lt3A_1032, %broadcast_in_dim3A_1035, %broadcast_in_dim3A_1036 : vector<1024x256xi1>, vector<1024x256xf32>
    %add3A_1038 = arith.addf %add3A_1025, %select_n3A_1037 : vector<1024x256xf32>
    %get3A_1039 = arith.constant 80 : index
    %get3A_1040 = arith.constant 0 : index
    %get3A_1041 = vector.load %arg1[%get3A_1039, %get3A_1040] : memref<100x256xf32, #tpu.memory_space<vmem>>, vector<1x256xf32>
    %get3A_1042 = vector.shape_cast %get3A_1041 : vector<1x256xf32> to vector<256xf32>
    %broadcast_in_dim3A_1043 = vector.shape_cast %get3A_1042 : vector<256xf32> to vector<1x256xf32>
    %lt3A_1044 = vector.broadcast %broadcast_in_dim3A_1043 : vector<1x256xf32> to vector<1024x256xf32>
    %lt3A_1045 = arith.cmpf olt, %lt3A_1044, %get3A_1 : vector<1024x256xf32>
    %jit3A_1046 = arith.constant 1.000000e+00 : f32
    %jit3A_1047 = arith.constant 0.000000e+00 : f32
    %broadcast_in_dim3A_1048 = vector.broadcast %jit3A_1046 : f32 to vector<1024x256xf32>
    %broadcast_in_dim3A_1049 = vector.broadcast %jit3A_1047 : f32 to vector<1024x256xf32>
    %select_n3A_1050 = arith.select %lt3A_1045, %broadcast_in_dim3A_1048, %broadcast_in_dim3A_1049 : vector<1024x256xi1>, vector<1024x256xf32>
    %add3A_1051 = arith.addf %add3A_1038, %select_n3A_1050 : vector<1024x256xf32>
    %get3A_1052 = arith.constant 81 : index
    %get3A_1053 = arith.constant 0 : index
    %get3A_1054 = vector.load %arg1[%get3A_1052, %get3A_1053] : memref<100x256xf32, #tpu.memory_space<vmem>>, vector<1x256xf32>
    %get3A_1055 = vector.shape_cast %get3A_1054 : vector<1x256xf32> to vector<256xf32>
    %broadcast_in_dim3A_1056 = vector.shape_cast %get3A_1055 : vector<256xf32> to vector<1x256xf32>
    %lt3A_1057 = vector.broadcast %broadcast_in_dim3A_1056 : vector<1x256xf32> to vector<1024x256xf32>
    %lt3A_1058 = arith.cmpf olt, %lt3A_1057, %get3A_1 : vector<1024x256xf32>
    %jit3A_1059 = arith.constant 1.000000e+00 : f32
    %jit3A_1060 = arith.constant 0.000000e+00 : f32
    %broadcast_in_dim3A_1061 = vector.broadcast %jit3A_1059 : f32 to vector<1024x256xf32>
    %broadcast_in_dim3A_1062 = vector.broadcast %jit3A_1060 : f32 to vector<1024x256xf32>
    %select_n3A_1063 = arith.select %lt3A_1058, %broadcast_in_dim3A_1061, %broadcast_in_dim3A_1062 : vector<1024x256xi1>, vector<1024x256xf32>
    %add3A_1064 = arith.addf %add3A_1051, %select_n3A_1063 : vector<1024x256xf32>
    %get3A_1065 = arith.constant 82 : index
    %get3A_1066 = arith.constant 0 : index
    %get3A_1067 = vector.load %arg1[%get3A_1065, %get3A_1066] : memref<100x256xf32, #tpu.memory_space<vmem>>, vector<1x256xf32>
    %get3A_1068 = vector.shape_cast %get3A_1067 : vector<1x256xf32> to vector<256xf32>
    %broadcast_in_dim3A_1069 = vector.shape_cast %get3A_1068 : vector<256xf32> to vector<1x256xf32>
    %lt3A_1070 = vector.broadcast %broadcast_in_dim3A_1069 : vector<1x256xf32> to vector<1024x256xf32>
    %lt3A_1071 = arith.cmpf olt, %lt3A_1070, %get3A_1 : vector<1024x256xf32>
    %jit3A_1072 = arith.constant 1.000000e+00 : f32
    %jit3A_1073 = arith.constant 0.000000e+00 : f32
    %broadcast_in_dim3A_1074 = vector.broadcast %jit3A_1072 : f32 to vector<1024x256xf32>
    %broadcast_in_dim3A_1075 = vector.broadcast %jit3A_1073 : f32 to vector<1024x256xf32>
    %select_n3A_1076 = arith.select %lt3A_1071, %broadcast_in_dim3A_1074, %broadcast_in_dim3A_1075 : vector<1024x256xi1>, vector<1024x256xf32>
    %add3A_1077 = arith.addf %add3A_1064, %select_n3A_1076 : vector<1024x256xf32>
    %get3A_1078 = arith.constant 83 : index
    %get3A_1079 = arith.constant 0 : index
    %get3A_1080 = vector.load %arg1[%get3A_1078, %get3A_1079] : memref<100x256xf32, #tpu.memory_space<vmem>>, vector<1x256xf32>
    %get3A_1081 = vector.shape_cast %get3A_1080 : vector<1x256xf32> to vector<256xf32>
    %broadcast_in_dim3A_1082 = vector.shape_cast %get3A_1081 : vector<256xf32> to vector<1x256xf32>
    %lt3A_1083 = vector.broadcast %broadcast_in_dim3A_1082 : vector<1x256xf32> to vector<1024x256xf32>
    %lt3A_1084 = arith.cmpf olt, %lt3A_1083, %get3A_1 : vector<1024x256xf32>
    %jit3A_1085 = arith.constant 1.000000e+00 : f32
    %jit3A_1086 = arith.constant 0.000000e+00 : f32
    %broadcast_in_dim3A_1087 = vector.broadcast %jit3A_1085 : f32 to vector<1024x256xf32>
    %broadcast_in_dim3A_1088 = vector.broadcast %jit3A_1086 : f32 to vector<1024x256xf32>
    %select_n3A_1089 = arith.select %lt3A_1084, %broadcast_in_dim3A_1087, %broadcast_in_dim3A_1088 : vector<1024x256xi1>, vector<1024x256xf32>
    %add3A_1090 = arith.addf %add3A_1077, %select_n3A_1089 : vector<1024x256xf32>
    %get3A_1091 = arith.constant 84 : index
    %get3A_1092 = arith.constant 0 : index
    %get3A_1093 = vector.load %arg1[%get3A_1091, %get3A_1092] : memref<100x256xf32, #tpu.memory_space<vmem>>, vector<1x256xf32>
    %get3A_1094 = vector.shape_cast %get3A_1093 : vector<1x256xf32> to vector<256xf32>
    %broadcast_in_dim3A_1095 = vector.shape_cast %get3A_1094 : vector<256xf32> to vector<1x256xf32>
    %lt3A_1096 = vector.broadcast %broadcast_in_dim3A_1095 : vector<1x256xf32> to vector<1024x256xf32>
    %lt3A_1097 = arith.cmpf olt, %lt3A_1096, %get3A_1 : vector<1024x256xf32>
    %jit3A_1098 = arith.constant 1.000000e+00 : f32
    %jit3A_1099 = arith.constant 0.000000e+00 : f32
    %broadcast_in_dim3A_1100 = vector.broadcast %jit3A_1098 : f32 to vector<1024x256xf32>
    %broadcast_in_dim3A_1101 = vector.broadcast %jit3A_1099 : f32 to vector<1024x256xf32>
    %select_n3A_1102 = arith.select %lt3A_1097, %broadcast_in_dim3A_1100, %broadcast_in_dim3A_1101 : vector<1024x256xi1>, vector<1024x256xf32>
    %add3A_1103 = arith.addf %add3A_1090, %select_n3A_1102 : vector<1024x256xf32>
    %get3A_1104 = arith.constant 85 : index
    %get3A_1105 = arith.constant 0 : index
    %get3A_1106 = vector.load %arg1[%get3A_1104, %get3A_1105] : memref<100x256xf32, #tpu.memory_space<vmem>>, vector<1x256xf32>
    %get3A_1107 = vector.shape_cast %get3A_1106 : vector<1x256xf32> to vector<256xf32>
    %broadcast_in_dim3A_1108 = vector.shape_cast %get3A_1107 : vector<256xf32> to vector<1x256xf32>
    %lt3A_1109 = vector.broadcast %broadcast_in_dim3A_1108 : vector<1x256xf32> to vector<1024x256xf32>
    %lt3A_1110 = arith.cmpf olt, %lt3A_1109, %get3A_1 : vector<1024x256xf32>
    %jit3A_1111 = arith.constant 1.000000e+00 : f32
    %jit3A_1112 = arith.constant 0.000000e+00 : f32
    %broadcast_in_dim3A_1113 = vector.broadcast %jit3A_1111 : f32 to vector<1024x256xf32>
    %broadcast_in_dim3A_1114 = vector.broadcast %jit3A_1112 : f32 to vector<1024x256xf32>
    %select_n3A_1115 = arith.select %lt3A_1110, %broadcast_in_dim3A_1113, %broadcast_in_dim3A_1114 : vector<1024x256xi1>, vector<1024x256xf32>
    %add3A_1116 = arith.addf %add3A_1103, %select_n3A_1115 : vector<1024x256xf32>
    %get3A_1117 = arith.constant 86 : index
    %get3A_1118 = arith.constant 0 : index
    %get3A_1119 = vector.load %arg1[%get3A_1117, %get3A_1118] : memref<100x256xf32, #tpu.memory_space<vmem>>, vector<1x256xf32>
    %get3A_1120 = vector.shape_cast %get3A_1119 : vector<1x256xf32> to vector<256xf32>
    %broadcast_in_dim3A_1121 = vector.shape_cast %get3A_1120 : vector<256xf32> to vector<1x256xf32>
    %lt3A_1122 = vector.broadcast %broadcast_in_dim3A_1121 : vector<1x256xf32> to vector<1024x256xf32>
    %lt3A_1123 = arith.cmpf olt, %lt3A_1122, %get3A_1 : vector<1024x256xf32>
    %jit3A_1124 = arith.constant 1.000000e+00 : f32
    %jit3A_1125 = arith.constant 0.000000e+00 : f32
    %broadcast_in_dim3A_1126 = vector.broadcast %jit3A_1124 : f32 to vector<1024x256xf32>
    %broadcast_in_dim3A_1127 = vector.broadcast %jit3A_1125 : f32 to vector<1024x256xf32>
    %select_n3A_1128 = arith.select %lt3A_1123, %broadcast_in_dim3A_1126, %broadcast_in_dim3A_1127 : vector<1024x256xi1>, vector<1024x256xf32>
    %add3A_1129 = arith.addf %add3A_1116, %select_n3A_1128 : vector<1024x256xf32>
    %get3A_1130 = arith.constant 87 : index
    %get3A_1131 = arith.constant 0 : index
    %get3A_1132 = vector.load %arg1[%get3A_1130, %get3A_1131] : memref<100x256xf32, #tpu.memory_space<vmem>>, vector<1x256xf32>
    %get3A_1133 = vector.shape_cast %get3A_1132 : vector<1x256xf32> to vector<256xf32>
    %broadcast_in_dim3A_1134 = vector.shape_cast %get3A_1133 : vector<256xf32> to vector<1x256xf32>
    %lt3A_1135 = vector.broadcast %broadcast_in_dim3A_1134 : vector<1x256xf32> to vector<1024x256xf32>
    %lt3A_1136 = arith.cmpf olt, %lt3A_1135, %get3A_1 : vector<1024x256xf32>
    %jit3A_1137 = arith.constant 1.000000e+00 : f32
    %jit3A_1138 = arith.constant 0.000000e+00 : f32
    %broadcast_in_dim3A_1139 = vector.broadcast %jit3A_1137 : f32 to vector<1024x256xf32>
    %broadcast_in_dim3A_1140 = vector.broadcast %jit3A_1138 : f32 to vector<1024x256xf32>
    %select_n3A_1141 = arith.select %lt3A_1136, %broadcast_in_dim3A_1139, %broadcast_in_dim3A_1140 : vector<1024x256xi1>, vector<1024x256xf32>
    %add3A_1142 = arith.addf %add3A_1129, %select_n3A_1141 : vector<1024x256xf32>
    %get3A_1143 = arith.constant 88 : index
    %get3A_1144 = arith.constant 0 : index
    %get3A_1145 = vector.load %arg1[%get3A_1143, %get3A_1144] : memref<100x256xf32, #tpu.memory_space<vmem>>, vector<1x256xf32>
    %get3A_1146 = vector.shape_cast %get3A_1145 : vector<1x256xf32> to vector<256xf32>
    %broadcast_in_dim3A_1147 = vector.shape_cast %get3A_1146 : vector<256xf32> to vector<1x256xf32>
    %lt3A_1148 = vector.broadcast %broadcast_in_dim3A_1147 : vector<1x256xf32> to vector<1024x256xf32>
    %lt3A_1149 = arith.cmpf olt, %lt3A_1148, %get3A_1 : vector<1024x256xf32>
    %jit3A_1150 = arith.constant 1.000000e+00 : f32
    %jit3A_1151 = arith.constant 0.000000e+00 : f32
    %broadcast_in_dim3A_1152 = vector.broadcast %jit3A_1150 : f32 to vector<1024x256xf32>
    %broadcast_in_dim3A_1153 = vector.broadcast %jit3A_1151 : f32 to vector<1024x256xf32>
    %select_n3A_1154 = arith.select %lt3A_1149, %broadcast_in_dim3A_1152, %broadcast_in_dim3A_1153 : vector<1024x256xi1>, vector<1024x256xf32>
    %add3A_1155 = arith.addf %add3A_1142, %select_n3A_1154 : vector<1024x256xf32>
    %get3A_1156 = arith.constant 89 : index
    %get3A_1157 = arith.constant 0 : index
    %get3A_1158 = vector.load %arg1[%get3A_1156, %get3A_1157] : memref<100x256xf32, #tpu.memory_space<vmem>>, vector<1x256xf32>
    %get3A_1159 = vector.shape_cast %get3A_1158 : vector<1x256xf32> to vector<256xf32>
    %broadcast_in_dim3A_1160 = vector.shape_cast %get3A_1159 : vector<256xf32> to vector<1x256xf32>
    %lt3A_1161 = vector.broadcast %broadcast_in_dim3A_1160 : vector<1x256xf32> to vector<1024x256xf32>
    %lt3A_1162 = arith.cmpf olt, %lt3A_1161, %get3A_1 : vector<1024x256xf32>
    %jit3A_1163 = arith.constant 1.000000e+00 : f32
    %jit3A_1164 = arith.constant 0.000000e+00 : f32
    %broadcast_in_dim3A_1165 = vector.broadcast %jit3A_1163 : f32 to vector<1024x256xf32>
    %broadcast_in_dim3A_1166 = vector.broadcast %jit3A_1164 : f32 to vector<1024x256xf32>
    %select_n3A_1167 = arith.select %lt3A_1162, %broadcast_in_dim3A_1165, %broadcast_in_dim3A_1166 : vector<1024x256xi1>, vector<1024x256xf32>
    %add3A_1168 = arith.addf %add3A_1155, %select_n3A_1167 : vector<1024x256xf32>
    %get3A_1169 = arith.constant 90 : index
    %get3A_1170 = arith.constant 0 : index
    %get3A_1171 = vector.load %arg1[%get3A_1169, %get3A_1170] : memref<100x256xf32, #tpu.memory_space<vmem>>, vector<1x256xf32>
    %get3A_1172 = vector.shape_cast %get3A_1171 : vector<1x256xf32> to vector<256xf32>
    %broadcast_in_dim3A_1173 = vector.shape_cast %get3A_1172 : vector<256xf32> to vector<1x256xf32>
    %lt3A_1174 = vector.broadcast %broadcast_in_dim3A_1173 : vector<1x256xf32> to vector<1024x256xf32>
    %lt3A_1175 = arith.cmpf olt, %lt3A_1174, %get3A_1 : vector<1024x256xf32>
    %jit3A_1176 = arith.constant 1.000000e+00 : f32
    %jit3A_1177 = arith.constant 0.000000e+00 : f32
    %broadcast_in_dim3A_1178 = vector.broadcast %jit3A_1176 : f32 to vector<1024x256xf32>
    %broadcast_in_dim3A_1179 = vector.broadcast %jit3A_1177 : f32 to vector<1024x256xf32>
    %select_n3A_1180 = arith.select %lt3A_1175, %broadcast_in_dim3A_1178, %broadcast_in_dim3A_1179 : vector<1024x256xi1>, vector<1024x256xf32>
    %add3A_1181 = arith.addf %add3A_1168, %select_n3A_1180 : vector<1024x256xf32>
    %get3A_1182 = arith.constant 91 : index
    %get3A_1183 = arith.constant 0 : index
    %get3A_1184 = vector.load %arg1[%get3A_1182, %get3A_1183] : memref<100x256xf32, #tpu.memory_space<vmem>>, vector<1x256xf32>
    %get3A_1185 = vector.shape_cast %get3A_1184 : vector<1x256xf32> to vector<256xf32>
    %broadcast_in_dim3A_1186 = vector.shape_cast %get3A_1185 : vector<256xf32> to vector<1x256xf32>
    %lt3A_1187 = vector.broadcast %broadcast_in_dim3A_1186 : vector<1x256xf32> to vector<1024x256xf32>
    %lt3A_1188 = arith.cmpf olt, %lt3A_1187, %get3A_1 : vector<1024x256xf32>
    %jit3A_1189 = arith.constant 1.000000e+00 : f32
    %jit3A_1190 = arith.constant 0.000000e+00 : f32
    %broadcast_in_dim3A_1191 = vector.broadcast %jit3A_1189 : f32 to vector<1024x256xf32>
    %broadcast_in_dim3A_1192 = vector.broadcast %jit3A_1190 : f32 to vector<1024x256xf32>
    %select_n3A_1193 = arith.select %lt3A_1188, %broadcast_in_dim3A_1191, %broadcast_in_dim3A_1192 : vector<1024x256xi1>, vector<1024x256xf32>
    %add3A_1194 = arith.addf %add3A_1181, %select_n3A_1193 : vector<1024x256xf32>
    %get3A_1195 = arith.constant 92 : index
    %get3A_1196 = arith.constant 0 : index
    %get3A_1197 = vector.load %arg1[%get3A_1195, %get3A_1196] : memref<100x256xf32, #tpu.memory_space<vmem>>, vector<1x256xf32>
    %get3A_1198 = vector.shape_cast %get3A_1197 : vector<1x256xf32> to vector<256xf32>
    %broadcast_in_dim3A_1199 = vector.shape_cast %get3A_1198 : vector<256xf32> to vector<1x256xf32>
    %lt3A_1200 = vector.broadcast %broadcast_in_dim3A_1199 : vector<1x256xf32> to vector<1024x256xf32>
    %lt3A_1201 = arith.cmpf olt, %lt3A_1200, %get3A_1 : vector<1024x256xf32>
    %jit3A_1202 = arith.constant 1.000000e+00 : f32
    %jit3A_1203 = arith.constant 0.000000e+00 : f32
    %broadcast_in_dim3A_1204 = vector.broadcast %jit3A_1202 : f32 to vector<1024x256xf32>
    %broadcast_in_dim3A_1205 = vector.broadcast %jit3A_1203 : f32 to vector<1024x256xf32>
    %select_n3A_1206 = arith.select %lt3A_1201, %broadcast_in_dim3A_1204, %broadcast_in_dim3A_1205 : vector<1024x256xi1>, vector<1024x256xf32>
    %add3A_1207 = arith.addf %add3A_1194, %select_n3A_1206 : vector<1024x256xf32>
    %get3A_1208 = arith.constant 93 : index
    %get3A_1209 = arith.constant 0 : index
    %get3A_1210 = vector.load %arg1[%get3A_1208, %get3A_1209] : memref<100x256xf32, #tpu.memory_space<vmem>>, vector<1x256xf32>
    %get3A_1211 = vector.shape_cast %get3A_1210 : vector<1x256xf32> to vector<256xf32>
    %broadcast_in_dim3A_1212 = vector.shape_cast %get3A_1211 : vector<256xf32> to vector<1x256xf32>
    %lt3A_1213 = vector.broadcast %broadcast_in_dim3A_1212 : vector<1x256xf32> to vector<1024x256xf32>
    %lt3A_1214 = arith.cmpf olt, %lt3A_1213, %get3A_1 : vector<1024x256xf32>
    %jit3A_1215 = arith.constant 1.000000e+00 : f32
    %jit3A_1216 = arith.constant 0.000000e+00 : f32
    %broadcast_in_dim3A_1217 = vector.broadcast %jit3A_1215 : f32 to vector<1024x256xf32>
    %broadcast_in_dim3A_1218 = vector.broadcast %jit3A_1216 : f32 to vector<1024x256xf32>
    %select_n3A_1219 = arith.select %lt3A_1214, %broadcast_in_dim3A_1217, %broadcast_in_dim3A_1218 : vector<1024x256xi1>, vector<1024x256xf32>
    %add3A_1220 = arith.addf %add3A_1207, %select_n3A_1219 : vector<1024x256xf32>
    %get3A_1221 = arith.constant 94 : index
    %get3A_1222 = arith.constant 0 : index
    %get3A_1223 = vector.load %arg1[%get3A_1221, %get3A_1222] : memref<100x256xf32, #tpu.memory_space<vmem>>, vector<1x256xf32>
    %get3A_1224 = vector.shape_cast %get3A_1223 : vector<1x256xf32> to vector<256xf32>
    %broadcast_in_dim3A_1225 = vector.shape_cast %get3A_1224 : vector<256xf32> to vector<1x256xf32>
    %lt3A_1226 = vector.broadcast %broadcast_in_dim3A_1225 : vector<1x256xf32> to vector<1024x256xf32>
    %lt3A_1227 = arith.cmpf olt, %lt3A_1226, %get3A_1 : vector<1024x256xf32>
    %jit3A_1228 = arith.constant 1.000000e+00 : f32
    %jit3A_1229 = arith.constant 0.000000e+00 : f32
    %broadcast_in_dim3A_1230 = vector.broadcast %jit3A_1228 : f32 to vector<1024x256xf32>
    %broadcast_in_dim3A_1231 = vector.broadcast %jit3A_1229 : f32 to vector<1024x256xf32>
    %select_n3A_1232 = arith.select %lt3A_1227, %broadcast_in_dim3A_1230, %broadcast_in_dim3A_1231 : vector<1024x256xi1>, vector<1024x256xf32>
    %add3A_1233 = arith.addf %add3A_1220, %select_n3A_1232 : vector<1024x256xf32>
    %get3A_1234 = arith.constant 95 : index
    %get3A_1235 = arith.constant 0 : index
    %get3A_1236 = vector.load %arg1[%get3A_1234, %get3A_1235] : memref<100x256xf32, #tpu.memory_space<vmem>>, vector<1x256xf32>
    %get3A_1237 = vector.shape_cast %get3A_1236 : vector<1x256xf32> to vector<256xf32>
    %broadcast_in_dim3A_1238 = vector.shape_cast %get3A_1237 : vector<256xf32> to vector<1x256xf32>
    %lt3A_1239 = vector.broadcast %broadcast_in_dim3A_1238 : vector<1x256xf32> to vector<1024x256xf32>
    %lt3A_1240 = arith.cmpf olt, %lt3A_1239, %get3A_1 : vector<1024x256xf32>
    %jit3A_1241 = arith.constant 1.000000e+00 : f32
    %jit3A_1242 = arith.constant 0.000000e+00 : f32
    %broadcast_in_dim3A_1243 = vector.broadcast %jit3A_1241 : f32 to vector<1024x256xf32>
    %broadcast_in_dim3A_1244 = vector.broadcast %jit3A_1242 : f32 to vector<1024x256xf32>
    %select_n3A_1245 = arith.select %lt3A_1240, %broadcast_in_dim3A_1243, %broadcast_in_dim3A_1244 : vector<1024x256xi1>, vector<1024x256xf32>
    %add3A_1246 = arith.addf %add3A_1233, %select_n3A_1245 : vector<1024x256xf32>
    %get3A_1247 = arith.constant 96 : index
    %get3A_1248 = arith.constant 0 : index
    %get3A_1249 = vector.load %arg1[%get3A_1247, %get3A_1248] : memref<100x256xf32, #tpu.memory_space<vmem>>, vector<1x256xf32>
    %get3A_1250 = vector.shape_cast %get3A_1249 : vector<1x256xf32> to vector<256xf32>
    %broadcast_in_dim3A_1251 = vector.shape_cast %get3A_1250 : vector<256xf32> to vector<1x256xf32>
    %lt3A_1252 = vector.broadcast %broadcast_in_dim3A_1251 : vector<1x256xf32> to vector<1024x256xf32>
    %lt3A_1253 = arith.cmpf olt, %lt3A_1252, %get3A_1 : vector<1024x256xf32>
    %jit3A_1254 = arith.constant 1.000000e+00 : f32
    %jit3A_1255 = arith.constant 0.000000e+00 : f32
    %broadcast_in_dim3A_1256 = vector.broadcast %jit3A_1254 : f32 to vector<1024x256xf32>
    %broadcast_in_dim3A_1257 = vector.broadcast %jit3A_1255 : f32 to vector<1024x256xf32>
    %select_n3A_1258 = arith.select %lt3A_1253, %broadcast_in_dim3A_1256, %broadcast_in_dim3A_1257 : vector<1024x256xi1>, vector<1024x256xf32>
    %add3A_1259 = arith.addf %add3A_1246, %select_n3A_1258 : vector<1024x256xf32>
    %get3A_1260 = arith.constant 97 : index
    %get3A_1261 = arith.constant 0 : index
    %get3A_1262 = vector.load %arg1[%get3A_1260, %get3A_1261] : memref<100x256xf32, #tpu.memory_space<vmem>>, vector<1x256xf32>
    %get3A_1263 = vector.shape_cast %get3A_1262 : vector<1x256xf32> to vector<256xf32>
    %broadcast_in_dim3A_1264 = vector.shape_cast %get3A_1263 : vector<256xf32> to vector<1x256xf32>
    %lt3A_1265 = vector.broadcast %broadcast_in_dim3A_1264 : vector<1x256xf32> to vector<1024x256xf32>
    %lt3A_1266 = arith.cmpf olt, %lt3A_1265, %get3A_1 : vector<1024x256xf32>
    %jit3A_1267 = arith.constant 1.000000e+00 : f32
    %jit3A_1268 = arith.constant 0.000000e+00 : f32
    %broadcast_in_dim3A_1269 = vector.broadcast %jit3A_1267 : f32 to vector<1024x256xf32>
    %broadcast_in_dim3A_1270 = vector.broadcast %jit3A_1268 : f32 to vector<1024x256xf32>
    %select_n3A_1271 = arith.select %lt3A_1266, %broadcast_in_dim3A_1269, %broadcast_in_dim3A_1270 : vector<1024x256xi1>, vector<1024x256xf32>
    %add3A_1272 = arith.addf %add3A_1259, %select_n3A_1271 : vector<1024x256xf32>
    %get3A_1273 = arith.constant 98 : index
    %get3A_1274 = arith.constant 0 : index
    %get3A_1275 = vector.load %arg1[%get3A_1273, %get3A_1274] : memref<100x256xf32, #tpu.memory_space<vmem>>, vector<1x256xf32>
    %get3A_1276 = vector.shape_cast %get3A_1275 : vector<1x256xf32> to vector<256xf32>
    %broadcast_in_dim3A_1277 = vector.shape_cast %get3A_1276 : vector<256xf32> to vector<1x256xf32>
    %lt3A_1278 = vector.broadcast %broadcast_in_dim3A_1277 : vector<1x256xf32> to vector<1024x256xf32>
    %lt3A_1279 = arith.cmpf olt, %lt3A_1278, %get3A_1 : vector<1024x256xf32>
    %jit3A_1280 = arith.constant 1.000000e+00 : f32
    %jit3A_1281 = arith.constant 0.000000e+00 : f32
    %broadcast_in_dim3A_1282 = vector.broadcast %jit3A_1280 : f32 to vector<1024x256xf32>
    %broadcast_in_dim3A_1283 = vector.broadcast %jit3A_1281 : f32 to vector<1024x256xf32>
    %select_n3A_1284 = arith.select %lt3A_1279, %broadcast_in_dim3A_1282, %broadcast_in_dim3A_1283 : vector<1024x256xi1>, vector<1024x256xf32>
    %add3A_1285 = arith.addf %add3A_1272, %select_n3A_1284 : vector<1024x256xf32>
    %get3A_1286 = arith.constant 99 : index
    %get3A_1287 = arith.constant 0 : index
    %get3A_1288 = vector.load %arg1[%get3A_1286, %get3A_1287] : memref<100x256xf32, #tpu.memory_space<vmem>>, vector<1x256xf32>
    %get3A_1289 = vector.shape_cast %get3A_1288 : vector<1x256xf32> to vector<256xf32>
    %broadcast_in_dim3A_1290 = vector.shape_cast %get3A_1289 : vector<256xf32> to vector<1x256xf32>
    %lt3A_1291 = vector.broadcast %broadcast_in_dim3A_1290 : vector<1x256xf32> to vector<1024x256xf32>
    %lt3A_1292 = arith.cmpf olt, %lt3A_1291, %get3A_1 : vector<1024x256xf32>
    %jit3A_1293 = arith.constant 1.000000e+00 : f32
    %jit3A_1294 = arith.constant 0.000000e+00 : f32
    %broadcast_in_dim3A_1295 = vector.broadcast %jit3A_1293 : f32 to vector<1024x256xf32>
    %broadcast_in_dim3A_1296 = vector.broadcast %jit3A_1294 : f32 to vector<1024x256xf32>
    %select_n3A_1297 = arith.select %lt3A_1292, %broadcast_in_dim3A_1295, %broadcast_in_dim3A_1296 : vector<1024x256xi1>, vector<1024x256xf32>
    %add3A_1298 = arith.addf %add3A_1285, %select_n3A_1297 : vector<1024x256xf32>
    %div3A = arith.constant 1.000000e+02 : f32
    %div3A_1299 = vector.broadcast %div3A : f32 to vector<1024x256xf32>
    %div3A_1300 = arith.divf %add3A_1298, %div3A_1299 : vector<1024x256xf32>
    %swap3A = arith.constant 0 : index
    %swap3A_1301 = arith.constant 0 : index
    %swap3A_1302 = vector.load %arg3[%swap3A, %swap3A_1301] : memref<1024x256xf32, #tpu.memory_space<vmem>>, vector<1024x256xf32>
    tpu.vector_store %arg3[%swap3A, %swap3A_1301], %div3A_1300 {strides = array<i32>} : memref<1024x256xf32, #tpu.memory_space<vmem>>, vector<1024x256xf32>,
    return
  }
  func.func @transform_0(%arg0: i32) -> (i32, i32) {
    %c0_i32 = arith.constant 0 : i32
    %c0_i32_0 = arith.constant 0 : i32
    %c0_i32_1 = arith.constant 0 : i32
    return %c0_i32, %c0_i32_0 : i32, i32
  }
  func.func @transform_1(%arg0: i32) -> (i32, i32) {
    %c0_i32 = arith.constant 0 : i32
    %c0_i32_0 = arith.constant 0 : i32
    return %arg0, %c0_i32 : i32, i32
  }
  func.func @transform_2(%arg0: i32) -> (i32, i32) {
    %c0_i32 = arith.constant 0 : i32
    %c0_i32_0 = arith.constant 0 : i32
    return %arg0, %c0_i32 : i32, i32
  }
}

</mosaic_0001>

<sc_bundles>
// kernel: kernel.5.cloned.1.call-start
scs
__scs_entry_jumppad:
0x0: {  	(pc) =	sbr.rel $0x88, $3  }
0x1: {  	(tag) =	ssettag $0x0;
	lr =	simm.s32 $0x1  }
0x2: {  	[smem:$0x3FA0] =	sst lr;
	_ =	strace $0xD0000000  }
0x3: {  	_ = 	snop  }
0x4: {  	_ = 	snop  }
0x5: {  	_ = 	snop  }
0x6: {  	_ = 	snop  }
0x7: {  	_ = 	snop  }
__scs_overlays_trampoline_lowered:
0x8: {  	[smem:$0x3FAF] =	sst s0  }
0x9: {  	[smem:$0x3FB0] =	sst s1  }
0xa: {  	[smem:$0x3FB1] =	sst s2  }
0xb: {  	[smem:$0x3FB2] =	sst s3  }
0xc: {  	[smem:$0x3FB3] =	sst s4  }
0xd: {  	[smem:$0x3FB4] =	sst s5  }
0xe: {  	[smem:$0x3FB5] =	sst s6  }
0xf: {  	[smem:$0x3FB6] =	sst s7  }
0x10: {  	[smem:$0x3FB7] =	sst s8  }
0x11: {  	[smem:$0x3FB8] =	sst s9;
	s0 =	simm.s32 @!p0 $0x0  }
0x12: {  	s1 =	sld [smem:$0x3F9E];
	s0 =	simm.s32 @p0 $0x1  }
0x13: {  	[smem:$0x3FB9] =	sst s0;
	s0 =	simm.s32 @!p1 $0x0  }
0x14: {  	s2 =	sld [smem:$0x3F9D];
	s0 =	simm.s32 @p1 $0x1  }
0x15: {  	[smem:$0x3FBA] =	sst s0;
	s0 =	simm.s32 @!p2 $0x0  }
0x16: {  	s3 =	sld [smem:$0x3FDB];
	s0 =	simm.s32 @p2 $0x1  }
0x17: {  	s4 =	simm.s32 $0x1BF5;
	[smem:$0x3FBC] =	sst s0  }
0x18: {  	s0 =	sld [smem:$0x3F9F];
	_ =	swait.ge [sflag:s4], $0x0  }
0x19: {  	s7 =	sld [smem:$0x3FA0]  }
0x1a: {  	s8 =	sadd.s32 $0xFFFFE003, lr  }
0x1b: {  	s9 =	sadd.s32 $0xFFFFFEF7, lr;
	s5 =	simm.s32 $0xFFFFFFFF;
	p2 =	slt.u32 s8, $0xFFFFF086  }
0x1c: {  	p1 =	slt.u32 s9, $0xF7A;
	s5 =	simm.s32 @!p2 $0x0  }
0x1d: {  	s5 =	simm.s32 @p1 $0x1;
	p0 =	seq.s32 s7, s2  }
0x1e: {  	s7 =	smul.u32 @!p0 $0xF7A, s2;
	p2 =	seq.s32 @!p0 s5, $0x0  }
0x1f: {  	s9 =	smul.u32 $0xF7A, s1;
	s8 =	simm.s32 @!p0 $0x1BF5;
	p2 =	por !p2, p0  }
0x20: {  	[sflag:s8] =	ssyncset.s32 @!p0 $0xFFFFF086;
	s6 =	sadd.s32 @!p0 s3, s7;
	s7 =	simm.s32 @!p0 $0x108  }
0x21: {  	s3 =	sadd.s32 s3, s9;
	s6 =	sadd.s32 @!p0 $0x88, s6;
	s7 =	simm.s32 @p2 $0x1082  }
0x22: {  	[simem:s7], [sflag:s8] =	dma.local @!p0 [hbm:s6], $0xF7A  }
0x23: {  	s9 =	sor.u32 $0xD0000000, s2;
	s6 =	simm.s32 $0x108;
	_ =	swait.ge @!p0 [sflag:s8], $0x0  }
0x24: {  	s3 =	sadd.s32 $0x88, s3;
	s6 =	simm.s32 @!p1 $0x1082;
	[sflag:s4] =	ssyncset.s32 $0xFFFFF086  }
0x25: {  	[simem:s6], [sflag:s4] =	dma.local [hbm:s3], $0xF7A  }
0x26: {  	[smem:$0x3FA0] =	sst s1;
	(tag) =	ssettag s2;
	_ =	strace s9  }
0x27: {  	s1 =	sld [smem:$0x3FB0]  }
0x28: {  	s2 =	sld [smem:$0x3FB1]  }
0x29: {  	s4 =	sld [smem:$0x3FB3]  }
0x2a: {  	p0 =	seq.s32 s5, $0x0;
	s5 =	sld [smem:$0x3FB4]  }
0x2b: {  	s6 =	sld [smem:$0x3FB5]  }
0x2c: {  	s7 =	sld [smem:$0x3FB6]  }
0x2d: {  	s3 =	simm.s32 $0x108;
	s8 =	sld [smem:$0x3FB7]  }
0x2e: {  	s3 =	simm.s32 @!p0 $0x1082;
	s9 =	sld [smem:$0x3FB8]  }
0x2f: {  	lr =	sadd.s32 s0, s3;
	s0 =	sld [smem:$0x3FAF]  }
0x30: {  	s3 =	sld [smem:$0x3FB2]  }
0x31: {  	[smem:$0x3FBB] =	sst s10  }
0x32: {  	s10 =	sld [smem:$0x3FB9];
	_ =	sdelay $0x3  }
0x33: {  	p0 =	seq.s32 s10, $0x1;
	s10 =	sld [smem:$0x3FBB];
	_ =	sdelay $0x3  }
0x34: {  	[smem:$0x3FBB] =	sst s10  }
0x35: {  	s10 =	sld [smem:$0x3FBA];
	_ =	sdelay $0x3  }
0x36: {  	p1 =	seq.s32 s10, $0x1;
	s10 =	sld [smem:$0x3FBB];
	_ =	sdelay $0x3  }
0x37: {  	[smem:$0x3FBB] =	sst s10  }
0x38: {  	s10 =	sld [smem:$0x3FBC]  }
0x39: {  	_ = 	snop;
	(pc) =	sbr.ind lr, $3  }
0x3a: {  	_ = 	snop  }
0x3b: {  	_ = 	snop  }
0x3c: {  	p2 =	seq.s32 s10, $0x1;
	s10 =	sld [smem:$0x3FBB]  }
0x3d: {  	_ =	shalt  }
0x3e: {  	_ =	shalt  }
0x3f: {  	_ =	shalt  }
0x40: {  	_ =	shalt  }
0x41: {  	_ =	shalt  }
0x42: {  	_ =	shalt  }
0x43: {  	_ =	shalt  }
0x44: {  	_ =	shalt  }
0x45: {  	_ =	shalt  }
0x46: {  	_ =	shalt  }
0x47: {  	_ =	shalt  }
0x48: {  	_ =	shalt  }
0x49: {  	_ =	shalt  }
0x4a: {  	_ =	shalt  }
0x4b: {  	_ =	shalt  }
0x4c: {  	_ =	shalt  }
0x4d: {  	_ =	shalt  }
0x4e: {  	_ =	shalt  }
0x4f: {  	_ =	shalt  }
0x50: {  	_ =	shalt  }
0x51: {  	_ =	shalt  }
0x52: {  	_ =	shalt  }
0x53: {  	_ =	shalt  }
0x54: {  	_ =	shalt  }
0x55: {  	_ =	shalt  }
0x56: {  	_ =	shalt  }
0x57: {  	_ =	shalt  }
0x58: {  	_ =	shalt  }
0x59: {  	_ =	shalt  }
0x5a: {  	_ =	shalt  }
0x5b: {  	_ =	shalt  }
0x5c: {  	_ =	shalt  }
0x5d: {  	_ =	shalt  }
0x5e: {  	_ =	shalt  }
0x5f: {  	_ =	shalt  }
0x60: {  	_ =	shalt  }
0x61: {  	_ =	shalt  }
0x62: {  	_ =	shalt  }
0x63: {  	_ =	shalt  }
0x64: {  	_ =	shalt  }
0x65: {  	_ =	shalt  }
0x66: {  	_ =	shalt  }
0x67: {  	_ =	shalt  }
0x68: {  	_ =	shalt  }
0x69: {  	_ =	shalt  }
0x6a: {  	_ =	shalt  }
0x6b: {  	_ =	shalt  }
0x6c: {  	_ =	shalt  }
0x6d: {  	_ =	shalt  }
0x6e: {  	_ =	shalt  }
0x6f: {  	_ =	shalt  }
0x70: {  	_ =	shalt  }
0x71: {  	_ =	shalt  }
0x72: {  	_ =	shalt  }
0x73: {  	_ =	shalt  }
0x74: {  	_ =	shalt  }
0x75: {  	_ =	shalt  }
0x76: {  	_ =	shalt  }
0x77: {  	_ =	shalt  }
0x78: {  	_ =	shalt  }
0x79: {  	_ =	shalt  }
0x7a: {  	_ =	shalt  }
0x7b: {  	_ =	shalt  }
0x7c: {  	_ =	shalt  }
0x7d: {  	_ =	shalt  }
0x7e: {  	_ =	shalt  }
0x7f: {  	_ =	shalt  }
0x80: {  	_ =	shalt  }
0x81: {  	_ =	shalt  }
0x82: {  	_ =	shalt  }
0x83: {  	_ =	shalt  }
0x84: {  	_ =	shalt  }
0x85: {  	_ =	shalt  }
0x86: {  	_ =	shalt  }
0x87: {  	_ =	shalt  }
.Lfunc_end0:
.L_simem_size_0:
called_computation.2_lowered:
.L_overlay_start_0:
0x88: {  	s2 =	sld [smem:$0x3FD9]  }
0x89: {  	s3 =	sld [smem:$0x3FFE];
	_ =	sdelay $0x1  }
0x8a: {  	s1 =	srdreg.scid  }
0x8b: {  	s0 =	sand.u32 $0x1, s1  }
0x8c: {  	s17 =	sshll.u32 s0, $0xA;
	s2 =	sadd.s32 s3, s2  }
0x8d: {  	s2 =	sadd.s32 s2, s17  }
0x8e: {  	[smem:$0x3FC7] =	sst s2  }
0x8f: {  	_ = 	snop  }
0x90: {  	s2 =	sld [smem:$0x3FD0];
	(tm) =	ssettm $0x1  }
0x91: {  	s18 =	sld [smem:$0x3FFB];
	_ =	sdelay $0x3  }
0x92: {  	_ =	strace s18  }
0x93: {  	s3 =	sld [smem:$0x3FFC];
	_ =	sdelay $0x3  }
0x94: {  	_ =	strace s3  }
0x95: {  	s3 =	sld [smem:$0x3FFD];
	_ =	sdelay $0x3  }
0x96: {  	_ =	strace s3  }
0x97: {  	_ =	strace $0x8FFFFFFF  }
0x98: {  	s19 =	sld [smem:$0x3FDB];
	_ =	sdelay $0x1  }
0x99: {  	s4 =	simm.s32 $_scs_section_size  }
0x9a: {  	s5 =	simm.s32 $_size__tile_overlayer_lowered;
	s6 =	simm.s32 $_tile_overlayer_lowered  }
0x9b: {  	s22 =	simm.s32 $0x1BFF;
	s21 =	sshll.u32 s6, $0x1;
	s3 =	sadd.s32 s4, s19  }
0x9c: {  	s7 =	simm.s32 $0x0;
	s20 =	sshll.u32 s5, $0x1;
	s5 =	sadd.s32 s21, s3  }
0x9d: {  	[timem:s7], [sflag:s22] =	dma.local [hbm:s5], s20  }
0x9e: {  	_ =	swait.ge [sflag:s22], s20  }
0x9f: {  	s4 =	ssub.s32 $0x0, s20;
	[sflag:s22] =	ssyncset.done $0x0  }
0xa0: {  	[sflag:s22] =	ssyncadd.s32 s4;
	_ =	sdelay $0x1  }
0xa1: {  	s23 =	simm.s32 $0x1B8B  }
0xa2: {  	_ =	swait.ge [sflag:s23], $0x1  }
0xa3: {  	[sflag:s23] =	ssyncset.done $0x0  }
0xa4: {  	s25 =	simm.s32 $0x1B8E;
	s24 =	sld [smem:$0x3FFE];
	[sflag:s23] =	ssyncadd.s32 $0xFFFFFFFF  }
0xa5: {  	s26 =	simm.s32 $execute0_lowered;
	[smem:$0x3FD2] =	sst s25  }
0xa6: {  	s5 =	sshll.u32 s26, $0x1;
	_ =	strace $0x8000004C;
	[dreg:$0x1] =	wrdreg $0xFFFFFFFF  }
0xa7: {  	s28 =	simm.s32 $_size_execute0_lowered;
	s3 =	sadd.s32 s3, s5;
	[dreg:$0x0] =	wrdreg $0x0  }
0xa8: {  	s5 =	sshll.u32 s28, $0x1;
	[dreg:$0x2] =	wrdreg s3  }
0xa9: {  	[dreg:$0x3] =	wrdreg s5  }
0xaa: {  	[dreg:$0x4] =	wrdreg $0xC0  }
0xab: {  	_ =	task [dreg:s7], $0x5FFFF  }
0xac: {  	[dreg:$0x1] =	wrdreg $0xFFFFFFFF  }
0xad: {  	[dreg:$0x0] =	wrdreg $0x60  }
0xae: {  	[dreg:$0x2] =	wrdreg s2  }
0xaf: {  	[dreg:$0x3] =	wrdreg s24  }
0xb0: {  	[dreg:$0x4] =	wrdreg $0x9  }
0xb1: {  	_ =	task.clear_ibuf [dreg:s7], $0x5FFFF;
	_ =	strace $0x9000004C  }
0xb2: {  	s29 =	simm.s32 $0x9;
	_ =	strace $0x8000004E  }
0xb3: {  	_ =	swait.ge [sflag:s29], $0x1  }
0xb4: {  	[sflag:s29] =	ssyncadd.s32 $0xFFFFFFFF  }
0xb5: {  	_ =	strace $0x9000004E  }
0xb6: {  	_ =	sfence  }
0xb7: {  	s30 =	sld [smem:$0x0];
	_ =	sdelay $0x2  }
0xb8: {  	s31 =	sshll.u32 s1, $0xD;
	s1 =	sshrl.u32 s1, $0x2  }
0xb9: {  	s3 =	sand.u32 $0x4000, s31;
	s1 =	sadd.s32 s1, s30  }
0xba: {  	s0 =	sor.u32 s3, s0;
	s1 =	sshll.u32 s1, $0x11  }
0xbb: {  	s0 =	sor.u32 s1, s0  }
0xbc: {  	s0 =	sadd.s32 $0x8F2B, s0  }
0xbd: {  	[sflag:s0] =	ssyncadd.remote.s32 $0x1  }
0xbe: {  	_ =	sfence.sel $0xFFFF  }
0xbf: {  	[dreg:$0x0] =	wrdreg $0xFFFFFFFF;
	(pc) =	sbr.abs _section_cstart, $3  }
0xc0: {  	[dreg:$0x1] =	wrdreg $0xFFFFFFFF  }
0xc1: {  	_ =	task.clear_ibuf [dreg:s7], $0x2FFFF;
	_ =	strace $0x9FFFFFFF  }
0xc2: {  	(tm) =	ssettm $0x7FFFFFFF  }
0xc3: {  	_ =	shalt  }
tec
execute0_lowered:
.L_overlay_start_1:
0x0: {  	(tag) =	ssettag $0x1  }
0x1: {  	v0 =	vimm.s32 $0x7001;
	vm0 =	vcmask $0x300;
	s20 =	rddreg [dreg:$0x0]  }
0x2: {  	vm14 =	vcmask $0x704;
	s0 =	srdreg.scid;
	s2 =	stileid.u32;
	v0 =	vsel vm0, $0x0, v0  }
0x3: {  	vm15 =	vcmask $0xB08;
	s1 =	rddreg [dreg:$0x1];
	s3 =	simm.s32 $0x0;
	s21 =	simm.s32 $0x1000;
	v0 =	vsel vm14, $0x1000, v0  }
0x4: {  	vm4 =	vcmask $0xF0C;
	s22 =	simm.s32 $0x2000;
	s15 =	simm.s32 $0x3000;
	s16 =	simm.s32 $0x4000;
	v0 =	vsel vm15, $0x2000, v0  }
0x5: {  	vm5 =	vcmask $0x1310;
	s17 =	simm.s32 $0x5000;
	s24 =	simm.s32 $0x6000;
	s25 =	simm.s32 $0x7000;
	v0 =	vsel vm4, $0x3000, v0  }
0x6: {  	vm6 =	vcmask $0x1714;
	s28 =	simm.s32 $0x8000;
	s29 =	simm.s32 $0x1C880;
	s30 =	simm.s32 $0x1CF80;
	v0 =	vsel vm5, $0x4000, v0  }
0x7: {  	vm7 =	vcmask $0x1B18;
	vm8 =	vcmask $0x1F1C;
	s0 =	sand.u32 $0x1, s0;
	s2 =	sshll.u32 s2, $0x1;
	[smem:$0x7FF] =	sst s3;
	v0 =	vsel vm6, $0x5000, v0  }
0x8: {  	vm9 =	vcmask $0x2320;
	v4 =	vlaneseq.u32;
	s7 =	sadd.s32 $0x2000, s20;
	s8 =	sadd.s32 $0x4000, s20;
	s9 =	sadd.s32 $0x6000, s20;
	v0 =	vsel vm7, $0x6000, v0  }
0x9: {  	vm10 =	vcmask $0x2724;
	vm11 =	vcmask $0x2B28;
	s10 =	sadd.s32 $0x8000, s20;
	s11 =	sadd.s32 $0xA000, s20;
	s12 =	sadd.s32 $0xC000, s20;
	v0 =	vsel vm8, $0x7000, v0  }
0xa: {  	vm12 =	vcmask $0x2F2C;
	vm13 =	vcmask $0x3330;
	s13 =	sadd.s32 $0xE000, s20;
	s2 =	sor.u32 s0, s2;
	s0 =	ssub.s32 $0x2, s0;
	v1 =	vsel vm9, $0x1, v0  }
0xb: {  	v6 =	vimm.s32 $0xFFFFFFFF;
	v5 =	vshrl.u32 v4, $0x3;
	_ =	strace $0x8000004D;
	s5 =	sshrl.u32 s0, $0x1;
	s6 =	sadd.s32 s2, s1;
	v2 =	vsel vm10, $0x1001, v1  }
0xc: {  	vm14 =	vcmask $0x3734;
	v8 =	vmul.u32 $0x6400, v5;
	s4 =	smul.u32 $0x64, s2;
	s0 =	ssub.s32 s0, s5;
	s26 =	sadd.s32 $0x200E00, s6;
	v3 =	vsel vm11, $0x2001, v2  }
0xd: {  	v5 =	vimm.s32 $0x1;
	vm15 =	vcmask $0x3B38;
	s31 =	sadd.s32 $0x200E20, s6;
	s6 =	sshll.u32 s2, $0x10;
	[dreg:$0x3] =	wrdreg s26;
	v3 =	vsel vm12, $0x3001, v3  }
0xe: {  	v8 =	vor.u32 $0x8000, v8;
	s1 =	sadd.s32 s4, s1;
	[dreg:$0x4] =	wrdreg s31;
	s0 =	smax.u32 s0, $0x1;
	v0 =	vand.u32 $0x7, v4;
	v3 =	vsel vm13, $0x4001, v3  }
0xf: {  	s2 =	simm.s32 $0x2;
	s1 =	sadd.s32 $0xE00, s1;
	[dreg:$0x6] =	wrdreg s0;
	v1 =	vor.u32 $0x8, v4;
	v4 =	vmul.u32 $0x1000, v4;
	v3 =	vsel vm14, $0x5001, v3  }
0x10: {  	s26 =	simm.s32 $0x1;
	[dreg:$0x5] =	wrdreg s1;
	s1 =	simm.s32 $0x0;
	v7 =	vmul.u32 $0x1000, v0;
	v2 =	vimm.s32 $0x0;
	v3 =	vsel vm15, $0x6001, v3  }
.LBB2_1:
0x11: {  	[dreg:$0x7] =	wrdreg s1  }
0x12: {  	s0 =	rddreg [dreg:$0x3];
	s23 =	simm.s32 $0x1CF00  }
0x13: {  	[tilespmem:s23], [sflag:$0x2] =	stream.linear.gather [hbm4b:s0+s3], $0x8, $0x38;
	[tilespmem:$0x1D300] =	vst v63  }
0x14: {  	_ =	swait.ge [sflag:s2], $0x8  }
0x15: {  	[sflag:s2] =	ssyncset.done $0x0  }
0x16: {  	s4 =	simm.s32 $0x1CF08;
	s31 =	rddreg [dreg:$0x4];
	[sflag:s2] =	ssyncadd.s32 $0xFFFFFFF8  }
0x17: {  	[tilespmem:s4], [sflag:$0x2] =	stream.linear.gather [hbm4b:s31+s3], $0x8, $0x38;
	[tilespmem:$0x1D300] =	vst v63  }
0x18: {  	_ =	swait.ge [sflag:s2], $0x8  }
0x19: {  	[sflag:s2] =	ssyncset.done $0x0  }
0x1a: {  	[sflag:s2] =	ssyncadd.s32 $0xFFFFFFF8  }
0x1b: {  	v9 =	vld.idx.msk [tilespmem:v0+s23+$0x0], $0xffff  }
0x1c: {  	v10 =	vld.idx.msk [tilespmem:v1+s23+$0x0], $0xffff;
	_ =	sdelay $0x4  }
0x1d: {  	v10 =	vsub.f32 v10, v9;
	_ =	sdelay $0x1  }
0x1e: {  	v11 =	vmax.f32 v10, $1.000000000e-30  }
0x1f: {  	v10 =	vmul.f32 $2.441406250e-04, v11  }
0x20: {  	[tilespmem:$0x1CF10] =	vst v9  }
0x21: {  	s1 =	simm.s32 $0x0;
	s0 =	simm.s32 $0x40;
	[tilespmem:$0x1CF20] =	vst v10  }
.LBB2_2:
0x22: {  	p0 =	sne.s32 s0, $0x3FFC0;
	[tilespmem:s1+$0x8000] =	vst v2;
	s1 =	smov.u32 s0;
	s0 =	sadd.s32 $0x40, s0  }
.Ltmp0:
0x23: {  	(pc) =	sbr.rel @p0 .LBB2_2-.Ltmp0, $2  }
0x24: {  	_ =	sdelay $0x2  }
0x25: {  	s1 =	sshra.s32 s1, $0x2  }
0x26: {  	(erf) = vrcp.f32 v11;
	_ =	sdelay $0x8  }
0x27: {  	v11 =	vpop (erf)  }
0x28: {  	[tilespmem:s1+$0x8000] =	vst v2;
	s0 =	simm.s32 $0x0;
	v11 =	vmul.f32 $4.096000000e+03, v11  }
.LBB2_4:
0x29: {  	s1 =	sshll.u32 s0, $0x9  }
0x2a: {  	s1 =	sadd.s32 s6, s1  }
0x2b: {  	s2 =	sadd.s32 s20, s1  }
0x2c: {  	[tilespmem:s3], [sflag:$0x1] =	stream.linear.gather [hbm4b:s2+s3], $0x1000, $0x38;
	[tilespmem:$0x1D300] =	vst v63  }
0x2d: {  	s5 =	sadd.s32 s1, s7  }
0x2e: {  	[tilespmem:s21], [sflag:$0x1] =	stream.linear.gather [hbm4b:s5+s3], $0x1000, $0x38;
	[tilespmem:$0x1D300] =	vst v63  }
0x2f: {  	s14 =	sadd.s32 s1, s8  }
0x30: {  	[tilespmem:s22], [sflag:$0x1] =	stream.linear.gather [hbm4b:s14+s3], $0x1000, $0x38;
	[tilespmem:$0x1D300] =	vst v63  }
0x31: {  	s18 =	sadd.s32 s1, s9  }
0x32: {  	[tilespmem:s15], [sflag:$0x1] =	stream.linear.gather [hbm4b:s18+s3], $0x1000, $0x38;
	[tilespmem:$0x1D300] =	vst v63  }
0x33: {  	s19 =	sadd.s32 s1, s10  }
0x34: {  	[tilespmem:s16], [sflag:$0x1] =	stream.linear.gather [hbm4b:s19+s3], $0x1000, $0x38;
	[tilespmem:$0x1D300] =	vst v63  }
0x35: {  	s23 =	sadd.s32 s1, s11  }
0x36: {  	[tilespmem:s17], [sflag:$0x1] =	stream.linear.gather [hbm4b:s23+s3], $0x1000, $0x38;
	[tilespmem:$0x1D300] =	vst v63  }
0x37: {  	s31 =	sadd.s32 s1, s12  }
0x38: {  	[tilespmem:s24], [sflag:$0x1] =	stream.linear.gather [hbm4b:s31+s3], $0x1000, $0x38;
	[tilespmem:$0x1D300] =	vst v63  }
0x39: {  	s1 =	sadd.s32 s1, s13  }
0x3a: {  	[tilespmem:s25], [sflag:$0x1] =	stream.linear.gather [hbm4b:s1+s3], $0x1000, $0x38;
	[tilespmem:$0x1D300] =	vst v63  }
0x3b: {  	_ =	swait.ge [sflag:s26], $0x1000  }
0x3c: {  	[sflag:s26] =	ssyncset.done $0x0  }
0x3d: {  	[sflag:s26] =	ssyncadd.s32 $0xFFFFF000  }
0x3e: {  	_ =	swait.ge [sflag:s26], $0x1000  }
0x3f: {  	[sflag:s26] =	ssyncset.done $0x0  }
0x40: {  	[sflag:s26] =	ssyncadd.s32 $0xFFFFF000  }
0x41: {  	_ =	swait.ge [sflag:s26], $0x1000  }
0x42: {  	[sflag:s26] =	ssyncset.done $0x0  }
0x43: {  	[sflag:s26] =	ssyncadd.s32 $0xFFFFF000  }
0x44: {  	_ =	swait.ge [sflag:s26], $0x1000  }
0x45: {  	[sflag:s26] =	ssyncset.done $0x0  }
0x46: {  	[sflag:s26] =	ssyncadd.s32 $0xFFFFF000  }
0x47: {  	_ =	swait.ge [sflag:s26], $0x1000  }
0x48: {  	[sflag:s26] =	ssyncset.done $0x0  }
0x49: {  	[sflag:s26] =	ssyncadd.s32 $0xFFFFF000  }
0x4a: {  	_ =	swait.ge [sflag:s26], $0x1000  }
0x4b: {  	[sflag:s26] =	ssyncset.done $0x0  }
0x4c: {  	[sflag:s26] =	ssyncadd.s32 $0xFFFFF000  }
0x4d: {  	s2 =	simm.s32 $0xE;
	_ =	swait.ge [sflag:s26], $0x1000  }
0x4e: {  	s4 =	simm.s32 $0xC;
	v12 =	vor.u32 s2, v3;
	[sflag:s26] =	ssyncset.done $0x0  }
0x4f: {  	v13 =	vor.u32 s4, v3;
	s5 =	simm.s32 $0x2;
	[sflag:s26] =	ssyncadd.s32 $0xFFFFF000  }
0x50: {  	v14 =	vor.u32 s5, v3;
	s14 =	simm.s32 $0x0;
	_ =	swait.ge [sflag:s26], $0x1000  }
0x51: {  	v15 =	vor.u32 s14, v3;
	s18 =	simm.s32 $0x4;
	[sflag:s26] =	ssyncset.done $0x0  }
0x52: {  	v16 =	vor.u32 s18, v3;
	s23 =	simm.s32 $0x8;
	[sflag:s26] =	ssyncadd.s32 $0xFFFFF000  }
0x53: {  	v18 =	vor.u32 s23, v3;
	s31 =	simm.s32 $0xA;
	v12 =	vld.idx.msk [tilespmem:v12+s3+$0x0], $0xffff  }
0x54: {  	s19 =	simm.s32 $0x6;
	v19 =	vor.u32 s31, v3;
	v13 =	vld.idx.msk [tilespmem:v13+s3+$0x0], $0xffff  }
0x55: {  	v17 =	vor.u32 s19, v3;
	v14 =	vld.idx.msk [tilespmem:v14+s3+$0x0], $0xffff  }
0x56: {  	v15 =	vld.idx.msk [tilespmem:v15+s3+$0x0], $0xffff  }
0x57: {  	v16 =	vld.idx.msk [tilespmem:v16+s3+$0x0], $0xffff  }
0x58: {  	v18 =	vld.idx.msk [tilespmem:v18+s3+$0x0], $0xffff  }
0x59: {  	v19 =	vld.idx.msk [tilespmem:v19+s3+$0x0], $0xffff  }
0x5a: {  	v17 =	vld.idx.msk [tilespmem:v17+s3+$0x0], $0xffff;
	v12 =	vsub.f32 v12, v9;
	v13 =	vsub.f32 v13, v9  }
0x5b: {  	v14 =	vsub.f32 v14, v9;
	v15 =	vsub.f32 v15, v9  }
0x5c: {  	v16 =	vsub.f32 v16, v9;
	v12 =	vmul.f32 v12, v11;
	v13 =	vmul.f32 v13, v11  }
0x5d: {  	v20 =	vsub.f32 v18, v9;
	v14 =	vmul.f32 v14, v11;
	v15 =	vmul.f32 v15, v11  }
0x5e: {  	v19 =	vsub.f32 v19, v9;
	v16 =	vmul.f32 v16, v11;
	v13 =	vtrunc.f32 v13  }
0x5f: {  	v17 =	vsub.f32 v17, v9;
	v20 =	vmul.f32 v20, v11;
	v13 =	vcvt.f32.s32 v13  }
0x60: {  	v19 =	vmul.f32 v19, v11;
	v12 =	vtrunc.f32 v12  }
0x61: {  	v18 =	vtrunc.f32 v15;
	v15 =	vmul.f32 v17, v11;
	vm0 =	vlt.s32 v13, $0xFFF  }
0x62: {  	v17 =	vtrunc.f32 v14;
	v14 =	vtrunc.f32 v16;
	v13 =	vnsel vm0, $0xFFF, v13  }
0x63: {  	s4 =	simm.s32 $0x1E;
	s2 =	simm.s32 $0x0;
	v16 =	vtrunc.f32 v20;
	v15 =	vtrunc.f32 v15;
	v13 =	vadd.s32 v4, v13  }
.LBB2_5:
0x64: {  	s1 =	sadd.s32 $0xFFFFFFF4, s4;
	s5 =	sadd.s32 $0xFFFFFFFE, s4;
	v20 =	vor.u32 s4, v3;
	s2 =	sadd.s32 $0x8, s2;
	v18 =	vcvt.f32.s32 v18;
	v19 =	vtrunc.f32 v19  }
0x65: {  	s14 =	sadd.s32 $0xFFFFFFF8, s4;
	v17 =	vcvt.f32.s32 v17;
	v21 =	vor.u32 s1, v3;
	s1 =	sadd.s32 $0xFFFFFFF6, s4;
	v22 =	vor.u32 s5, v3;
	p0 =	slt.u32 s2, $0x7F8  }
0x66: {  	v14 =	vcvt.f32.s32 v14;
	s5 =	sadd.s32 $0xFFFFFFF2, s4;
	v24 =	vor.u32 s14, v3;
	s14 =	sadd.s32 $0xFFFFFFFC, s4;
	v23 =	vor.u32 s1, v3;
	s1 =	sadd.s32 $0xFFFFFFFA, s4  }
0x67: {  	v25 =	vor.u32 s5, v3;
	v27 =	vor.u32 s14, v3;
	v26 =	vor.u32 s1, v3  }
0x68: {  	v15 =	vcvt.f32.s32 v15;
	v16 =	vcvt.f32.s32 v16;
	vm0 =	vlt.s32 v18, $0xFFF;
	[tilespmem:v13+s28+$0x0] =	vst.idx.add.s32.msk $0xffff, v5  }
0x69: {  	v12 =	vcvt.f32.s32 v12;
	v19 =	vcvt.f32.s32 v19;
	vm1 =	vlt.s32 v17, $0xFFF;
	v13 =	vld.idx.msk [tilespmem:v20+s3+$0x0], $0xffff  }
0x6a: {  	vm2 =	vlt.s32 v14, $0xFFF;
	vm3 =	vlt.s32 v15, $0xFFF;
	vm4 =	vlt.s32 v16, $0xFFF;
	v20 =	vld.idx.msk [tilespmem:v22+s3+$0x0], $0xffff  }
0x6b: {  	vm5 =	vlt.s32 v12, $0xFFF;
	v18 =	vnsel vm0, $0xFFF, v18;
	vm0 =	vlt.s32 v19, $0xFFF;
	v21 =	vld.idx.msk [tilespmem:v21+s3+$0x0], $0xffff  }
0x6c: {  	v17 =	vnsel vm1, $0xFFF, v17;
	v14 =	vnsel vm2, $0xFFF, v14;
	v15 =	vnsel vm3, $0xFFF, v15;
	v22 =	vld.idx.msk [tilespmem:v25+s3+$0x0], $0xffff  }
0x6d: {  	v16 =	vnsel vm4, $0xFFF, v16;
	v12 =	vnsel vm5, $0xFFF, v12;
	v19 =	vnsel vm0, $0xFFF, v19;
	v23 =	vld.idx.msk [tilespmem:v23+s3+$0x0], $0xffff  }
0x6e: {  	v18 =	vadd.s32 v4, v18;
	v17 =	vadd.s32 v4, v17;
	v14 =	vadd.s32 v4, v14;
	v24 =	vld.idx.msk [tilespmem:v24+s3+$0x0], $0xffff  }
0x6f: {  	v15 =	vadd.s32 v4, v15;
	v16 =	vadd.s32 v4, v16;
	v13 =	vsub.f32 v13, v9;
	v25 =	vld.idx.msk [tilespmem:v26+s3+$0x0], $0xffff  }
0x70: {  	v28 =	vadd.s32 v4, v12;
	v20 =	vsub.f32 v20, v9;
	v26 =	vld.idx.msk [tilespmem:v27+s3+$0x0], $0xffff;
	v27 =	vadd.s32 v4, v19  }
0x71: {  	v12 =	vsub.f32 v21, v9;
	v13 =	vmul.f32 v13, v11  }
0x72: {  	v19 =	vsub.f32 v22, v9;
	v20 =	vmul.f32 v20, v11  }
0x73: {  	v21 =	vmul.f32 v12, v11;
	v22 =	vsub.f32 v23, v9;
	v12 =	vtrunc.f32 v13;
	[tilespmem:v18+s28+$0x0] =	vst.idx.add.s32.msk $0xffff, v5  }
0x74: {  	v13 =	vmul.f32 v19, v11;
	v19 =	vsub.f32 v24, v9;
	v18 =	vtrunc.f32 v20;
	[tilespmem:v17+s28+$0x0] =	vst.idx.add.s32.msk $0xffff, v5  }
.Ltmp1:
0x75: {  	v20 =	vmul.f32 v22, v11;
	v22 =	vsub.f32 v25, v9;
	v23 =	vcvt.f32.s32 v18;
	[tilespmem:v14+s28+$0x0] =	vst.idx.add.s32.msk $0xffff, v5;
	(pc) =	sbr.rel @p0 .LBB2_5-.Ltmp1, $4  }
0x76: {  	v18 =	vtrunc.f32 v13;
	v13 =	vmul.f32 v19, v11;
	v19 =	vsub.f32 v26, v9;
	[tilespmem:v15+s28+$0x0] =	vst.idx.add.s32.msk $0xffff, v5  }
0x77: {  	v17 =	vtrunc.f32 v21;
	v21 =	vmul.f32 v22, v11;
	vm0 =	vlt.s32 v23, $0xFFF;
	[tilespmem:v16+s28+$0x0] =	vst.idx.add.s32.msk $0xffff, v5  }
0x78: {  	v14 =	vtrunc.f32 v20;
	v19 =	vmul.f32 v19, v11;
	v20 =	vnsel vm0, $0xFFF, v23;
	[tilespmem:v27+s28+$0x0] =	vst.idx.add.s32.msk $0xffff, v5  }
0x79: {  	s4 =	sadd.s32 $0x10, s4;
	v15 =	vtrunc.f32 v13;
	v16 =	vtrunc.f32 v21;
	v13 =	vadd.s32 v4, v20;
	[tilespmem:v28+s28+$0x0] =	vst.idx.add.s32.msk $0xffff, v5  }
0x7a: {  	v18 =	vcvt.f32.s32 v18  }
0x7b: {  	v17 =	vcvt.f32.s32 v17;
	v19 =	vtrunc.f32 v19  }
0x7c: {  	v14 =	vcvt.f32.s32 v14;
	v15 =	vcvt.f32.s32 v15  }
0x7d: {  	v16 =	vcvt.f32.s32 v16;
	v12 =	vcvt.f32.s32 v12;
	vm0 =	vlt.s32 v18, $0xFFF  }
0x7e: {  	v19 =	vcvt.f32.s32 v19;
	vm1 =	vlt.s32 v17, $0xFFF;
	v18 =	vnsel vm0, $0xFFF, v18  }
0x7f: {  	vm11 =	vlt.s32 v14, $0xFFF;
	v17 =	vnsel vm1, $0xFFF, v17;
	v18 =	vadd.s32 v4, v18  }
0x80: {  	vm12 =	vlt.s32 v15, $0xFFF;
	v14 =	vnsel vm11, $0xFFF, v14;
	v17 =	vadd.s32 v4, v17  }
0x81: {  	vm13 =	vlt.s32 v16, $0xFFF;
	v15 =	vnsel vm12, $0xFFF, v15;
	v14 =	vadd.s32 v4, v14  }
0x82: {  	vm15 =	vlt.s32 v12, $0xFFF;
	v16 =	vnsel vm13, $0xFFF, v16;
	v15 =	vadd.s32 v4, v15  }
0x83: {  	[tilespmem:v13+s28+$0x0] =	vst.idx.add.s32.msk $0xffff, v5;
	vm14 =	vlt.s32 v19, $0xFFF;
	v12 =	vnsel vm15, $0xFFF, v12;
	v16 =	vadd.s32 v4, v16  }
0x84: {  	s0 =	sadd.s32 $0x1, s0;
	v63 =	vnsel vm14, $0xFFF, v19;
	v12 =	vadd.s32 v4, v12;
	[tilespmem:v18+s28+$0x0] =	vst.idx.add.s32.msk $0xffff, v5  }
0x85: {  	p0 =	sne.s32 s0, $0x10;
	v13 =	vadd.s32 v4, v63;
	[tilespmem:v17+s28+$0x0] =	vst.idx.add.s32.msk $0xffff, v5  }
.Ltmp2:
0x86: {  	[tilespmem:v14+s28+$0x0] =	vst.idx.add.s32.msk $0xffff, v5;
	(pc) =	sbr.rel @p0 .LBB2_4-.Ltmp2, $4  }
0x87: {  	[tilespmem:v15+s28+$0x0] =	vst.idx.add.s32.msk $0xffff, v5  }
0x88: {  	[tilespmem:v16+s28+$0x0] =	vst.idx.add.s32.msk $0xffff, v5  }
0x89: {  	[tilespmem:v12+s28+$0x0] =	vst.idx.add.s32.msk $0xffff, v5  }
0x8a: {  	[tilespmem:v13+s28+$0x0] =	vst.idx.add.s32.msk $0xffff, v5  }
0x8b: {  	s0 =	simm.s32 $0x0  }
0x8c: {  	s1 =	sand.u32 $0x7FF0, s0  }
0x8d: {  	s0 =	simm.s32 $0x8000;
	v12 =	vld [tilespmem:s1+$0x10000];
	s1 =	simm.s32 $0x10  }
.LBB2_8:
0x8e: {  	p0 =	sne.s32 s1, $0x7FF0;
	v13 =	vld [tilespmem:s0+$0x0];
	_ =	sdelay $0x2  }
.Ltmp3:
0x8f: {  	(pc) =	sbr.rel @p0 .LBB2_8-.Ltmp3, $4  }
0x90: {  	_ = 	snop  }
0x91: {  	v12 =	vadd.s32 v13, v12  }
0x92: {  	s2 =	sand.u32 $0x7FF0, s1;
	[tilespmem:s0+$0x0] =	vst v12  }
0x93: {  	s1 =	sadd.s32 $0x10, s1;
	s0 =	sadd.s32 $0x10, s0;
	v12 =	vld [tilespmem:s2+$0x10000]  }
0x94: {  	v13 =	vld [tilespmem:s0+$0x0];
	_ =	sdelay $0x4  }
0x95: {  	v12 =	vadd.s32 v13, v12  }
0x96: {  	s5 =	simm.s32 $0x8020;
	[tilespmem:s0+$0x0] =	vst v12  }
0x97: {  	v12 =	vld [tilespmem:s5+$0xFFFFFFE0]  }
0x98: {  	v13 =	vld [tilespmem:s5+$0xFFFFFFF0]  }
0x99: {  	v14 =	vld [tilespmem:s5+$0x0]  }
0x9a: {  	v15 =	vld [tilespmem:s5+$0x10];
	_ =	sdelay $0x1  }
0x9b: {  	s14 =	simm.s32 $0x8060;
	(xrf0) =	vadd.scan.msk.s32 $0xffff, v12  }
0x9c: {  	s2 =	simm.s32 $0x8001;
	s4 =	simm.s32 $0x8002;
	s15 =	simm.s32 $0x8003;
	v16 =	vld [tilespmem:s14+$0xFFFFFFE0];
	(xrf0) =	vadd.scan.msk.s32 $0xffff, v13  }
0x9d: {  	s17 =	simm.s32 $0x8005;
	v17 =	vmov s4;
	v26 =	vmov s15;
	v18 =	vld [tilespmem:s14+$0xFFFFFFF0];
	v13 =	vmov s2;
	(xrf0) =	vadd.scan.msk.s32 $0xffff, v14  }
0x9e: {  	s22 =	simm.s32 $0x8009;
	s23 =	simm.s32 $0x800A;
	v20 =	vmov s17;
	v13 =	vand.u32 $0xFFFFFFFD, v13;
	v14 =	vand.u32 $0xFFFFFFFE, v17;
	v17 =	vld [tilespmem:s14+$0x0];
	(xrf0) =	vadd.scan.msk.s32 $0xffff, v15  }
0x9f: {  	s1 =	simm.s32 $0x8000;
	v21 =	vmov s22;
	v28 =	vmov s23;
	v15 =	vld [tilespmem:s14+$0x10];
	v19 =	vbroadcast v13, $0x0  }
0xa0: {  	s16 =	simm.s32 $0x8004;
	s18 =	simm.s32 $0x8006;
	s20 =	simm.s32 $0x80A0;
	v20 =	vand.u32 $0xFFFFFFFD, v20;
	v12 =	vmov s1;
	v22 =	vbroadcast v14, $0x0  }
0xa1: {  	v27 =	vld [tilespmem:s20+$0xFFFFFFE0];
	v12 =	vand.u32 $0xFFFFFFFC, v12;
	v13 =	vmov s16;
	v14 =	vmov s18;
	(xrf0) =	vadd.scan.msk.s32 $0xffff, v16;
	v23, _, _ =	vpop (xrf0)  }
0xa2: {  	s19 =	simm.s32 $0x8007;
	v12 =	vbroadcast v12, $0x0;
	v13 =	vand.u32 $0xFFFFFFFC, v13;
	v24 =	vand.u32 $0xFFFFFFFE, v14;
	(xrf0) =	vadd.scan.msk.s32 $0xffff, v18;
	v16, _, _ =	vpop (xrf0)  }
0xa3: {  	s21 =	simm.s32 $0x8008;
	v14 =	vbroadcast v13, $0x0;
	v13 =	vmov s19;
	(xrf0) =	vadd.scan.msk.s32 $0xffff, v17;
	v25 =	vbroadcast v16, $0xF;
	v17, _, _ =	vpop (xrf0)  }
0xa4: {  	v18 =	vmov s21;
	v16 =	vand.u32 $0xFFFFFFFD, v21;
	(xrf0) =	vadd.scan.msk.s32 $0xffff, v15;
	v21 =	vld [tilespmem:s20+$0xFFFFFFF0];
	v15 =	vbroadcast v17, $0xF;
	v29, _, _ =	vpop (xrf0)  }
0xa5: {  	s31 =	simm.s32 $0x800B;
	v30 =	vand.u32 $0xFFFFFFFC, v18;
	v18 =	vbroadcast v24, $0x0;
	[tilespmem:v19+s28+$0x0] =	vst.idx.msk $0x1, v25;
	v29 =	vbroadcast v29, $0xF  }
0xa6: {  	v24 =	vmov s31;
	v17 =	vbroadcast v20, $0x0;
	v20 =	vld [tilespmem:s20+$0x0];
	(xrf0) =	vadd.scan.msk.s32 $0xffff, v27;
	[tilespmem:v22+s28+$0x0] =	vst.idx.msk $0x1, v15  }
0xa7: {  	s0 =	simm.s32 $0x8;
	s2 =	simm.s32 $0x80E0;
	v19 =	vand.u32 $0xFFFFFFFE, v28;
	v25 =	vbroadcast v23, $0xF;
	v23 =	vld [tilespmem:s20+$0x10];
	v15 =	vbroadcast v30, $0x0;
	v22, _, _ =	vpop (xrf0);
	[tilespmem:v26+s28+$0x0] =	vst.idx.msk $0x1, v29  }
.LBB2_10:
0xa8: {  	s1 =	sadd.s32 $0x8004, s0  }
0xa9: {  	s4 =	sadd.s32 $0x8005, s0;
	(xrf0) =	vadd.scan.msk.s32 $0xffff, v21;
	s5 =	smov.u32 s0;
	s0 =	sadd.s32 $0x4, s0  }
0xaa: {  	v26 =	vld [tilespmem:s2+$0xFFFFFFE0];
	v27, _, _ =	vpop (xrf0);
	[tilespmem:v12+s28+$0x0] =	vst.idx.msk $0x1, v25;
	v12 =	vmov v14;
	v28 =	vmov v13;
	v13 =	vmov v24;
	p0 =	slt.u32 s0, $0x7FC  }
.Ltmp4:
0xab: {  	v32 =	vmov s1;
	v21 =	vld [tilespmem:s2+$0xFFFFFFF0];
	v24 =	vmov s4;
	s1 =	sadd.s32 $0x8006, s5;
	(xrf0) =	vadd.scan.msk.s32 $0xffff, v20;
	v25 =	vbroadcast v27, $0xF;
	v27, _, _ =	vpop (xrf0);
	(pc) =	sbr.rel @p0 .LBB2_10-.Ltmp4, $4  }
0xac: {  	v24 =	vand.u32 $0xFFFFFFFD, v24;
	v20 =	vld [tilespmem:s2+$0x0];
	v29 =	vmov s1;
	(xrf0) =	vadd.scan.msk.s32 $0xffff, v23;
	v27 =	vbroadcast v27, $0xF;
	v30, _, _ =	vpop (xrf0)  }
0xad: {  	v14 =	vmovc v15;
	v31 =	vand.u32 $0xFFFFFFFC, v32;
	v23 =	vld [tilespmem:s2+$0x10];
	[tilespmem:v17+s28+$0x0] =	vst.idx.msk $0x1, v25;
	v17 =	vbroadcast v16, $0x0;
	v30 =	vbroadcast v30, $0xF;
	v16 =	vmovc v24  }
0xae: {  	s1 =	sadd.s32 $0x8007, s5;
	v25 =	vbroadcast v22, $0xF;
	[tilespmem:v18+s28+$0x0] =	vst.idx.msk $0x1, v27;
	v18 =	vbroadcast v19, $0x0;
	v19 =	vand.u32 $0xFFFFFFFE, v29  }
0xaf: {  	v15 =	vbroadcast v31, $0x0;
	v24 =	vmov s1;
	s2 =	sadd.s32 $0x40, s2;
	(xrf0) =	vadd.scan.msk.s32 $0xffff, v26;
	v22, _, _ =	vpop (xrf0);
	[tilespmem:v28+s28+$0x0] =	vst.idx.msk $0x1, v30  }
0xb0: {  	_ = 	snop  }
0xb1: {  	(xrf0) =	vadd.scan.msk.s32 $0xffff, v21  }
0xb2: {  	(xrf0) =	vadd.scan.msk.s32 $0xffff, v20  }
0xb3: {  	v52, _, _ =	vpop (xrf0);
	v58 =	vbroadcast v22, $0xF;
	(xrf0) =	vadd.scan.msk.s32 $0xffff, v23  }
0xb4: {  	v16 =	vbroadcast v16, $0x0;
	[tilespmem:v12+s28+$0x0] =	vst.idx.msk $0x1, v25;
	v53, _, _ =	vpop (xrf0);
	v20 =	vbroadcast v52, $0xF  }
0xb5: {  	v19 =	vbroadcast v19, $0x0;
	v54 =	vbroadcast v53, $0xF;
	v55, _, _ =	vpop (xrf0);
	[tilespmem:v14+s28+$0x0] =	vst.idx.msk $0x1, v58  }
0xb6: {  	[tilespmem:v17+s28+$0x0] =	vst.idx.msk $0x1, v20;
	v56 =	vbroadcast v55, $0xF;
	v57, _, _ =	vpop (xrf0)  }
0xb7: {  	[tilespmem:v18+s28+$0x0] =	vst.idx.msk $0x1, v54;
	v59, _, _ =	vpop (xrf0);
	v63 =	vbroadcast v57, $0xF  }
.Ltmp5:
0xb8: {  	[tilespmem:v13+s28+$0x0] =	vst.idx.msk $0x1, v56;
	v12 =	vbroadcast v59, $0xF;
	v60, _, _ =	vpop (xrf0);
	(pc) =	sbr.rel .LBB2_12-.Ltmp5, $4  }
0xb9: {  	v13 =	vbroadcast v60, $0xF;
	v61, _, _ =	vpop (xrf0);
	[tilespmem:v15+s28+$0x0] =	vst.idx.msk $0x1, v63  }
0xba: {  	[tilespmem:v16+s28+$0x0] =	vst.idx.msk $0x1, v12;
	v62 =	vbroadcast v61, $0xF  }
0xbb: {  	[tilespmem:v19+s28+$0x0] =	vst.idx.msk $0x1, v13  }
0xbc: {  	s0 =	simm.s32 $0x8001;
	s2 =	simm.s32 $0x0;
	s4 =	simm.s32 $0x10001;
	[tilespmem:v24+s28+$0x0] =	vst.idx.msk $0x1, v62  }
.LBB2_20:
0xbd: {  	s2 =	sadd.s32 $0x1, s2  }
0xbe: {  	p0 =	sne.s32 s2, $0x8  }
.Ltmp6:
0xbf: {  	_ = 	snop;
	(pc) =	sbr.rel @!p0 .LBB2_21-.Ltmp6, $2  }
0xc0: {  	_ =	sdelay $0x2  }
0xc1: {  	s4 =	sadd.s32 $0x100, s4;
	s0 =	sadd.s32 $0x1000, s0;
	s1 =	simm.s32 $0x0  }
.LBB2_12:
0xc2: {  	s1 =	sshll.u32 s2, $0x8  }
0xc3: {  	s1 =	sand.u32 $0x3FFFFF00, s1  }
0xc4: {  	v12 =	vld [tilespmem:s1+$0x10000];
	_ =	sdelay $0x4  }
0xc5: {  	(v2sf) =	vpush v12, $0x0;
	_ =	sdelay $0xa  }
.Ltmp7:
0xc6: {  	_ = 	snop;
	(pc) =	sbr.rel .LBB2_13-.Ltmp7, $4  }
0xc7: {  	_ = 	snop  }
0xc8: {  	s5 =	smul.u32 $0x64, s2  }
0xc9: {  	s14 =	sshll.u32 s2, $0xC;
	s22 =	simm.s32 $0x0;
	s16 =	simm.s32 $0x0  }
0xca: {  	s17 =	simm.s32 $0x0;
	s15 =	sadd.s32 $0x320, s5;
	s18 =	spop (v2sf)  }
.LBB2_19:
0xcb: {  	s21 =	sadd.s32 s5, s17  }
0xcc: {  	s23 =	sadd.s32 s17, s15;
	s17 =	sadd.s32 $0x1, s17;
	v12 =	vmov s21  }
0xcd: {  	v13 =	vmov s23;
	p0 =	sne.s32 s17, $0x64  }
.Ltmp8:
0xce: {  	_ = 	snop;
	(pc) =	sbr.rel @!p0 .LBB2_20-.Ltmp8, $4  }
0xcf: {  	s19 =	sadd.s32 s19, s20  }
0xd0: {  	s1 =	ssub.s32 s1, s31;
	v14 =	vmov s19  }
0xd1: {  	v63 =	vmov s1;
	[tilespmem:v12+s29+$0x0] =	vst.idx.msk $0x1, v14  }
0xd2: {  	[tilespmem:v13+s29+$0x0] =	vst.idx.msk $0x1, v63  }
.LBB2_13:
0xd3: {  	s1 =	smul.u32 $0xFFFF, s17;
	_ =	sdelay $0x1  }
0xd4: {  	s1 =	smulhi.u32 $0xA57EB503, s1;
	_ =	sdelay $0x1  }
0xd5: {  	s19 =	sadd.s32 s22, s18;
	s1 =	sshrl.u32 s1, $0x6  }
0xd6: {  	p0 =	sgt.s32 s19, s1  }
.Ltmp9:
0xd7: {  	_ = 	snop;
	(pc) =	sbr.rel @p0 .LBB2_16-.Ltmp9, $1  }
0xd8: {  	_ =	sdelay $0x3  }
0xd9: {  	s18 =	sshll.u32 s16, $0x2  }
0xda: {  	s18 =	sshra.s32 s18, $0x2  }
0xdb: {  	s20 =	sadd.s32 s18, s4  }
.LBB2_15:
0xdc: {  	v12 =	vld [tilespmem:s20+$0x0];
	_ =	sdelay $0x4  }
0xdd: {  	(v2sf) =	vpush v12, $0x0;
	_ =	sdelay $0xe  }
0xde: {  	s18 =	spop (v2sf)  }
0xdf: {  	s22 =	smov.u32 s19;
	s19 =	sadd.s32 s19, s18  }
0xe0: {  	p0 =	sle.s32 s19, s1  }
.Ltmp10:
0xe1: {  	_ = 	snop;
	(pc) =	sbr.rel @p0 .LBB2_15-.Ltmp10, $2  }
0xe2: {  	_ =	sdelay $0x2  }
0xe3: {  	s16 =	sadd.s32 $0x1, s16;
	s20 =	sadd.s32 $0x1, s20  }
.LBB2_16:
0xe4: {  	s19 =	sshll.u32 s16, $0x4  }
0xe5: {  	s20 =	sadd.s32 s14, s19  }
0xe6: {  	s21 =	sand.u32 $0x70, s19;
	s20 =	sand.u32 $0xFFFFFF80, s20  }
0xe7: {  	s20 =	sor.u32 s21, s20  }
0xe8: {  	v12 =	vld [tilespmem:s20+$0x8000];
	_ =	sdelay $0x4  }
0xe9: {  	(v2sf) =	vpush v12, $0x0;
	_ =	sdelay $0xe  }
0xea: {  	s23 =	spop (v2sf)  }
0xeb: {  	s21 =	sadd.s32 s22, s23  }
0xec: {  	p0 =	sgt.s32 s21, s1  }
.Ltmp11:
0xed: {  	_ = 	snop;
	(pc) =	sbr.rel @p0 .LBB2_19-.Ltmp11, $2  }
0xee: {  	_ =	sdelay $0x2  }
0xef: {  	s31 =	smov.u32 s22;
	s20 =	simm.s32 $0x0  }
0xf0: {  	s20 =	sshll.u32 s16, $0x6  }
0xf1: {  	s20 =	sshra.s32 s20, $0x2  }
0xf2: {  	s23 =	sadd.s32 s20, s0;
	s20 =	simm.s32 $0x0  }
.LBB2_18:
0xf3: {  	v12 =	vld [tilespmem:s23+$0x0];
	_ =	sdelay $0x4  }
0xf4: {  	(v2sf) =	vpush v12, $0x0;
	_ =	sdelay $0xe  }
0xf5: {  	s31 =	smov.u32 s21;
	s21 =	spop (v2sf)  }
0xf6: {  	s21 =	sadd.s32 s31, s21  }
0xf7: {  	p0 =	sle.s32 s21, s1  }
.Ltmp12:
0xf8: {  	_ = 	snop;
	(pc) =	sbr.rel @p0 .LBB2_18-.Ltmp12, $2  }
0xf9: {  	_ =	sdelay $0x2  }
0xfa: {  	s20 =	sadd.s32 $0x1, s20;
	s23 =	sadd.s32 $0x1, s23  }
.Ltmp13:
0xfb: {  	_ = 	snop;
	(pc) =	sbr.rel .LBB2_19-.Ltmp13, $1  }
0xfc: {  	_ =	sdelay $0x3  }
.LBB2_21:
0xfd: {  	s0 =	simm.s32 $0x40;
	s2 =	simm.s32 $0x0  }
.LBB2_22:
0xfe: {  	p0 =	sne.s32 s0, $0x1FFC0;
	[tilespmem:s2+$0x8000] =	vst v6;
	s2 =	smov.u32 s0;
	s0 =	sadd.s32 $0x40, s0  }
.Ltmp14:
0xff: {  	(pc) =	sbr.rel @p0 .LBB2_22-.Ltmp14, $2  }
0x100: {  	_ =	sdelay $0x2  }
0x101: {  	s2 =	sshra.s32 s2, $0x2  }
0x102: {  	s20 =	rddreg [dreg:$0x0];
	s21 =	simm.s32 $0x1000;
	s22 =	simm.s32 $0x2000  }
0x103: {  	[tilespmem:s2+$0x8000] =	vst v6;
	s16 =	simm.s32 $0x3000;
	s17 =	simm.s32 $0x4000;
	s19 =	simm.s32 $0x5000  }
.LBB2_24:
0x104: {  	p0 =	sne.s32 s1, $0xC7F0  }
.Ltmp15:
0x105: {  	_ = 	snop;
	(pc) =	sbr.rel @p0 .LBB2_24-.Ltmp15, $3  }
0x106: {  	_ =	sdelay $0x1  }
0x107: {  	s0 =	sand.u32 $0xFFF0, s1  }
0x108: {  	s1 =	sadd.s32 $0x10, s1;
	[tilespmem:s0+$0x10000] =	vst v2  }
0x109: {  	s0 =	simm.s32 $0x1C880;
	s2 =	simm.s32 $0x0;
	s4 =	simm.s32 $0x0  }
.LBB2_26:
0x10a: {  	v12 =	vmov s0;
	_ =	sdelay $0x3  }
0x10b: {  	s1 =	simm.s32 $0x0  }
0x10c: {  	v13 =	vld.idx.msk [tilespmem:v12+s1+$0x0 ss:$0x1], $0xffff;
	_ =	sdelay $0x4  }
0x10d: {  	(v2sf) =	vpush v13, $0x0;
	_ =	sdelay $0x9  }
0x10e: {  	s5 =	sshll.u32 s4, $0xC  }
0x10f: {  	v13 =	vmov s5;
	_ =	sdelay $0x3  }
0x110: {  	s31 =	spop (v2sf)  }
0x111: {  	v14 =	vld.idx.msk [tilespmem:v13+s31+$0x8000 ss:$0x1], $0xffff;
	_ =	sdelay $0x4  }
0x112: {  	(v2sf) =	vpush v14, $0x0;
	_ =	sdelay $0xc  }
0x113: {  	s1 =	sadd.s32 s5, s31  }
0x114: {  	v14 =	vmov s1  }
0x115: {  	s1 =	spop (v2sf)  }
0x116: {  	p0 =	slt.s32 s1, $0x0  }
0x117: {  	s1 =	smov.u32 @p0 s2  }
0x118: {  	v15 =	vmov s1  }
0x119: {  	s15 =	simm.s32 $0x8;
	s14 =	smov.u32 s2;
	s1 =	simm.s32 $0x1;
	[tilespmem:v14+s28+$0x0] =	vst.idx.msk $0x1, v15  }
.LBB2_27:
0x11a: {  	p0 =	sne.s32 s15, $0x18C;
	v14 =	vld.idx.msk [tilespmem:v12+s1+$0x0 ss:$0x1], $0xffff;
	_ =	sdelay $0x5  }
0x11b: {  	(v2sf) =	vpush v14, $0x0;
	_ =	sdelay $0xe  }
0x11c: {  	s1 =	spop (v2sf)  }
0x11d: {  	v14 =	vld.idx.msk [tilespmem:v13+s1+$0x8000 ss:$0x1], $0xffff;
	_ =	sdelay $0x5  }
0x11e: {  	(v2sf) =	vpush v14, $0x0;
	_ =	sdelay $0xc  }
0x11f: {  	s1 =	sadd.s32 s5, s1  }
0x120: {  	v14 =	vmov s1  }
.Ltmp16:
0x121: {  	s1 =	spop (v2sf);
	(pc) =	sbr.rel @p0 .LBB2_27-.Ltmp16, $4  }
0x122: {  	s14 =	sadd.s32 $0x1, s14;
	p1 =	slt.s32 s1, $0x0  }
0x123: {  	s1 =	smov.u32 @p1 s14  }
0x124: {  	v15 =	vmov s1  }
0x125: {  	s1 =	sshra.s32 s15, $0x2;
	s15 =	sadd.s32 $0x4, s15;
	[tilespmem:v14+s28+$0x0] =	vst.idx.msk $0x1, v15  }
0x126: {  	_ =	sdelay $0x3  }
0x127: {  	v12 =	vld.idx.msk [tilespmem:v12+s1+$0x0 ss:$0x1], $0xffff;
	_ =	sdelay $0x4  }
0x128: {  	(v2sf) =	vpush v12, $0x0;
	_ =	sdelay $0xe  }
0x129: {  	s31 =	spop (v2sf)  }
0x12a: {  	v61 =	vld.idx.msk [tilespmem:v13+s31+$0x8000 ss:$0x1], $0xffff;
	_ =	sdelay $0x4  }
0x12b: {  	(v2sf) =	vpush v61, $0x0;
	_ =	sdelay $0xd  }
0x12c: {  	s1 =	sadd.s32 s5, s31  }
0x12d: {  	v62 =	vmov s1;
	s1 =	spop (v2sf)  }
0x12e: {  	s4 =	sadd.s32 $0x1, s4;
	s5 =	sadd.s32 $0x1, s14;
	p0 =	slt.s32 s1, $0x0  }
0x12f: {  	s1 =	smov.u32 @p0 s5;
	p0 =	sne.s32 s4, $0x8  }
.Ltmp17:
0x130: {  	_ = 	snop;
	(pc) =	sbr.rel @p0 .LBB2_26-.Ltmp17, $3  }
0x131: {  	_ =	sdelay $0x1  }
0x132: {  	v63 =	vmov s1  }
0x133: {  	s0 =	sadd.s32 $0x64, s0;
	s2 =	sadd.s32 $0x64, s2;
	[tilespmem:v62+s28+$0x0] =	vst.idx.msk $0x1, v63  }
0x134: {  	v12 =	vmul.f32 $3.200000000e+01, v11;
	s2 =	simm.s32 $0x0  }
.LBB2_30:
0x135: {  	s0 =	sshll.u32 s2, $0x9  }
0x136: {  	s0 =	sadd.s32 s6, s0  }
0x137: {  	s1 =	sadd.s32 s20, s0  }
0x138: {  	[tilespmem:s3], [sflag:$0x1] =	stream.linear.gather [hbm4b:s1+s3], $0x1000, $0x38;
	[tilespmem:$0x1D300] =	vst v63  }
0x139: {  	s5 =	sadd.s32 s0, s7  }
0x13a: {  	[tilespmem:s21], [sflag:$0x1] =	stream.linear.gather [hbm4b:s5+s3], $0x1000, $0x38;
	[tilespmem:$0x1D300] =	vst v63  }
0x13b: {  	s14 =	sadd.s32 s0, s8  }
0x13c: {  	[tilespmem:s22], [sflag:$0x1] =	stream.linear.gather [hbm4b:s14+s3], $0x1000, $0x38;
	[tilespmem:$0x1D300] =	vst v63  }
0x13d: {  	s15 =	sadd.s32 s0, s9  }
0x13e: {  	[tilespmem:s16], [sflag:$0x1] =	stream.linear.gather [hbm4b:s15+s3], $0x1000, $0x38;
	[tilespmem:$0x1D300] =	vst v63  }
0x13f: {  	s18 =	sadd.s32 s0, s10  }
0x140: {  	[tilespmem:s17], [sflag:$0x1] =	stream.linear.gather [hbm4b:s18+s3], $0x1000, $0x38;
	[tilespmem:$0x1D300] =	vst v63  }
0x141: {  	s23 =	sadd.s32 s0, s11  }
0x142: {  	[tilespmem:s19], [sflag:$0x1] =	stream.linear.gather [hbm4b:s23+s3], $0x1000, $0x38;
	[tilespmem:$0x1D300] =	vst v63  }
0x143: {  	s31 =	sadd.s32 s0, s12  }
0x144: {  	[tilespmem:s24], [sflag:$0x1] =	stream.linear.gather [hbm4b:s31+s3], $0x1000, $0x38;
	[tilespmem:$0x1D300] =	vst v63  }
0x145: {  	s0 =	sadd.s32 s0, s13  }
0x146: {  	[tilespmem:s25], [sflag:$0x1] =	stream.linear.gather [hbm4b:s0+s3], $0x1000, $0x38;
	[tilespmem:$0x1D300] =	vst v63  }
0x147: {  	_ =	swait.ge [sflag:s26], $0x1000  }
0x148: {  	[sflag:s26] =	ssyncset.done $0x0  }
0x149: {  	[sflag:s26] =	ssyncadd.s32 $0xFFFFF000  }
0x14a: {  	_ =	swait.ge [sflag:s26], $0x1000  }
0x14b: {  	[sflag:s26] =	ssyncset.done $0x0  }
0x14c: {  	[sflag:s26] =	ssyncadd.s32 $0xFFFFF000  }
0x14d: {  	_ =	swait.ge [sflag:s26], $0x1000  }
0x14e: {  	[sflag:s26] =	ssyncset.done $0x0  }
0x14f: {  	[sflag:s26] =	ssyncadd.s32 $0xFFFFF000  }
0x150: {  	_ =	swait.ge [sflag:s26], $0x1000  }
0x151: {  	[sflag:s26] =	ssyncset.done $0x0  }
0x152: {  	[sflag:s26] =	ssyncadd.s32 $0xFFFFF000  }
0x153: {  	_ =	swait.ge [sflag:s26], $0x1000  }
0x154: {  	[sflag:s26] =	ssyncset.done $0x0  }
0x155: {  	[sflag:s26] =	ssyncadd.s32 $0xFFFFF000  }
0x156: {  	_ =	swait.ge [sflag:s26], $0x1000  }
0x157: {  	[sflag:s26] =	ssyncset.done $0x0  }
0x158: {  	[sflag:s26] =	ssyncadd.s32 $0xFFFFF000  }
0x159: {  	s1 =	simm.s32 $0xE;
	_ =	swait.ge [sflag:s26], $0x1000  }
0x15a: {  	s4 =	simm.s32 $0xC;
	v13 =	vor.u32 s1, v3;
	[sflag:s26] =	ssyncset.done $0x0  }
0x15b: {  	v14 =	vor.u32 s4, v3;
	s5 =	simm.s32 $0x2;
	[sflag:s26] =	ssyncadd.s32 $0xFFFFF000  }
0x15c: {  	v15 =	vor.u32 s5, v3;
	s14 =	simm.s32 $0x0;
	_ =	swait.ge [sflag:s26], $0x1000  }
0x15d: {  	v16 =	vor.u32 s14, v3;
	s15 =	simm.s32 $0x4;
	[sflag:s26] =	ssyncset.done $0x0  }
0x15e: {  	v17 =	vor.u32 s15, v3;
	s18 =	simm.s32 $0x6;
	[sflag:s26] =	ssyncadd.s32 $0xFFFFF000  }
0x15f: {  	v18 =	vor.u32 s18, v3;
	s31 =	simm.s32 $0xA;
	v20 =	vld.idx.msk [tilespmem:v13+s3+$0x0], $0xffff  }
0x160: {  	v19 =	vor.u32 s31, v3;
	v14 =	vld.idx.msk [tilespmem:v14+s3+$0x0], $0xffff  }
0x161: {  	s23 =	simm.s32 $0x8;
	v15 =	vld.idx.msk [tilespmem:v15+s3+$0x0], $0xffff  }
0x162: {  	v13 =	vor.u32 s23, v3;
	v16 =	vld.idx.msk [tilespmem:v16+s3+$0x0], $0xffff  }
0x163: {  	v21 =	vld.idx.msk [tilespmem:v17+s3+$0x0], $0xffff  }
0x164: {  	v22 =	vld.idx.msk [tilespmem:v18+s3+$0x0], $0xffff  }
0x165: {  	v24 =	vld.idx.msk [tilespmem:v19+s3+$0x0], $0xffff  }
0x166: {  	v17 =	vsub.f32 v20, v9  }
0x167: {  	v23 =	vld.idx.msk [tilespmem:v13+s3+$0x0], $0xffff;
	v13 =	vsub.f32 v14, v9;
	v18 =	vsub.f32 v15, v9  }
0x168: {  	v19 =	vsub.f32 v16, v9;
	v25 =	vsub.f32 v21, v9  }
0x169: {  	v26 =	vsub.f32 v22, v9;
	v17 =	vmul.f32 v17, v11;
	v13 =	vmul.f32 v13, v11  }
0x16a: {  	v28 =	vsub.f32 v24, v9;
	v18 =	vmul.f32 v18, v11;
	v19 =	vmul.f32 v19, v11  }
0x16b: {  	v25 =	vmul.f32 v25, v11;
	v26 =	vmul.f32 v26, v11  }
0x16c: {  	v28 =	vmul.f32 v28, v11;
	v17 =	vtrunc.f32 v17  }
0x16d: {  	v13 =	vtrunc.f32 v13;
	v19 =	vtrunc.f32 v19  }
0x16e: {  	v18 =	vtrunc.f32 v18;
	v25 =	vtrunc.f32 v25  }
0x16f: {  	v26 =	vtrunc.f32 v26;
	v28 =	vtrunc.f32 v28  }
0x170: {  	v13 =	vcvt.f32.s32 v13;
	v19 =	vcvt.f32.s32 v19  }
0x171: {  	v27 =	vsub.f32 v23, v9;
	v18 =	vcvt.f32.s32 v18;
	v25 =	vcvt.f32.s32 v25  }
0x172: {  	v26 =	vcvt.f32.s32 v26;
	v28 =	vcvt.f32.s32 v28  }
0x173: {  	v17 =	vcvt.f32.s32 v17;
	v27 =	vmul.f32 v27, v11;
	vm0 =	vlt.s32 v13, $0xFFF  }
0x174: {  	vm1 =	vlt.s32 v18, $0xFFF;
	vm2 =	vlt.s32 v25, $0xFFF;
	vm3 =	vlt.s32 v26, $0xFFF  }
0x175: {  	vm5 =	vlt.s32 v28, $0xFFF;
	v13 =	vnsel vm0, $0xFFF, v13;
	vm0 =	vlt.s32 v19, $0xFFF  }
0x176: {  	v18 =	vnsel vm1, $0xFFF, v18;
	v25 =	vnsel vm2, $0xFFF, v25;
	v26 =	vnsel vm3, $0xFFF, v26  }
0x177: {  	v28 =	vnsel vm5, $0xFFF, v28;
	v29 =	vcvt.s32.f32 v13;
	v27 =	vtrunc.f32 v27  }
0x178: {  	v13 =	vadd.s32 v7, v13;
	v19 =	vnsel vm0, $0xFFF, v19;
	v30 =	vcvt.s32.f32 v18  }
0x179: {  	vm0 =	vlt.s32 v17, $0xFFF;
	v32 =	vcvt.s32.f32 v25;
	v33 =	vcvt.s32.f32 v26  }
0x17a: {  	v37 =	vadd.s32 v7, v18;
	v27 =	vcvt.f32.s32 v27;
	v17 =	vnsel vm0, $0xFFF, v17  }
0x17b: {  	v25 =	vadd.s32 v7, v25;
	v29 =	vmul.f32 v29, v10;
	v36 =	vcvt.s32.f32 v17  }
0x17c: {  	v26 =	vadd.s32 v7, v26;
	v30 =	vmul.f32 v30, v10;
	v18 =	vmul.f32 v32, v10  }
0x17d: {  	v52 =	vmul.f32 v33, v10;
	v38 =	vadd.s32 v7, v17;
	vm4 =	vlt.s32 v27, $0xFFF  }
0x17e: {  	v29 =	vadd.f32 v29, v9;
	v27 =	vnsel vm4, $0xFFF, v27;
	v30 =	vadd.f32 v30, v9  }
0x17f: {  	v54 =	vmul.f32 v36, v10;
	v55 =	vadd.f32 v18, v9;
	v32 =	vadd.f32 v52, v9  }
0x180: {  	v13 =	vld.idx.msk [tilespmem:v13+s28+$0x0], $0xffff;
	v34 =	vcvt.s32.f32 v27;
	v27 =	vadd.s32 v7, v27;
	v14 =	vsub.f32 v14, v29  }
0x181: {  	v17 =	vld.idx.msk [tilespmem:v25+s28+$0x0], $0xffff;
	v29 =	vcvt.s32.f32 v19;
	v25 =	vsub.f32 v15, v30;
	v21 =	vsub.f32 v21, v55  }
0x182: {  	v22 =	vsub.f32 v22, v32;
	v53 =	vmul.f32 v34, v10;
	v14 =	vmul.f32 v14, v12  }
0x183: {  	v34 =	vadd.f32 v54, v9;
	v29 =	vmul.f32 v29, v10;
	v25 =	vmul.f32 v25, v12  }
0x184: {  	v19 =	vadd.s32 v7, v19;
	v21 =	vmul.f32 v21, v12;
	v22 =	vmul.f32 v22, v12  }
0x185: {  	v33 =	vadd.f32 v53, v9;
	v20 =	vsub.f32 v20, v34;
	v14 =	vtrunc.f32 v14  }
0x186: {  	vm0 =	vgt.s32 v13, $0x0;
	v29 =	vadd.f32 v29, v9;
	v25 =	vtrunc.f32 v25  }
0x187: {  	vm3 =	vgt.s32 v17, $0x0;
	v21 =	vtrunc.f32 v21;
	v14 =	vcvt.f32.s32 v14  }
0x188: {  	v22 =	vtrunc.f32 v22;
	v31 =	vnsel vm0, $0x0, v13;
	v23 =	vsub.f32 v23, v33  }
0x189: {  	v20 =	vmul.f32 v20, v12;
	v30 =	vnsel vm3, $0x0, v17;
	vm0 =	vgt.s32 v14, $0x0  }
0x18a: {  	v60 =	vcvt.f32.s32 v25;
	v25 =	vcvt.f32.s32 v22;
	v14 =	vnsel vm0, $0x0, v14  }
0x18b: {  	v18 =	vld.idx.msk [tilespmem:v19+s28+$0x0], $0xffff;
	vm0 =	vgt.s32 v13, $0xFFFFFFFF;
	v13 =	vmin.u32 v14, $0x1F;
	v14 =	vcvt.s32.f32 v28  }
0x18c: {  	v19 =	vld.idx.msk [tilespmem:v37+s28+$0x0], $0xffff;
	v31 =	vshll.u32 v31, $0x5;
	v16 =	vsub.f32 v16, v29;
	v30 =	vshll.u32 v30, $0x5  }
0x18d: {  	v35 =	vadd.s32 v8, v31;
	v28 =	vadd.s32 v7, v28;
	v14 =	vmul.f32 v14, v10  }
0x18e: {  	v31 =	vand.u32 $0x60, v31;
	v23 =	vmul.f32 v23, v12;
	v35 =	vand.u32 $0xFFFFFF80, v35  }
0x18f: {  	v29 =	vtrunc.f32 v20;
	v56 =	vadd.f32 v14, v9;
	v14 =	vor.u32 v31, v35  }
0x190: {  	v62 =	vadd.s32 v8, v30;
	v22 =	vcvt.f32.s32 v29;
	v39 =	vor.u32 v13, v14;
	v13 =	vld.idx.msk [tilespmem:v26+s28+$0x0], $0xffff  }
0x191: {  	v33 =	vand.u32 $0xFFFFFF80, v62;
	v23 =	vtrunc.f32 v23;
	vm2 =	vgt.s32 v19, $0x0;
	v14 =	vld.idx.msk [tilespmem:v27+s28+$0x0], $0xffff  }
0x192: {  	vm1 =	vgt.s32 v18, $0x0;
	v23 =	vcvt.f32.s32 v23;
	v20 =	vnsel vm2, $0x0, v19;
	v15 =	vld.idx.msk [tilespmem:v28+s28+$0x0], $0xffff  }
0x193: {  	v41 =	vshll.u32 v20, $0x5;
	v26 =	vmul.f32 v16, v12;
	v16 =	vld.idx.msk [tilespmem:v38+s28+$0x0], $0xffff;
	v27 =	vnsel vm1, $0x0, v18  }
0x194: {  	vm3 =	vgt.s32 v23, $0x0;
	v24 =	vsub.f32 v24, v56;
	v40 =	vshll.u32 v27, $0x5  }
0x195: {  	v28 =	vcvt.f32.s32 v21;
	v26 =	vtrunc.f32 v26;
	v29 =	vadd.s32 v8, v40  }
0x196: {  	v24 =	vmul.f32 v24, v12;
	v59 =	vcvt.f32.s32 v26;
	v32 =	vand.u32 $0xFFFFFF80, v29  }
0x197: {  	vm4 =	vgt.s32 v13, $0x0;
	vm5 =	vgt.s32 v14, $0x0;
	vm6 =	vgt.s32 v15, $0x0  }
0x198: {  	v24 =	vtrunc.f32 v24;
	vm1 =	vgt.s32 v16, $0x0;
	vm2 =	vgt.s32 v59, $0x0  }
0x199: {  	[tilespmem:v39+s28+$0x0] =	vst.idx.add.s32.msk vm0, v5;
	v39 =	vand.u32 $0x60, v40;
	v40 =	vand.u32 $0x60, v41;
	v31 =	vnsel vm4, $0x0, v13  }
0x19a: {  	v57 =	vnsel vm5, $0x0, v14;
	v58 =	vnsel vm6, $0x0, v15;
	v61 =	vnsel vm1, $0x0, v16  }
0x19b: {  	v20 =	vcvt.f32.s32 v24;
	vm6 =	vgt.s32 v60, $0x0;
	vm5 =	vgt.s32 v28, $0x0  }
0x19c: {  	vm4 =	vgt.s32 v25, $0x0;
	v29 =	vnsel vm2, $0x0, v59;
	vm2 =	vgt.s32 v22, $0x0  }
0x19d: {  	v27 =	vshll.u32 v31, $0x5;
	v26 =	vshll.u32 v57, $0x5;
	v24 =	vshll.u32 v58, $0x5  }
0x19e: {  	v21 =	vshll.u32 v61, $0x5;
	v31 =	vadd.s32 v8, v41;
	v37 =	vnsel vm6, $0x0, v60  }
0x19f: {  	v63 =	vadd.s32 v8, v27;
	v42 =	vadd.s32 v8, v26;
	v43 =	vadd.s32 v8, v24  }
0x1a0: {  	vm1 =	vgt.s32 v20, $0x0;
	v38 =	vadd.s32 v8, v21;
	v36 =	vand.u32 $0xFFFFFF80, v31  }
0x1a1: {  	s18 =	simm.s32 $0x1E;
	s0 =	simm.s32 $0x0;
	v34 =	vand.u32 $0xFFFFFF80, v63;
	v35 =	vand.u32 $0xFFFFFF80, v42;
	v31 =	vand.u32 $0xFFFFFF80, v43  }
.LBB2_31:
0x1a2: {  	s1 =	sadd.s32 $0xFFFFFFF4, s18;
	s4 =	sadd.s32 $0xFFFFFFFE, s18;
	v41 =	vor.u32 s18, v3;
	s0 =	sadd.s32 $0x8, s0;
	v28 =	vnsel vm5, $0x0, v28;
	v30 =	vand.u32 $0x60, v30  }
0x1a3: {  	s5 =	sadd.s32 $0xFFFFFFF8, s18;
	v25 =	vnsel vm4, $0x0, v25;
	v42 =	vor.u32 s1, v3;
	s1 =	sadd.s32 $0xFFFFFFF6, s18;
	v43 =	vor.u32 s4, v3;
	p0 =	slt.u32 s0, $0x7F8  }
0x1a4: {  	v27 =	vand.u32 $0x60, v27;
	s4 =	sadd.s32 $0xFFFFFFF2, s18;
	v45 =	vor.u32 s5, v3;
	s5 =	sadd.s32 $0xFFFFFFFC, s18;
	v44 =	vor.u32 s1, v3;
	s1 =	sadd.s32 $0xFFFFFFFA, s18  }
0x1a5: {  	v46 =	vor.u32 s4, v3;
	v48 =	vor.u32 s5, v3;
	v47 =	vor.u32 s1, v3  }
0x1a6: {  	v23 =	vnsel vm3, $0x0, v23;
	v26 =	vand.u32 $0x60, v26;
	v49 =	vnsel vm1, $0x0, v20  }
0x1a7: {  	v24 =	vand.u32 $0x60, v24;
	v38 =	vand.u32 $0xFFFFFF80, v38;
	v20 =	vld.idx.msk [tilespmem:v41+s3+$0x0], $0xffff;
	v41 =	vnsel vm2, $0x0, v22  }
0x1a8: {  	v32 =	vor.u32 v39, v32;
	v36 =	vor.u32 v40, v36;
	v21 =	vand.u32 $0x60, v21;
	v43 =	vld.idx.msk [tilespmem:v43+s3+$0x0], $0xffff  }
0x1a9: {  	v33 =	vor.u32 v30, v33;
	v34 =	vor.u32 v27, v34;
	v35 =	vor.u32 v26, v35;
	v22 =	vld.idx.msk [tilespmem:v42+s3+$0x0], $0xffff  }
0x1aa: {  	v37 =	vmin.u32 v37, $0x1F;
	v30 =	vmin.u32 v29, $0x1F;
	v31 =	vor.u32 v24, v31;
	v26 =	vld.idx.msk [tilespmem:v46+s3+$0x0], $0xffff  }
0x1ab: {  	v24 =	vmin.u32 v28, $0x1F;
	v39 =	vmin.u32 v25, $0x1F;
	v23 =	vmin.u32 v23, $0x1F;
	v27 =	vld.idx.msk [tilespmem:v44+s3+$0x0], $0xffff  }
0x1ac: {  	v40 =	vmin.u32 v49, $0x1F;
	v38 =	vor.u32 v21, v38;
	v41 =	vmin.u32 v41, $0x1F;
	v28 =	vld.idx.msk [tilespmem:v45+s3+$0x0], $0xffff  }
0x1ad: {  	v36 =	vor.u32 v37, v36;
	v32 =	vor.u32 v30, v32;
	v21 =	vsub.f32 v20, v9;
	v29 =	vld.idx.msk [tilespmem:v47+s3+$0x0], $0xffff  }
0x1ae: {  	v25 =	vor.u32 v24, v33;
	v24 =	vor.u32 v39, v34;
	v37 =	vsub.f32 v43, v9;
	v30 =	vld.idx.msk [tilespmem:v48+s3+$0x0], $0xffff  }
0x1af: {  	v23 =	vor.u32 v23, v35;
	v33 =	vsub.f32 v22, v9;
	v34 =	vmul.f32 v21, v11  }
0x1b0: {  	v21 =	vor.u32 v40, v31;
	v35 =	vsub.f32 v26, v9;
	v37 =	vmul.f32 v37, v11  }
0x1b1: {  	v31 =	vmul.f32 v33, v11;
	v33 =	vsub.f32 v27, v9;
	v34 =	vtrunc.f32 v34  }
0x1b2: {  	v35 =	vmul.f32 v35, v11;
	v39 =	vsub.f32 v28, v9;
	v37 =	vtrunc.f32 v37  }
0x1b3: {  	v33 =	vmul.f32 v33, v11;
	v40 =	vsub.f32 v29, v9;
	v37 =	vcvt.f32.s32 v37  }
0x1b4: {  	v35 =	vtrunc.f32 v35;
	v39 =	vmul.f32 v39, v11;
	v42 =	vsub.f32 v30, v9  }
0x1b5: {  	v44 =	vtrunc.f32 v31;
	v31 =	vmul.f32 v40, v11;
	vm0 =	vlt.s32 v37, $0xFFF  }
0x1b6: {  	v33 =	vtrunc.f32 v33;
	v40 =	vmul.f32 v42, v11;
	v37 =	vnsel vm0, $0xFFF, v37  }
0x1b7: {  	v39 =	vtrunc.f32 v39;
	v42 =	vtrunc.f32 v31;
	v45 =	vadd.s32 v7, v37  }
0x1b8: {  	v37 =	vcvt.s32.f32 v37;
	v31 =	vor.u32 v41, v38;
	v40 =	vtrunc.f32 v40  }
0x1b9: {  	v35 =	vcvt.f32.s32 v35;
	vm0 =	vgt.s32 v18, $0xFFFFFFFF;
	v38 =	vcvt.f32.s32 v44  }
0x1ba: {  	vm1 =	vgt.s32 v19, $0xFFFFFFFF;
	v18 =	vcvt.f32.s32 v33;
	v33 =	vmul.f32 v37, v10  }
0x1bb: {  	vm2 =	vlt.s32 v35, $0xFFF;
	v19 =	vcvt.f32.s32 v39;
	v37 =	vcvt.f32.s32 v42  }
0x1bc: {  	v34 =	vcvt.f32.s32 v34;
	v39 =	vcvt.f32.s32 v40;
	v33 =	vadd.f32 v33, v9;
	v40 =	vld.idx.msk [tilespmem:v45+s28+$0x0], $0xffff  }
0x1bd: {  	vm4 =	vlt.s32 v18, $0xFFF;
	vm3 =	vlt.s32 v38, $0xFFF;
	vm5 =	vlt.s32 v19, $0xFFF  }
0x1be: {  	vm6 =	vlt.s32 v37, $0xFFF;
	vm7 =	vlt.s32 v39, $0xFFF;
	v33 =	vsub.f32 v43, v33  }
0x1bf: {  	v35 =	vnsel vm2, $0xFFF, v35;
	vm2 =	vlt.s32 v34, $0xFFF;
	v38 =	vnsel vm3, $0xFFF, v38;
	[tilespmem:v32+s28+$0x0] =	vst.idx.add.s32.msk vm0, v5  }
0x1c0: {  	v18 =	vnsel vm4, $0xFFF, v18;
	v19 =	vnsel vm5, $0xFFF, v19;
	v32 =	vmul.f32 v33, v12;
	[tilespmem:v36+s28+$0x0] =	vst.idx.add.s32.msk vm1, v5  }
0x1c1: {  	v34 =	vnsel vm2, $0xFFF, v34;
	v33 =	vnsel vm6, $0xFFF, v37;
	v36 =	vnsel vm7, $0xFFF, v39  }
0x1c2: {  	v37 =	vcvt.s32.f32 v35;
	vm0 =	vgt.s32 v40, $0x0;
	v32 =	vtrunc.f32 v32  }
0x1c3: {  	v39 =	vcvt.s32.f32 v38;
	v41 =	vnsel vm0, $0x0, v40;
	v32 =	vcvt.f32.s32 v32  }
0x1c4: {  	v42 =	vcvt.s32.f32 v18;
	v43 =	vcvt.s32.f32 v19;
	v41 =	vshll.u32 v41, $0x5  }
0x1c5: {  	v44 =	vcvt.s32.f32 v33;
	vm0 =	vgt.s32 v32, $0x0;
	v45 =	vadd.s32 v8, v41  }
0x1c6: {  	v41 =	vand.u32 $0x60, v41;
	v32 =	vnsel vm0, $0x0, v32;
	v45 =	vand.u32 $0xFFFFFF80, v45  }
0x1c7: {  	vm0 =	vgt.s32 v40, $0xFFFFFFFF;
	v32 =	vmin.u32 v32, $0x1F;
	v40 =	vor.u32 v41, v45  }
0x1c8: {  	v41 =	vcvt.s32.f32 v36;
	v32 =	vor.u32 v32, v40;
	v40 =	vcvt.s32.f32 v34  }
0x1c9: {  	v35 =	vadd.s32 v7, v35;
	v37 =	vmul.f32 v37, v10;
	v39 =	vmul.f32 v39, v10  }
0x1ca: {  	v42 =	vmul.f32 v42, v10;
	v43 =	vmul.f32 v43, v10;
	v38 =	vadd.s32 v7, v38  }
0x1cb: {  	v44 =	vmul.f32 v44, v10;
	v45 =	vadd.s32 v7, v18;
	v41 =	vmul.f32 v41, v10  }
0x1cc: {  	v46 =	vadd.s32 v7, v19;
	v33 =	vadd.s32 v7, v33;
	v40 =	vmul.f32 v40, v10  }
0x1cd: {  	v37 =	vadd.f32 v37, v9;
	v36 =	vadd.s32 v7, v36;
	[tilespmem:v32+s28+$0x0] =	vst.idx.add.s32.msk vm0, v5;
	vm0 =	vgt.s32 v17, $0xFFFFFFFF  }
0x1ce: {  	v34 =	vadd.s32 v7, v34;
	v32 =	vadd.f32 v39, v9;
	v18 =	vld.idx.msk [tilespmem:v35+s28+$0x0], $0xffff;
	v35 =	vadd.f32 v42, v9  }
0x1cf: {  	vm1 =	vgt.s32 v13, $0xFFFFFFFF;
	v39 =	vadd.f32 v44, v9;
	v19 =	vld.idx.msk [tilespmem:v38+s28+$0x0], $0xffff;
	v38 =	vadd.f32 v43, v9  }
0x1d0: {  	vm2 =	vgt.s32 v14, $0xFFFFFFFF;
	v41 =	vadd.f32 v41, v9;
	v40 =	vadd.f32 v40, v9;
	v17 =	vld.idx.msk [tilespmem:v45+s28+$0x0], $0xffff  }
0x1d1: {  	vm3 =	vgt.s32 v15, $0xFFFFFFFF;
	v26 =	vsub.f32 v26, v37;
	v22 =	vsub.f32 v22, v32;
	v13 =	vld.idx.msk [tilespmem:v46+s28+$0x0], $0xffff  }
0x1d2: {  	vm4 =	vgt.s32 v16, $0xFFFFFFFF;
	v27 =	vsub.f32 v27, v35;
	v28 =	vsub.f32 v28, v38;
	v14 =	vld.idx.msk [tilespmem:v33+s28+$0x0], $0xffff  }
0x1d3: {  	v26 =	vmul.f32 v26, v12;
	v30 =	vsub.f32 v30, v41;
	v29 =	vsub.f32 v29, v39;
	v15 =	vld.idx.msk [tilespmem:v36+s28+$0x0], $0xffff  }
0x1d4: {  	v20 =	vsub.f32 v20, v40;
	v22 =	vmul.f32 v22, v12;
	v27 =	vmul.f32 v27, v12;
	v16 =	vld.idx.msk [tilespmem:v34+s28+$0x0], $0xffff  }
0x1d5: {  	v29 =	vmul.f32 v29, v12;
	vm5 =	vgt.s32 v18, $0x0;
	v28 =	vmul.f32 v28, v12;
	[tilespmem:v25+s28+$0x0] =	vst.idx.add.s32.msk vm0, v5  }
0x1d6: {  	v20 =	vmul.f32 v20, v12;
	vm0 =	vgt.s32 v19, $0x0;
	v25 =	vmul.f32 v30, v12;
	[tilespmem:v24+s28+$0x0] =	vst.idx.add.s32.msk vm1, v5  }
0x1d7: {  	v24 =	vtrunc.f32 v26;
	vm1 =	vgt.s32 v17, $0x0;
	vm6 =	vgt.s32 v13, $0x0;
	[tilespmem:v23+s28+$0x0] =	vst.idx.add.s32.msk vm2, v5  }
0x1d8: {  	v22 =	vtrunc.f32 v22;
	v23 =	vtrunc.f32 v27;
	vm2 =	vgt.s32 v14, $0x0;
	[tilespmem:v21+s28+$0x0] =	vst.idx.add.s32.msk vm3, v5  }
0x1d9: {  	v26 =	vtrunc.f32 v29;
	v21 =	vtrunc.f32 v28;
	vm3 =	vgt.s32 v15, $0x0;
	[tilespmem:v31+s28+$0x0] =	vst.idx.add.s32.msk vm4, v5  }
0x1da: {  	v29 =	vtrunc.f32 v20;
	v27 =	vtrunc.f32 v25;
	vm4 =	vgt.s32 v16, $0x0  }
0x1db: {  	v20 =	vnsel vm5, $0x0, v18;
	v30 =	vnsel vm0, $0x0, v19;
	v31 =	vnsel vm1, $0x0, v17  }
0x1dc: {  	v32 =	vnsel vm6, $0x0, v13;
	v33 =	vnsel vm2, $0x0, v14;
	v34 =	vnsel vm3, $0x0, v15  }
0x1dd: {  	v37 =	vcvt.f32.s32 v22;
	v35 =	vcvt.f32.s32 v24;
	v36 =	vnsel vm4, $0x0, v16  }
0x1de: {  	v39 =	vshll.u32 v20, $0x5;
	v28 =	vcvt.f32.s32 v23;
	v25 =	vcvt.f32.s32 v21  }
0x1df: {  	v40 =	vshll.u32 v30, $0x5;
	v23 =	vcvt.f32.s32 v26;
	v20 =	vcvt.f32.s32 v27  }
0x1e0: {  	v22 =	vcvt.f32.s32 v29;
	v27 =	vshll.u32 v32, $0x5;
	v30 =	vshll.u32 v31, $0x5  }
0x1e1: {  	v26 =	vshll.u32 v33, $0x5;
	v24 =	vshll.u32 v34, $0x5;
	v21 =	vshll.u32 v36, $0x5  }
0x1e2: {  	v29 =	vadd.s32 v8, v39;
	v31 =	vadd.s32 v8, v40;
	v33 =	vadd.s32 v8, v30  }
0x1e3: {  	v34 =	vadd.s32 v8, v27;
	v41 =	vadd.s32 v8, v26;
	v42 =	vadd.s32 v8, v24  }
0x1e4: {  	vm6 =	vgt.s32 v37, $0x0;
	vm0 =	vgt.s32 v35, $0x0;
	vm5 =	vgt.s32 v28, $0x0  }
.Ltmp18:
0x1e5: {  	vm3 =	vgt.s32 v23, $0x0;
	vm1 =	vgt.s32 v20, $0x0;
	vm4 =	vgt.s32 v25, $0x0;
	(pc) =	sbr.rel @p0 .LBB2_31-.Ltmp18, $4  }
0x1e6: {  	v32 =	vand.u32 $0xFFFFFF80, v29;
	vm2 =	vgt.s32 v22, $0x0;
	v38 =	vadd.s32 v8, v21  }
0x1e7: {  	v36 =	vand.u32 $0xFFFFFF80, v31;
	v34 =	vand.u32 $0xFFFFFF80, v34;
	v33 =	vand.u32 $0xFFFFFF80, v33  }
0x1e8: {  	v29 =	vnsel vm0, $0x0, v35;
	v35 =	vand.u32 $0xFFFFFF80, v41;
	v31 =	vand.u32 $0xFFFFFF80, v42  }
0x1e9: {  	s18 =	sadd.s32 $0x10, s18;
	v39 =	vand.u32 $0x60, v39;
	v37 =	vnsel vm6, $0x0, v37;
	v40 =	vand.u32 $0x60, v40  }
0x1ea: {  	v28 =	vnsel vm5, $0x0, v28;
	v30 =	vand.u32 $0x60, v30  }
0x1eb: {  	v25 =	vnsel vm4, $0x0, v25;
	v27 =	vand.u32 $0x60, v27;
	v23 =	vnsel vm3, $0x0, v23  }
0x1ec: {  	v26 =	vand.u32 $0x60, v26;
	v20 =	vnsel vm1, $0x0, v20;
	v24 =	vand.u32 $0x60, v24  }
0x1ed: {  	v22 =	vnsel vm2, $0x0, v22;
	v38 =	vand.u32 $0xFFFFFF80, v38;
	v32 =	vor.u32 v39, v32  }
0x1ee: {  	v36 =	vor.u32 v40, v36;
	v21 =	vand.u32 $0x60, v21;
	v29 =	vmin.u32 v29, $0x1F  }
0x1ef: {  	v58 =	vmin.u32 v37, $0x1F;
	vm0 =	vgt.s32 v18, $0xFFFFFFFF;
	vm10 =	vgt.s32 v19, $0xFFFFFFFF  }
0x1f0: {  	vm11 =	vgt.s32 v17, $0xFFFFFFFF;
	vm12 =	vgt.s32 v13, $0xFFFFFFFF;
	vm13 =	vgt.s32 v14, $0xFFFFFFFF  }
0x1f1: {  	vm14 =	vgt.s32 v15, $0xFFFFFFFF;
	vm15 =	vgt.s32 v16, $0xFFFFFFFF;
	v60 =	vor.u32 v29, v32  }
0x1f2: {  	v30 =	vor.u32 v30, v33;
	v59 =	vmin.u32 v28, $0x1F;
	v62 =	vor.u32 v58, v36  }
0x1f3: {  	v27 =	vor.u32 v27, v34;
	v61 =	vmin.u32 v25, $0x1F;
	v18 =	vor.u32 v59, v30  }
0x1f4: {  	v26 =	vor.u32 v26, v35;
	v63 =	vmin.u32 v23, $0x1F;
	v19 =	vor.u32 v61, v27  }
0x1f5: {  	v24 =	vor.u32 v24, v31;
	v13 =	vmin.u32 v20, $0x1F;
	v17 =	vor.u32 v63, v26  }
0x1f6: {  	s2 =	sadd.s32 $0x1, s2;
	v14 =	vmin.u32 v22, $0x1F;
	v15 =	vor.u32 v21, v38;
	v13 =	vor.u32 v13, v24;
	[tilespmem:v60+s28+$0x0] =	vst.idx.add.s32.msk vm0, v5  }
0x1f7: {  	p0 =	sne.s32 s2, $0x10;
	v14 =	vor.u32 v14, v15;
	[tilespmem:v62+s28+$0x0] =	vst.idx.add.s32.msk vm10, v5  }
.Ltmp19:
0x1f8: {  	[tilespmem:v18+s28+$0x0] =	vst.idx.add.s32.msk vm11, v5;
	(pc) =	sbr.rel @p0 .LBB2_30-.Ltmp19, $4  }
0x1f9: {  	[tilespmem:v19+s28+$0x0] =	vst.idx.add.s32.msk vm12, v5  }
0x1fa: {  	[tilespmem:v17+s28+$0x0] =	vst.idx.add.s32.msk vm13, v5  }
0x1fb: {  	[tilespmem:v13+s28+$0x0] =	vst.idx.add.s32.msk vm14, v5  }
0x1fc: {  	s15 =	simm.s32 $0x0;
	[tilespmem:v14+s28+$0x0] =	vst.idx.add.s32.msk vm15, v5  }
0x1fd: {  	s0 =	sand.u32 $0x7FF0, s15  }
0x1fe: {  	s1 =	simm.s32 $0x10;
	v9 =	vld [tilespmem:s0+$0x16400]  }
.LBB2_34:
0x1ff: {  	p0 =	sne.s32 s1, $0x63F0;
	v10 =	vld [tilespmem:s0+$0x10000];
	_ =	sdelay $0x1  }
.Ltmp20:
0x200: {  	(pc) =	sbr.rel @p0 .LBB2_34-.Ltmp20, $3  }
0x201: {  	_ =	sdelay $0x1  }
0x202: {  	s2 =	sand.u32 $0x7FF0, s1;
	v10 =	vadd.s32 v10, v9  }
0x203: {  	s1 =	sadd.s32 $0x10, s1;
	v9 =	vld [tilespmem:s2+$0x16400];
	[tilespmem:s0+$0x10000] =	vst v10;
	s0 =	smov.u32 s2  }
0x204: {  	v10 =	vld [tilespmem:s0+$0x10000];
	_ =	sdelay $0x4  }
0x205: {  	v9 =	vadd.s32 v10, v9  }
0x206: {  	s2 =	simm.s32 $0x1C880;
	s18 =	simm.s32 $0x0;
	[tilespmem:s0+$0x10000] =	vst v9  }
.LBB2_36:
0x207: {  	v9 =	vmov s2;
	_ =	sdelay $0x2  }
0x208: {  	v10 =	vld [tilespmem:s18+$0x1CF10]  }
0x209: {  	v11 =	vld [tilespmem:s18+$0x1CF20];
	s0 =	simm.s32 $0x0  }
0x20a: {  	v12 =	vld.idx.msk [tilespmem:v9+s0+$0x0 ss:$0x1], $0xffff;
	_ =	sdelay $0x2  }
0x20b: {  	(v2sf) =	vpush v10, $0x0  }
0x20c: {  	(v2sf) =	vpush v11, $0x0  }
0x20d: {  	(v2sf) =	vpush v12, $0x0;
	_ =	sdelay $0x7  }
0x20e: {  	s17 =	sshll.u32 s18, $0xC  }
0x20f: {  	s0 =	sand.u32 $0x3FFFF000, s17  }
0x210: {  	s0 =	sadd.s32 $0x8000, s0  }
0x211: {  	v10 =	vmov s0;
	_ =	sdelay $0x1  }
0x212: {  	s4 =	spop (v2sf)  }
0x213: {  	s5 =	spop (v2sf)  }
0x214: {  	s19 =	spop (v2sf)  }
0x215: {  	v11 =	vld.idx.msk [tilespmem:v10+s19+$0x0 ss:$0x1], $0xffff;
	_ =	sdelay $0x4  }
0x216: {  	(v2sf) =	vpush v11, $0x0;
	_ =	sdelay $0xe  }
0x217: {  	s1 =	spop (v2sf)  }
0x218: {  	s1 =	sshll.u32 s1, $0x5  }
0x219: {  	v11 =	vld [tilespmem:s1+$0x10000];
	_ =	sdelay $0x1  }
0x21a: {  	v61 =	vld [tilespmem:s1+$0x10010];
	_ =	sdelay $0x2  }
0x21b: {  	(xrf0) =	vadd.scan.msk.s32 $0xffff, v11;
	_ =	sdelay $0x1  }
0x21c: {  	(xrf0) =	vadd.scan.msk.s32 $0xffff, v61  }
0x21d: {  	s23 =	sadd.s32 $0x0, s2  }
0x21e: {  	v11 =	vld.msk [tilespmem:s23+$0x320 ss:$0x0], $0xffff;
	_ =	sdelay $0x1  }
0x21f: {  	v62, _, _ =	vpop (xrf0)  }
0x220: {  	v13 =	vbroadcast v62, $0xF  }
0x221: {  	v14, _, _ =	vpop (xrf0)  }
0x222: {  	vm0 =	vle.s32 v62, v11;
	v13 =	vadd.s32 v13, v14  }
0x223: {  	v12 =	vmpcnt.ones.xlane vm0;
	vm15 =	vle.s32 v13, v11  }
0x224: {  	v11 =	vmpcnt.ones.xlane vm15  }
0x225: {  	(v2sf) =	vpush v12, $0x0  }
0x226: {  	(v2sf) =	vpush v11, $0x0;
	_ =	sdelay $0xd  }
0x227: {  	s31 =	spop (v2sf)  }
0x228: {  	s0 =	scvt.s32.f32 s19;
	s16 =	spop (v2sf)  }
0x229: {  	s14 =	smul.f32 $3.125000000e-02, s5;
	s1 =	sadd.s32 s31, s16  }
0x22a: {  	s0 =	smul.f32 s0, s5;
	s1 =	scvt.s32.f32 s1  }
0x22b: {  	_ = 	snop  }
0x22c: {  	s0 =	sadd.f32 s0, s4;
	v11 =	vmov s15;
	s1 =	smul.f32 s1, s14  }
0x22d: {  	_ = 	snop  }
0x22e: {  	s0 =	sadd.f32 s1, s0;
	_ =	sdelay $0x1  }
0x22f: {  	v63 =	vmov s0  }
0x230: {  	s17 =	simm.s32 $0x1;
	s16 =	simm.s32 $0x8;
	s0 =	smov.u32 s15;
	[tilespmem:v11+s30+$0x0] =	vst.idx.msk $0x1, v63  }
.LBB2_37:
0x231: {  	p0 =	sne.s32 s16, $0x18C;
	v11 =	vld.idx.msk [tilespmem:v9+s17+$0x0 ss:$0x1], $0xffff;
	_ =	sdelay $0x5  }
0x232: {  	(v2sf) =	vpush v11, $0x0;
	_ =	sdelay $0xe  }
0x233: {  	s31 =	spop (v2sf)  }
0x234: {  	v11 =	vld.idx.msk [tilespmem:v10+s31+$0x0 ss:$0x1], $0xffff;
	_ =	sdelay $0x5  }
0x235: {  	(v2sf) =	vpush v11, $0x0;
	_ =	sdelay $0xe  }
0x236: {  	s1 =	spop (v2sf)  }
0x237: {  	s1 =	sshll.u32 s1, $0x5  }
0x238: {  	v11 =	vld [tilespmem:s1+$0x10000];
	_ =	sdelay $0x1  }
0x239: {  	v12 =	vld [tilespmem:s1+$0x10010];
	_ =	sdelay $0x2  }
0x23a: {  	(xrf0) =	vadd.scan.msk.s32 $0xffff, v11;
	_ =	sdelay $0x1  }
0x23b: {  	s1 =	sadd.s32 s17, s2;
	(xrf0) =	vadd.scan.msk.s32 $0xffff, v12  }
0x23c: {  	v11 =	vld.msk [tilespmem:s1+$0x320 ss:$0x0], $0xffff;
	_ =	sdelay $0x2  }
0x23d: {  	v12, _, _ =	vpop (xrf0)  }
0x23e: {  	v13 =	vbroadcast v12, $0xF  }
0x23f: {  	v14, _, _ =	vpop (xrf0)  }
0x240: {  	vm0 =	vle.s32 v12, v11;
	v13 =	vadd.s32 v13, v14  }
0x241: {  	v12 =	vmpcnt.ones.xlane vm0;
	vm0 =	vle.s32 v13, v11  }
0x242: {  	v11 =	vmpcnt.ones.xlane vm0  }
0x243: {  	(v2sf) =	vpush v12, $0x0  }
0x244: {  	(v2sf) =	vpush v11, $0x0;
	_ =	sdelay $0xd  }
0x245: {  	s1 =	spop (v2sf)  }
0x246: {  	s17 =	scvt.s32.f32 s31;
	s19 =	spop (v2sf)  }
0x247: {  	s1 =	sadd.s32 s1, s19  }
0x248: {  	s17 =	smul.f32 s17, s5;
	s1 =	scvt.s32.f32 s1  }
0x249: {  	s0 =	sadd.s32 $0x1, s0  }
0x24a: {  	s17 =	sadd.f32 s17, s4;
	v11 =	vmov s0;
	s1 =	smul.f32 s1, s14  }
.Ltmp21:
0x24b: {  	(pc) =	sbr.rel @p0 .LBB2_37-.Ltmp21, $3  }
0x24c: {  	s1 =	sadd.f32 s1, s17;
	_ =	sdelay $0x1  }
0x24d: {  	v12 =	vmov s1  }
0x24e: {  	s17 =	sshra.s32 s16, $0x2;
	s16 =	sadd.s32 $0x4, s16;
	[tilespmem:v11+s30+$0x0] =	vst.idx.msk $0x1, v12  }
0x24f: {  	_ =	sdelay $0x3  }
0x250: {  	v9 =	vld.idx.msk [tilespmem:v9+s17+$0x0 ss:$0x1], $0xffff;
	_ =	sdelay $0x4  }
0x251: {  	(v2sf) =	vpush v9, $0x0;
	_ =	sdelay $0xe  }
0x252: {  	s1 =	spop (v2sf)  }
0x253: {  	v9 =	vld.idx.msk [tilespmem:v10+s1+$0x0 ss:$0x1], $0xffff;
	_ =	sdelay $0x4  }
0x254: {  	(v2sf) =	vpush v9, $0x0;
	_ =	sdelay $0xe  }
0x255: {  	s16 =	spop (v2sf)  }
0x256: {  	s16 =	sshll.u32 s16, $0x5  }
0x257: {  	v9 =	vld [tilespmem:s16+$0x10000];
	_ =	sdelay $0x1  }
0x258: {  	v10 =	vld [tilespmem:s16+$0x10010];
	_ =	sdelay $0x2  }
0x259: {  	(xrf0) =	vadd.scan.msk.s32 $0xffff, v9;
	_ =	sdelay $0x1  }
0x25a: {  	(xrf0) =	vadd.scan.msk.s32 $0xffff, v10  }
0x25b: {  	s19 =	sadd.s32 s17, s2  }
0x25c: {  	v9 =	vld.msk [tilespmem:s19+$0x320 ss:$0x0], $0xffff;
	_ =	sdelay $0x1  }
0x25d: {  	v10, _, _ =	vpop (xrf0)  }
0x25e: {  	v11 =	vbroadcast v10, $0xF  }
0x25f: {  	v12, _, _ =	vpop (xrf0)  }
0x260: {  	vm0 =	vle.s32 v10, v9;
	v11 =	vadd.s32 v11, v12  }
0x261: {  	v10 =	vmpcnt.ones.xlane vm0;
	vm15 =	vle.s32 v11, v9  }
0x262: {  	v9 =	vmpcnt.ones.xlane vm15  }
0x263: {  	(v2sf) =	vpush v10, $0x0  }
0x264: {  	(v2sf) =	vpush v9, $0x0;
	_ =	sdelay $0xd  }
0x265: {  	s23 =	spop (v2sf)  }
0x266: {  	s1 =	scvt.s32.f32 s1;
	s31 =	spop (v2sf)  }
0x267: {  	s16 =	sadd.s32 s23, s31  }
0x268: {  	s1 =	smul.f32 s1, s5;
	s19 =	scvt.s32.f32 s16  }
0x269: {  	s0 =	sadd.s32 $0x1, s0;
	s18 =	sadd.s32 $0x1, s18  }
0x26a: {  	p0 =	sne.s32 s18, $0x8;
	s1 =	sadd.f32 s1, s4;
	v9 =	vmov s0;
	s23 =	smul.f32 s19, s14  }
.Ltmp22:
0x26b: {  	_ = 	snop;
	(pc) =	sbr.rel @p0 .LBB2_36-.Ltmp22, $3  }
0x26c: {  	s31 =	sadd.f32 s23, s1;
	_ =	sdelay $0x1  }
0x26d: {  	v10 =	vmov s31  }
0x26e: {  	s2 =	sadd.s32 $0x64, s2;
	s15 =	sadd.s32 $0x64, s15;
	[tilespmem:v9+s30+$0x0] =	vst.idx.msk $0x1, v10  }
0x26f: {  	s0 =	rddreg [dreg:$0x5];
	s2 =	simm.s32 $0x2  }
0x270: {  	[hbm4b:s0+s3] =	stream.linear.scatter [tilespmem:s30], [sflag:$0x2], $0x320, $0x38;
	[tilespmem:$0x1D300] =	vst v63  }
0x271: {  	_ =	swait.ge [sflag:s2], $0x320  }
0x272: {  	s1 =	rddreg [dreg:$0x7]  }
0x273: {  	s31 =	rddreg [dreg:$0x6];
	s1 =	sadd.s32 $0x1, s1  }
0x274: {  	p0 =	sne.s32 s1, s31  }
.Ltmp23:
0x275: {  	_ = 	snop;
	(pc) =	sbr.rel @p0 .LBB2_1-.Ltmp23, $3  }
0x276: {  	_ =	sdelay $0x1  }
0x277: {  	s15 =	simm.s32 $0x3000;
	[sflag:s2] =	ssyncset.done $0x0  }
0x278: {  	s16 =	simm.s32 $0x4000;
	s17 =	simm.s32 $0x5000;
	[sflag:s2] =	ssyncadd.s32 $0xFFFFFCE0  }
0x279: {  	_ =	sfence.sel $0x180000  }
0x27a: {  	[bflag:$0x0] =	sbarrier.arrive $0xFFFF  }
0x27b: {  	_ =	strace $0x9000004D  }
0x27c: {  	s0 =	stileid.u32;
	[bflag:$0x2] =	sbarrier.arrive $0xFFFF  }
0x27d: {  	p0 =	sne.s32 s0, $0x0;
	s0 =	rddreg [dreg:$0x2]  }
0x27e: {  	s0 =	sadd.s32 @!p0 $0x100000, s0  }
0x27f: {  	[sflag:s0] =	ssyncadd.tile.s32 @!p0 $0x1;
	_ =	shalt  }
.Lfunc_end2:
_tile_overlayer_lowered:
.L_overlay_start_2:
0x280: {  	(tag) =	ssettag $0x2  }
0x281: {  	s0 =	rddreg [dreg:$0x0];
	s2 =	stileid.u32  }
0x282: {  	s1 =	rddreg [dreg:$0x1];
	p0 =	sne.s32 s2, $0x0  }
0x283: {  	s3 =	rddreg [dreg:$0x2];
	[bflag:$0x3] =	sbarrier.arrive $0xFFFF;
	s2 =	simm.s32 @!p0 $0x1C02  }
0x284: {  	[timem:s3], [sflag:s2] =	dma.local @!p0 [hbm:s0], s1  }
0x285: {  	s0 =	simm.s32 @!p0 $0x2  }
0x286: {  	_ =	swait.ge @!p0 [sflag:s0], s1  }
0x287: {  	s1 =	ssub.s32 @!p0 $0x0, s1;
	[sflag:s0] =	ssyncset.done @!p0 $0x0  }
0x288: {  	[sflag:s0] =	ssyncadd.s32 @!p0 s1  }
0x289: {  	[bflag:$0x3] =	sbarrier.arrive $0xFFFF  }
0x28a: {  	_ =	shalt  }

// kernel: sparse-core-data-format-call.1.cloned.1.call-start
scs
called_computation.1_lowered:
.L_overlay_start_0:
0x0: {  	s2 =	sld [smem:$0x3FD9]  }
0x1: {  	s3 =	sld [smem:$0x3FFE];
	_ =	sdelay $0x1  }
0x2: {  	s1 =	srdreg.scid  }
0x3: {  	s0 =	sand.u32 $0x1, s1  }
0x4: {  	s18 =	sshll.u32 s0, $0xA;
	s2 =	sadd.s32 s3, s2  }
0x5: {  	s2 =	sadd.s32 s2, s18  }
0x6: {  	[smem:$0x3FC7] =	sst s2  }
0x7: {  	_ = 	snop  }
0x8: {  	s2 =	sld [smem:$0x3FC9];
	(tm) =	ssettm $0x1  }
0x9: {  	s19 =	sld [smem:$0x3FFB];
	_ =	sdelay $0x3  }
0xa: {  	_ =	strace s19  }
0xb: {  	s3 =	sld [smem:$0x3FFC];
	_ =	sdelay $0x3  }
0xc: {  	_ =	strace s3  }
0xd: {  	s3 =	sld [smem:$0x3FFD];
	_ =	sdelay $0x3  }
0xe: {  	_ =	strace s3  }
0xf: {  	_ =	strace $0x8FFFFFFF  }
0x10: {  	s20 =	sld [smem:$0x3FDB];
	_ =	sdelay $0x1  }
0x11: {  	s4 =	simm.s32 $_scs_section_size  }
0x12: {  	s5 =	simm.s32 $_size__tile_overlayer_lowered;
	s6 =	simm.s32 $_tile_overlayer_lowered  }
0x13: {  	s23 =	simm.s32 $0x1BFF;
	s22 =	sshll.u32 s6, $0x1;
	s3 =	sadd.s32 s4, s20  }
0x14: {  	s7 =	simm.s32 $0x0;
	s21 =	sshll.u32 s5, $0x1;
	s5 =	sadd.s32 s22, s3  }
0x15: {  	[timem:s7], [sflag:s23] =	dma.local [hbm:s5], s21  }
0x16: {  	_ =	swait.ge [sflag:s23], s21  }
0x17: {  	s4 =	ssub.s32 $0x0, s21;
	[sflag:s23] =	ssyncset.done $0x0  }
0x18: {  	[sflag:s23] =	ssyncadd.s32 s4;
	_ =	sdelay $0x1  }
0x19: {  	s24 =	simm.s32 $0x1B8B  }
0x1a: {  	_ =	swait.ge [sflag:s24], $0x1  }
0x1b: {  	[sflag:s24] =	ssyncset.done $0x0  }
0x1c: {  	s26 =	simm.s32 $0x1B8E;
	s25 =	sld [smem:$0x3FFE];
	[sflag:s24] =	ssyncadd.s32 $0xFFFFFFFF  }
0x1d: {  	s27 =	simm.s32 $execute0_lowered;
	[smem:$0x3FD2] =	sst s26  }
0x1e: {  	s5 =	sshll.u32 s27, $0x1;
	_ =	strace $0x80000046;
	[dreg:$0x1] =	wrdreg $0xFFFFFFFF  }
0x1f: {  	s28 =	simm.s32 $_size_execute0_lowered;
	s3 =	sadd.s32 s3, s5;
	[dreg:$0x0] =	wrdreg $0x0  }
0x20: {  	s5 =	sshll.u32 s28, $0x1;
	[dreg:$0x2] =	wrdreg s3  }
0x21: {  	[dreg:$0x3] =	wrdreg s5  }
0x22: {  	[dreg:$0x4] =	wrdreg $0xC0  }
0x23: {  	_ =	task [dreg:s7], $0x5FFFF  }
0x24: {  	[dreg:$0x1] =	wrdreg $0xFFFFFFFF  }
0x25: {  	[dreg:$0x0] =	wrdreg $0x60  }
0x26: {  	[dreg:$0x2] =	wrdreg s2  }
0x27: {  	[dreg:$0x3] =	wrdreg s25  }
0x28: {  	[dreg:$0x4] =	wrdreg $0x9  }
0x29: {  	_ =	task.clear_ibuf [dreg:s7], $0x5FFFF;
	_ =	strace $0x90000046  }
0x2a: {  	s29 =	simm.s32 $0x9;
	_ =	strace $0x80000048  }
0x2b: {  	_ =	swait.ge [sflag:s29], $0x1  }
0x2c: {  	[sflag:s29] =	ssyncadd.s32 $0xFFFFFFFF  }
0x2d: {  	_ =	strace $0x90000048  }
0x2e: {  	_ =	sfence  }
0x2f: {  	s30 =	sld [smem:$0x0];
	_ =	sdelay $0x2  }
0x30: {  	s31 =	sshll.u32 s1, $0xD;
	s1 =	sshrl.u32 s1, $0x2  }
0x31: {  	s3 =	sand.u32 $0x4000, s31;
	s1 =	sadd.s32 s1, s30  }
0x32: {  	s0 =	sor.u32 s3, s0;
	s1 =	sshll.u32 s1, $0x11  }
0x33: {  	s0 =	sor.u32 s1, s0  }
0x34: {  	s0 =	sadd.s32 $0x8F2B, s0  }
0x35: {  	[sflag:s0] =	ssyncadd.remote.s32 $0x1  }
0x36: {  	_ =	sfence.sel $0xFFFF  }
0x37: {  	[dreg:$0x0] =	wrdreg $0xFFFFFFFF;
	(pc) =	sbr.abs _section_cstart, $3  }
0x38: {  	[dreg:$0x1] =	wrdreg $0xFFFFFFFF  }
0x39: {  	_ =	task.clear_ibuf [dreg:s7], $0x2FFFF;
	_ =	strace $0x9FFFFFFF  }
0x3a: {  	(tm) =	ssettm $0x7FFFFFFF  }
0x3b: {  	_ =	shalt  }
tec
execute0_lowered:
.L_overlay_start_1:
0x0: {  	(tag) =	ssettag $0x1  }
0x1: {  	s0 =	srdreg.scid;
	s2 =	rddreg [dreg:$0x0]  }
0x2: {  	s4 =	rddreg [dreg:$0x1];
	s7 =	simm.s32 $0x1;
	s1 =	sshll.u32 s0, $0x4  }
0x3: {  	s8 =	simm.s32 $0x2;
	s0 =	stileid.u32;
	s1 =	sand.u32 $0x10, s1  }
0x4: {  	s13 =	simm.s32 $0x0;
	s12 =	simm.s32 $0x0;
	s1 =	sor.u32 s0, s1  }
0x5: {  	s9 =	simm.s32 $0x0;
	s11 =	simm.s32 $0x0;
	s3 =	sshll.u32 s1, $0x7  }
0x6: {  	s4 =	sadd.s32 $0xE00, s4;
	s1 =	rddreg [dreg:$0x2];
	s6 =	ssub.s32 $0x10000, s3  }
.Ltmp0:
0x7: {  	_ =	strace $0x80000047;
	s5 =	sand.u32 $0xF80, s6;
	(pc) =	sbr.rel .LBB1_1-.Ltmp0, $4  }
0x8: {  	s10 =	smov.u32 s3;
	p0 =	sne.s32 s5, $0x0;
	s5 =	simm.s32 $0x1  }
0x9: {  	s6 =	sshrl.u32 s6, $0xC;
	s7 =	simm.s32 @!p0 $0x0;
	[sflag:s5] =	ssyncpa.u1 $0x0  }
0xa: {  	p0 =	por $0x0, $0x0;
	s7 =	sadd.s32 s7, s6;
	[sflag:s8] =	ssyncpa.u1 $0x0  }
0xb: {  	s8 =	simm.s32 $0x80000;
	s6 =	sshll.u32 s7, $0x1;
	s7 =	sshllo.u32 s7, $0x1  }
.LBB1_4:
0xc: {  	v5 =	vld [tilespmem:s16+$0xFFFFFFD0];
	[tilespmem:s17+$0x2040 ss:$0x81] =	vst.msk $0xffff, v1  }
0xd: {  	v58 =	vld [tilespmem:s16+$0xFFFFFFE0];
	[tilespmem:s17+$0x2850 ss:$0x81] =	vst.msk $0xffff, v2  }
0xe: {  	s18 =	sshra.s32 s18, $0x2;
	v59 =	vld [tilespmem:s16+$0xFFFFFFF0];
	[tilespmem:s17+$0x3060 ss:$0x81] =	vst.msk $0xffff, v3  }
0xf: {  	v60 =	vld [tilespmem:s16+$0x0];
	[tilespmem:s17+$0x0 ss:$0x81] =	vst.msk $0xffff, v0;
	s15 =	sadd.s32 s18, s15  }
0x10: {  	v61 =	vld [tilespmem:s16+$0x10];
	s26 =	sshll.u32 s13, $0x10;
	[tilespmem:s15+$0x3870 ss:$0x81] =	vst.msk $0xffff, v4  }
0x11: {  	v62 =	vld [tilespmem:s16+$0x20];
	s27 =	sand.u32 $0x78, s12;
	s19 =	sshll.u32 s12, $0x3;
	s29 =	sshll.u32 s13, $0x7;
	[tilespmem:s15+$0x810 ss:$0x81] =	vst.msk $0xffff, v5  }
0x12: {  	v63 =	vld [tilespmem:s16+$0xFFFFFFC0];
	s17 =	sand.u32 $0xF80000, s26;
	s28 =	sand.u32 $0xFFFC00, s19;
	s19 =	sand.u32 $0xFC00, s19;
	[tilespmem:s15+$0x1020 ss:$0x81] =	vst.msk $0xffff, v58  }
0x13: {  	s13 =	sand.u32 $0x380, s29;
	s16 =	sadd.s32 s28, s17;
	s30 =	sor.u32 s27, s19;
	[tilespmem:s15+$0x1830 ss:$0x81] =	vst.msk $0xffff, v59  }
0x14: {  	s16 =	sand.u32 $0xFF0000, s16;
	s13 =	sor.u32 s13, s30;
	[tilespmem:s15+$0x2040 ss:$0x81] =	vst.msk $0xffff, v60  }
0x15: {  	s31 =	sand.u32 $0x7, s12;
	s13 =	sor.u32 s16, s13;
	[tilespmem:s15+$0x2850 ss:$0x81] =	vst.msk $0xffff, v61  }
0x16: {  	s12 =	sshll.u32 s31, $0x12;
	[tilespmem:s15+$0x3060 ss:$0x81] =	vst.msk $0xffff, v62;
	s13 =	sshrl.u32 s13, $0x3  }
0x17: {  	s12 =	sor.u32 $0x400, s12;
	[tilespmem:s15+$0x0 ss:$0x81] =	vst.msk $0xffff, v63;
	s13 =	sadd.s32 s4, s13  }
0x18: {  	[hbm4b:s13+s12] =	stream.strided.scatter [tilespmem:s14], [sflag:$0x2], $0x4000, s8, s12, $0x20;
	[tilespmem:$0x10100] =	vst v63  }
.LBB1_5:
0x19: {  	s14 =	sadd.s32 $0x80, s9  }
0x1a: {  	s12 =	sadd.s32 $0x1000, s10;
	s16 =	smov.u32 s10;
	p2 =	sgt.s32 s14, $0xFF  }
0x1b: {  	s16 =	smov.u32 @p2 s12  }
0x1c: {  	s14 =	simm.s32 @p2 $0x0;
	p2 =	sgt.s32 s16, $0xFFFF  }
0x1d: {  	s16 =	smov.u32 @p2 s3;
	p2 =	sne.s32 s11, s7  }
.Ltmp1:
0x1e: {  	p1 =	slt.u32 s11, $0x2;
	(pc) =	sbr.rel @!p2 .LBB1_6-.Ltmp1, $4  }
0x1f: {  	s15 =	simm.s32 @!p1 $0x2  }
0x20: {  	s13 =	smov.u32 s9;
	p0 =	por !p0, !p0;
	_ =	swait.ge @!p1 [sflag:s15], $0x4000  }
0x21: {  	s12 =	smov.u32 s10;
	[sflag:s15] =	ssyncset.done @!p1 $0x0;
	s9 =	smov.u32 s14  }
0x22: {  	s11 =	sadd.s32 $0x1, s11;
	[sflag:s15] =	ssyncadd.s32 @!p1 $0xFFFFC000;
	s10 =	smov.u32 s16  }
.LBB1_1:
0x23: {  	p1 =	sge.u32 s11, s6  }
0x24: {  	s31 =	sadd.s32 $0xFFFFFFFF, s11;
	s14 =	sshll.u32 @!p1 s10, $0x8  }
0x25: {  	s15 =	sshll.u32 @!p1 s9, $0x3;
	s16 =	sshll.u32 @!p1 s10, $0x7;
	s14 =	sand.u32 @!p1 $0xFFF800, s14  }
0x26: {  	s17 =	sand.u32 @!p1 $0x78, s9;
	s14 =	sadd.s32 @!p1 s14, s15;
	s15 =	sand.u32 @!p1 $0x380, s16  }
0x27: {  	s16 =	sxor.u32 @!p1 $0xFFFFFFFF, s11;
	s14 =	sand.u32 @!p1 $0xFFFC00, s14;
	s15 =	sor.u32 @!p1 s15, s17  }
0x28: {  	s16 =	sshll.u32 @!p1 s16, $0xE;
	s14 =	sor.u32 @!p1 s14, s15;
	s15 =	sand.u32 @!p1 $0x7, s9  }
0x29: {  	s17 =	simm.s32 @!p1 $0x800;
	s14 =	sshrl.u32 @!p1 s14, $0x3;
	s15 =	sshll.u32 @!p1 s15, $0x12  }
0x2a: {  	s16 =	sand.u32 @!p1 $0x4000, s16;
	s14 =	sadd.s32 @!p1 s2, s14;
	s15 =	sor.u32 @!p1 $0x400, s15  }
0x2b: {  	[tilespmem:s16], [sflag:$0x1] =	stream.strided.gather @!p1 [hbm4b:s14+s15], $0x4000, s17, s15, $0x38;
	[tilespmem:$0x10100] =	vst v63  }
0x2c: {  	p1 =	sge.u32 s31, s6  }
.Ltmp2:
0x2d: {  	_ = 	snop;
	(pc) =	sbr.rel @p1 .LBB1_5-.Ltmp2, $1  }
0x2e: {  	_ =	sdelay $0x3  }
0x2f: {  	s14 =	simm.s32 $0x1  }
0x30: {  	_ =	swait.ge [sflag:s5], $0x4000;
	s14 =	simm.s32 @!p0 $0x0  }
0x31: {  	[sflag:s5] =	ssyncset.done $0x0;
	s15 =	sshll.u32 s14, $0xE  }
0x32: {  	[sflag:s5] =	ssyncadd.s32 $0xFFFFC000;
	s16 =	sor.u32 $0x40, s15  }
0x33: {  	s14 =	smul.u32 $0x10200, s14;
	v0 =	vld [tilespmem:s16+$0x30]  }
0x34: {  	v3 =	vld [tilespmem:s16+$0xFFFFFFD0]  }
0x35: {  	s14 =	sshrl.u32 s14, $0x2;
	v4 =	vld [tilespmem:s16+$0xFFFFFFE0]  }
0x36: {  	v5 =	vld [tilespmem:s16+$0xFFFFFFF0];
	s15 =	sor.u32 $0x8000, s14  }
0x37: {  	s31 =	sand.u32 $0x1, s11;
	v1 =	vld [tilespmem:s16+$0x0];
	s17 =	sadd.s32 $0x0, s15  }
0x38: {  	v2 =	vld [tilespmem:s16+$0x10];
	s14 =	smul.u32 $0x10200, s31;
	[tilespmem:s17+$0x3870 ss:$0x81] =	vst.msk $0xffff, v0  }
0x39: {  	[tilespmem:s17+$0x810 ss:$0x81] =	vst.msk $0xffff, v3;
	v3 =	vld [tilespmem:s16+$0x20]  }
0x3a: {  	s14 =	sshrl.u32 s14, $0x2;
	v0 =	vld [tilespmem:s16+$0xFFFFFFC0];
	[tilespmem:s17+$0x1020 ss:$0x81] =	vst.msk $0xffff, v4;
	s16 =	sadd.s32 $0x80, s16  }
0x3b: {  	s18 =	simm.s32 $0x4;
	s19 =	simm.s32 $0x8;
	s14 =	sor.u32 $0x8000, s14;
	[tilespmem:s17+$0x1830 ss:$0x81] =	vst.msk $0xffff, v5;
	v4 =	vld [tilespmem:s16+$0x30]  }
.LBB1_3:
0x3c: {  	p1 =	sne.s32 s19, $0x1FC;
	v5 =	vld [tilespmem:s16+$0xFFFFFFD0];
	[tilespmem:s17+$0x2040 ss:$0x81] =	vst.msk $0xffff, v1  }
0x3d: {  	v6 =	vld [tilespmem:s16+$0xFFFFFFE0];
	[tilespmem:s17+$0x2850 ss:$0x81] =	vst.msk $0xffff, v2  }
0x3e: {  	s20 =	sshra.s32 s18, $0x2;
	s18 =	smov.u32 s19;
	v7 =	vld [tilespmem:s16+$0xFFFFFFF0];
	[tilespmem:s17+$0x3060 ss:$0x81] =	vst.msk $0xffff, v3  }
.Ltmp3:
0x3f: {  	v1 =	vld [tilespmem:s16+$0x0];
	[tilespmem:s17+$0x0 ss:$0x81] =	vst.msk $0xffff, v0;
	s17 =	sadd.s32 s20, s15;
	(pc) =	sbr.rel @p1 .LBB1_3-.Ltmp3, $4  }
0x40: {  	v2 =	vld [tilespmem:s16+$0x10];
	[tilespmem:s17+$0x3870 ss:$0x81] =	vst.msk $0xffff, v4  }
0x41: {  	[tilespmem:s17+$0x810 ss:$0x81] =	vst.msk $0xffff, v5;
	v3 =	vld [tilespmem:s16+$0x20]  }
0x42: {  	v0 =	vld [tilespmem:s16+$0xFFFFFFC0];
	[tilespmem:s17+$0x1020 ss:$0x81] =	vst.msk $0xffff, v6;
	s16 =	sadd.s32 $0x80, s16  }
0x43: {  	s19 =	sadd.s32 $0x4, s19;
	v4 =	vld [tilespmem:s16+$0x30];
	[tilespmem:s17+$0x1830 ss:$0x81] =	vst.msk $0xffff, v7  }
.Ltmp4:
0x44: {  	_ = 	snop;
	(pc) =	sbr.rel .LBB1_4-.Ltmp4, $1  }
0x45: {  	_ =	sdelay $0x3  }
.LBB1_6:
0x46: {  	_ =	sfence.sel $0x180000  }
0x47: {  	s2 =	simm.s32 $0x1;
	[bflag:$0x0] =	sbarrier.arrive $0xFFFF  }
0x48: {  	s31 =	simm.s32 $0x2;
	[sflag:s2] =	ssyncpa.u1 $0x1  }
0x49: {  	[sflag:s31] =	ssyncpa.u1 $0x1  }
0x4a: {  	p0 =	sne.s32 s0, $0x0;
	_ =	strace $0x90000047  }
0x4b: {  	s0 =	sadd.s32 @!p0 $0x100000, s1;
	[bflag:$0x2] =	sbarrier.arrive $0xFFFF  }
0x4c: {  	[sflag:s0] =	ssyncadd.tile.s32 @!p0 $0x1;
	_ =	shalt  }
.Lfunc_end1:
_tile_overlayer_lowered:
.L_overlay_start_2:
0x4d: {  	(tag) =	ssettag $0x2  }
0x4e: {  	s0 =	rddreg [dreg:$0x0];
	s2 =	stileid.u32  }
0x4f: {  	s1 =	rddreg [dreg:$0x1];
	p0 =	sne.s32 s2, $0x0  }
0x50: {  	s3 =	rddreg [dreg:$0x2];
	[bflag:$0x3] =	sbarrier.arrive $0xFFFF;
	s2 =	simm.s32 @!p0 $0x1C01  }
0x51: {  	[timem:s3], [sflag:s2] =	dma.local @!p0 [hbm:s0], s1  }
0x52: {  	s0 =	simm.s32 @!p0 $0x1  }
0x53: {  	_ =	swait.ge @!p0 [sflag:s0], s1  }
0x54: {  	s1 =	ssub.s32 @!p0 $0x0, s1;
	[sflag:s0] =	ssyncset.done @!p0 $0x0  }
0x55: {  	[sflag:s0] =	ssyncadd.s32 @!p0 s1  }
0x56: {  	[bflag:$0x3] =	sbarrier.arrive $0xFFFF  }
0x57: {  	_ =	shalt  }

// kernel: sparse-core-data-format-call.cloned.1.call-start
scs
called_computation_lowered:
.L_overlay_start_0:
0x0: {  	s2 =	sld [smem:$0x3FD9]  }
0x1: {  	s3 =	sld [smem:$0x3FFE];
	_ =	sdelay $0x1  }
0x2: {  	s1 =	srdreg.scid  }
0x3: {  	s0 =	sand.u32 $0x1, s1  }
0x4: {  	s18 =	sshll.u32 s0, $0xA;
	s2 =	sadd.s32 s3, s2  }
0x5: {  	s2 =	sadd.s32 s2, s18  }
0x6: {  	[smem:$0x3FC7] =	sst s2  }
0x7: {  	_ = 	snop  }
0x8: {  	s2 =	sld [smem:$0x3FD0];
	(tm) =	ssettm $0x1  }
0x9: {  	s19 =	sld [smem:$0x3FFB];
	_ =	sdelay $0x3  }
0xa: {  	_ =	strace s19  }
0xb: {  	s3 =	sld [smem:$0x3FFC];
	_ =	sdelay $0x3  }
0xc: {  	_ =	strace s3  }
0xd: {  	s3 =	sld [smem:$0x3FFD];
	_ =	sdelay $0x3  }
0xe: {  	_ =	strace s3  }
0xf: {  	_ =	strace $0x8FFFFFFF  }
0x10: {  	s20 =	sld [smem:$0x3FDB];
	_ =	sdelay $0x1  }
0x11: {  	s4 =	simm.s32 $_scs_section_size  }
0x12: {  	s5 =	simm.s32 $_size__tile_overlayer_lowered;
	s6 =	simm.s32 $_tile_overlayer_lowered  }
0x13: {  	s23 =	simm.s32 $0x1BFF;
	s22 =	sshll.u32 s6, $0x1;
	s3 =	sadd.s32 s4, s20  }
0x14: {  	s7 =	simm.s32 $0x0;
	s21 =	sshll.u32 s5, $0x1;
	s5 =	sadd.s32 s22, s3  }
0x15: {  	[timem:s7], [sflag:s23] =	dma.local [hbm:s5], s21  }
0x16: {  	_ =	swait.ge [sflag:s23], s21  }
0x17: {  	s4 =	ssub.s32 $0x0, s21;
	[sflag:s23] =	ssyncset.done $0x0  }
0x18: {  	[sflag:s23] =	ssyncadd.s32 s4;
	_ =	sdelay $0x1  }
0x19: {  	s24 =	simm.s32 $0x1B8B  }
0x1a: {  	_ =	swait.ge [sflag:s24], $0x1  }
0x1b: {  	[sflag:s24] =	ssyncset.done $0x0  }
0x1c: {  	s26 =	simm.s32 $0x1B8E;
	s25 =	sld [smem:$0x3FFE];
	[sflag:s24] =	ssyncadd.s32 $0xFFFFFFFF  }
0x1d: {  	s27 =	simm.s32 $execute0_lowered;
	[smem:$0x3FD2] =	sst s26  }
0x1e: {  	s5 =	sshll.u32 s27, $0x1;
	_ =	strace $0x80000049;
	[dreg:$0x1] =	wrdreg $0xFFFFFFFF  }
0x1f: {  	s28 =	simm.s32 $_size_execute0_lowered;
	s3 =	sadd.s32 s3, s5;
	[dreg:$0x0] =	wrdreg $0x0  }
0x20: {  	s5 =	sshll.u32 s28, $0x1;
	[dreg:$0x2] =	wrdreg s3  }
0x21: {  	[dreg:$0x3] =	wrdreg s5  }
0x22: {  	[dreg:$0x4] =	wrdreg $0xC0  }
0x23: {  	_ =	task [dreg:s7], $0x5FFFF  }
0x24: {  	[dreg:$0x1] =	wrdreg $0xFFFFFFFF  }
0x25: {  	[dreg:$0x0] =	wrdreg $0x60  }
0x26: {  	[dreg:$0x2] =	wrdreg s25  }
0x27: {  	[dreg:$0x3] =	wrdreg s2  }
0x28: {  	[dreg:$0x4] =	wrdreg $0x9  }
0x29: {  	_ =	task.clear_ibuf [dreg:s7], $0x5FFFF;
	_ =	strace $0x90000049  }
0x2a: {  	s29 =	simm.s32 $0x9;
	_ =	strace $0x8000004B  }
0x2b: {  	_ =	swait.ge [sflag:s29], $0x1  }
0x2c: {  	[sflag:s29] =	ssyncadd.s32 $0xFFFFFFFF  }
0x2d: {  	_ =	strace $0x9000004B  }
0x2e: {  	_ =	sfence  }
0x2f: {  	s30 =	sld [smem:$0x0];
	_ =	sdelay $0x2  }
0x30: {  	s31 =	sshll.u32 s1, $0xD;
	s1 =	sshrl.u32 s1, $0x2  }
0x31: {  	s3 =	sand.u32 $0x4000, s31;
	s1 =	sadd.s32 s1, s30  }
0x32: {  	s0 =	sor.u32 s3, s0;
	s1 =	sshll.u32 s1, $0x11  }
0x33: {  	s0 =	sor.u32 s1, s0  }
0x34: {  	s0 =	sadd.s32 $0x8F2B, s0  }
0x35: {  	[sflag:s0] =	ssyncadd.remote.s32 $0x1  }
0x36: {  	_ =	sfence.sel $0xFFFF  }
0x37: {  	[dreg:$0x0] =	wrdreg $0xFFFFFFFF;
	(pc) =	sbr.abs _section_cstart, $3  }
0x38: {  	[dreg:$0x1] =	wrdreg $0xFFFFFFFF  }
0x39: {  	_ =	task.clear_ibuf [dreg:s7], $0x2FFFF;
	_ =	strace $0x9FFFFFFF  }
0x3a: {  	(tm) =	ssettm $0x7FFFFFFF  }
0x3b: {  	_ =	shalt  }
tec
execute0_lowered:
.L_overlay_start_1:
0x0: {  	(tag) =	ssettag $0x1  }
0x1: {  	s1 =	rddreg [dreg:$0x0]  }
0x2: {  	s2 =	rddreg [dreg:$0x1]  }
0x3: {  	s0 =	rddreg [dreg:$0x2];
	_ =	strace $0x8000004A;
	s4 =	srdreg.scid  }
0x4: {  	s6 =	simm.s32 $0x2;
	s11 =	simm.s32 $0x0;
	p0 =	por $0x0, $0x0  }
.Ltmp0:
0x5: {  	s7 =	simm.s32 $0x10000;
	s12 =	simm.s32 $0x0;
	(pc) =	sbr.rel .LBB1_1-.Ltmp0, $4  }
0x6: {  	s9 =	simm.s32 $0x0;
	s3 =	sadd.s32 $0xE00, s1;
	s5 =	sshll.u32 s4, $0x4  }
0x7: {  	s1 =	stileid.u32;
	s4 =	simm.s32 $0x1;
	s5 =	sand.u32 $0x10, s5  }
0x8: {  	s8 =	simm.s32 $0x0;
	[sflag:s4] =	ssyncpa.u1 $0x0;
	s5 =	sor.u32 s1, s5  }
0x9: {  	[sflag:s6] =	ssyncpa.u1 $0x0;
	s6 =	simm.s32 $0x800;
	s10 =	smov.u32 s5  }
.LBB1_7:
0xa: {  	s13 =	sadd.s32 $0x10, s9  }
0xb: {  	s11 =	sadd.s32 $0x20, s10;
	s15 =	smov.u32 s10;
	p2 =	sgt.s32 s13, $0x1FF  }
0xc: {  	p1 =	slt.u32 s8, $0x2;
	s15 =	smov.u32 @p2 s11  }
0xd: {  	s8 =	sadd.s32 $0x1, s8;
	s13 =	simm.s32 @p2 $0x0;
	p2 =	sgt.s32 s15, $0x1F  }
0xe: {  	s15 =	smov.u32 @p2 s5;
	p2 =	sne.s32 s8, $0x22  }
.Ltmp1:
0xf: {  	_ = 	snop;
	(pc) =	sbr.rel @!p2 .LBB1_8-.Ltmp1, $4  }
0x10: {  	s14 =	simm.s32 @!p1 $0x2  }
0x11: {  	s12 =	smov.u32 s10;
	_ =	swait.ge @!p1 [sflag:s14], $0x4000  }
0x12: {  	p0 =	por !p0, !p0;
	s11 =	smov.u32 s9;
	[sflag:s14] =	ssyncset.done @!p1 $0x0  }
0x13: {  	s9 =	smov.u32 s13;
	[sflag:s14] =	ssyncadd.s32 @!p1 $0xFFFFC000;
	s10 =	smov.u32 s15  }
.LBB1_1:
0x14: {  	p1 =	sgt.u32 s8, $0x1F  }
0x15: {  	s13 =	sxor.u32 @!p1 $0xFFFFFFFF, s8;
	s14 =	sshll.u32 @!p1 s10, $0x10  }
0x16: {  	s15 =	sshll.u32 @!p1 s9, $0x7;
	s13 =	sshll.u32 @!p1 s13, $0xE;
	s14 =	sadd.s32 @!p1 s3, s14  }
0x17: {  	s13 =	sand.u32 @!p1 $0x4000, s13;
	s14 =	sadd.s32 @!p1 s15, s14;
	s15 =	simm.s32 @!p1 $0x0  }
0x18: {  	[tilespmem:s13], [sflag:$0x1] =	stream.linear.gather @!p1 [hbm4b:s14+s15], $0x4000, $0x38;
	[tilespmem:$0x10000] =	vst v63  }
0x19: {  	p1 =	seq.s32 s8, $0x0  }
0x1a: {  	p2 =	seq.s32 @!p1 s8, $0x21  }
0x1b: {  	p1 =	por p1, p2  }
.Ltmp2:
0x1c: {  	_ = 	snop;
	(pc) =	sbr.rel @p1 .LBB1_7-.Ltmp2, $1  }
0x1d: {  	_ =	sdelay $0x3  }
0x1e: {  	s13 =	simm.s32 $0x1;
	_ =	swait.ge [sflag:s4], $0x4000;
	s16 =	sshll.u32 s8, $0xE  }
0x1f: {  	s13 =	simm.s32 @!p0 $0x0;
	[sflag:s4] =	ssyncset.done $0x0;
	s31 =	sand.u32 $0x4000, s16  }
0x20: {  	s16 =	simm.s32 $0x0;
	s14 =	sshll.u32 s13, $0xE;
	[sflag:s4] =	ssyncadd.s32 $0xFFFFC000  }
0x21: {  	s13 =	sor.u32 $0x8040, s14;
	s15 =	sor.u32 $0x40, s14;
	s14 =	sor.u32 $0x8000, s31  }
.LBB1_3:
0x22: {  	v0 =	vmov s15;
	_ =	sdelay $0x3  }
0x23: {  	s18 =	simm.s32 $0x0  }
0x24: {  	v6 =	vld.idx.msk [tilespmem:v0+s18+$0x30 ss:$0x1], $0xffff  }
0x25: {  	v7 =	vld.idx.msk [tilespmem:v0+s18+$0xFFFFFFC0 ss:$0x1], $0xffff  }
0x26: {  	v5 =	vld.idx.msk [tilespmem:v0+s18+$0xFFFFFFD0 ss:$0x1], $0xffff  }
0x27: {  	v4 =	vld.idx.msk [tilespmem:v0+s18+$0xFFFFFFE0 ss:$0x1], $0xffff  }
0x28: {  	v3 =	vld.idx.msk [tilespmem:v0+s18+$0xFFFFFFF0 ss:$0x1], $0xffff  }
0x29: {  	v1 =	vld.idx.msk [tilespmem:v0+s18+$0x0 ss:$0x1], $0xffff  }
0x2a: {  	v2 =	vld.idx.msk [tilespmem:v0+s18+$0x10 ss:$0x1], $0xffff;
	[tilespmem:s13+$0x30] =	vst v6  }
0x2b: {  	s17 =	simm.s32 $0x80;
	s19 =	simm.s32 $0x400;
	[tilespmem:s13+$0xFFFFFFC0] =	vst v7;
	v6 =	vld.idx.msk [tilespmem:v0+s18+$0x20 ss:$0x1], $0xffff;
	s18 =	smov.u32 s13  }
.LBB1_4:
0x2c: {  	p1 =	sne.s32 s19, $0xE00;
	v7 =	vld.idx.msk [tilespmem:v0+s17+$0x30 ss:$0x1], $0xffff;
	[tilespmem:s18+$0xFFFFFFD0] =	vst v5  }
0x2d: {  	v8 =	vld.idx.msk [tilespmem:v0+s17+$0xFFFFFFC0 ss:$0x1], $0xffff;
	[tilespmem:s18+$0xFFFFFFE0] =	vst v4  }
0x2e: {  	v5 =	vld.idx.msk [tilespmem:v0+s17+$0xFFFFFFD0 ss:$0x1], $0xffff;
	[tilespmem:s18+$0xFFFFFFF0] =	vst v3  }
.Ltmp3:
0x2f: {  	v4 =	vld.idx.msk [tilespmem:v0+s17+$0xFFFFFFE0 ss:$0x1], $0xffff;
	[tilespmem:s18+$0x0] =	vst v1;
	(pc) =	sbr.rel @p1 .LBB1_4-.Ltmp3, $4  }
0x30: {  	v3 =	vld.idx.msk [tilespmem:v0+s17+$0xFFFFFFF0 ss:$0x1], $0xffff;
	[tilespmem:s18+$0x10] =	vst v2  }
0x31: {  	v1 =	vld.idx.msk [tilespmem:v0+s17+$0x0 ss:$0x1], $0xffff;
	[tilespmem:s18+$0x20] =	vst v6;
	s18 =	sadd.s32 $0x800, s18  }
0x32: {  	v2 =	vld.idx.msk [tilespmem:v0+s17+$0x10 ss:$0x1], $0xffff;
	[tilespmem:s18+$0x30] =	vst v7  }
0x33: {  	[tilespmem:s18+$0xFFFFFFC0] =	vst v8;
	v6 =	vld.idx.msk [tilespmem:v0+s17+$0x20 ss:$0x1], $0xffff;
	s17 =	sshra.s32 s19, $0x2;
	s19 =	sadd.s32 $0x200, s19  }
0x34: {  	_ =	sdelay $0x2  }
0x35: {  	[tilespmem:s18+$0xFFFFFFD0] =	vst v5  }
0x36: {  	v56 =	vld.idx.msk [tilespmem:v0+s17+$0x30 ss:$0x1], $0xffff;
	[tilespmem:s18+$0xFFFFFFE0] =	vst v4  }
0x37: {  	v57 =	vld.idx.msk [tilespmem:v0+s17+$0xFFFFFFC0 ss:$0x1], $0xffff;
	[tilespmem:s18+$0xFFFFFFF0] =	vst v3  }
0x38: {  	v58 =	vld.idx.msk [tilespmem:v0+s17+$0xFFFFFFD0 ss:$0x1], $0xffff;
	[tilespmem:s18+$0x0] =	vst v1  }
0x39: {  	v59 =	vld.idx.msk [tilespmem:v0+s17+$0xFFFFFFE0 ss:$0x1], $0xffff;
	[tilespmem:s18+$0x10] =	vst v2  }
0x3a: {  	v60 =	vld.idx.msk [tilespmem:v0+s17+$0xFFFFFFF0 ss:$0x1], $0xffff;
	s31 =	sadd.s32 $0x800, s18;
	[tilespmem:s18+$0x20] =	vst v6  }
0x3b: {  	v61 =	vld.idx.msk [tilespmem:v0+s17+$0x0 ss:$0x1], $0xffff;
	[tilespmem:s31+$0x30] =	vst v56  }
0x3c: {  	v62 =	vld.idx.msk [tilespmem:v0+s17+$0x10 ss:$0x1], $0xffff;
	s16 =	sadd.s32 $0x1, s16;
	[tilespmem:s31+$0xFFFFFFC0] =	vst v57  }
0x3d: {  	v63 =	vld.idx.msk [tilespmem:v0+s17+$0x20 ss:$0x1], $0xffff;
	p1 =	sne.s32 s16, $0x10;
	[tilespmem:s31+$0xFFFFFFD0] =	vst v58  }
.Ltmp4:
0x3e: {  	[tilespmem:s31+$0xFFFFFFE0] =	vst v59;
	(pc) =	sbr.rel @p1 .LBB1_3-.Ltmp4, $4  }
0x3f: {  	[tilespmem:s31+$0xFFFFFFF0] =	vst v60  }
0x40: {  	[tilespmem:s31+$0x0] =	vst v61  }
0x41: {  	[tilespmem:s31+$0x10] =	vst v62  }
0x42: {  	s13 =	sadd.s32 $0x80, s13;
	s15 =	sadd.s32 $0x400, s15;
	[tilespmem:s31+$0x20] =	vst v63  }
.Ltmp5:
0x43: {  	(pc) =	sbr.rel .LBB1_7-.Ltmp5, $4  }
0x44: {  	s12 =	sshll.u32 s12, $0x10;
	s11 =	sshll.u32 s11, $0x4  }
0x45: {  	s11 =	sand.u32 $0x1FF0, s11;
	s12 =	sadd.s32 s2, s12  }
0x46: {  	s11 =	sadd.s32 s11, s12  }
0x47: {  	[hbm4b:s11+s6] =	stream.strided.scatter [tilespmem:s14], [sflag:$0x2], $0x4000, s7, s6, $0x38;
	[tilespmem:$0x10000] =	vst v63  }
.LBB1_8:
0x48: {  	_ =	sfence.sel $0x180000  }
0x49: {  	s2 =	simm.s32 $0x1;
	[bflag:$0x0] =	sbarrier.arrive $0xFFFF  }
0x4a: {  	s31 =	simm.s32 $0x2;
	[sflag:s2] =	ssyncpa.u1 $0x1  }
0x4b: {  	[sflag:s31] =	ssyncpa.u1 $0x1  }
0x4c: {  	p0 =	sne.s32 s1, $0x0;
	_ =	strace $0x9000004A  }
0x4d: {  	s0 =	sadd.s32 @!p0 $0x100000, s0;
	[bflag:$0x2] =	sbarrier.arrive $0xFFFF  }
0x4e: {  	[sflag:s0] =	ssyncadd.tile.s32 @!p0 $0x1;
	_ =	shalt  }
.Lfunc_end1:
_tile_overlayer_lowered:
.L_overlay_start_2:
0x4f: {  	(tag) =	ssettag $0x2  }
0x50: {  	s0 =	rddreg [dreg:$0x0];
	s2 =	stileid.u32  }
0x51: {  	s1 =	rddreg [dreg:$0x1];
	p0 =	sne.s32 s2, $0x0  }
0x52: {  	s3 =	rddreg [dreg:$0x2];
	[bflag:$0x3] =	sbarrier.arrive $0xFFFF;
	s2 =	simm.s32 @!p0 $0x1C01  }
0x53: {  	[timem:s3], [sflag:s2] =	dma.local @!p0 [hbm:s0], s1  }
0x54: {  	s0 =	simm.s32 @!p0 $0x1  }
0x55: {  	_ =	swait.ge @!p0 [sflag:s0], s1  }
0x56: {  	s1 =	ssub.s32 @!p0 $0x0, s1;
	[sflag:s0] =	ssyncset.done @!p0 $0x0  }
0x57: {  	[sflag:s0] =	ssyncadd.s32 @!p0 s1  }
0x58: {  	[bflag:$0x3] =	sbarrier.arrive $0xFFFF  }
0x59: {  	_ =	shalt  }

</sc_bundles>
